<compile_context>
chip_gen: v7x
topology: tpu7x:2x2x1
jax: 0.10.2.dev20260603
libtpu: 0.0.44.dev20260713+nightly
codegen_flags: <defaults>
</compile_context>

<pallas_src>
import functools

import jax
import jax.numpy as jnp
from jax import lax
from jax.experimental import pallas as pl
from jax.experimental.pallas import tpu as pltpu
from jax.experimental.pallas import tpu_sc as plsc

N_NODES = 10000
N_EDGES = 320000
D = 128

NC = 2
NS = 16
NW = NC * NS

CHUNK = 128
N_CHUNKS = N_EDGES // CHUNK
BASE_CH = N_CHUNKS // NW
EXTRA_CH = N_CHUNKS % NW

N_PAD = 10240
ROWS_PER_TILE = N_PAD // NS
DEG_W = 16

_SC_MESH = plsc.VectorSubcoreMesh(core_axis_name="c", subcore_axis_name="s")



@functools.partial(
    pl.kernel,
    out_type=jax.ShapeDtypeStruct((NC, N_PAD, DEG_W), jnp.float32),
    mesh=_SC_MESH,
    scratch_types=[
        pltpu.VMEM((CHUNK,), jnp.int32),
        pltpu.VMEM((CHUNK, DEG_W), jnp.float32),
        pltpu.VMEM_SHARED((N_PAD, DEG_W), jnp.float32),
    ],
)
def _sc_deg(dst_hbm, zdeg_hbm, out_hbm, dst_i, ones_v, deg_sh):
    c = lax.axis_index("c")
    s = lax.axis_index("s")
    wid = s * NC + c

    ones16 = jnp.ones((16,), jnp.float32)

    def ones_body(i, cc):
        ones_v[i, :] = ones16
        return cc

    lax.fori_loop(0, CHUNK, ones_body, 0)

    r0 = s * ROWS_PER_TILE
    pltpu.sync_copy(zdeg_hbm.at[pl.ds(r0, ROWS_PER_TILE)],
                    deg_sh.at[pl.ds(r0, ROWS_PER_TILE)])
    plsc.subcore_barrier()

    nj = BASE_CH + jnp.where(wid < EXTRA_CH, 1, 0)

    def body(j, cc):
        ch = wid + NW * j
        pltpu.sync_copy(dst_hbm.at[pl.ds(ch * CHUNK, CHUNK)], dst_i)
        pltpu.sync_copy(ones_v, deg_sh.at[dst_i], add=True)
        return cc

    lax.fori_loop(0, nj, body, 0)
    plsc.subcore_barrier()
    pltpu.sync_copy(deg_sh.at[pl.ds(r0, ROWS_PER_TILE)],
                    out_hbm.at[c, pl.ds(r0, ROWS_PER_TILE)])


@functools.partial(
    pl.kernel,
    out_type=jax.ShapeDtypeStruct((NC, N_PAD, D), jnp.float32),
    mesh=_SC_MESH,
    scratch_types=[
        pltpu.VMEM((CHUNK,), jnp.int32),
        pltpu.VMEM((CHUNK,), jnp.int32),
        pltpu.VMEM((CHUNK, D), jnp.float32),
        pltpu.VMEM((CHUNK, D), jnp.float32),
        pltpu.VMEM_SHARED((N_PAD, D), jnp.float32),
        pltpu.SemaphoreType.DMA,
    ],
)
def _sc_agg(h_hbm, sig_hbm, src_hbm, dst_hbm, zrow_hbm, out_hbm,
            src_i, dst_i, rows_v, sig_v, agg_sh, sem):
    c = lax.axis_index("c")
    s = lax.axis_index("s")
    wid = s * NC + c

    r0 = s * ROWS_PER_TILE
    pltpu.sync_copy(zrow_hbm.at[pl.ds(r0, ROWS_PER_TILE)],
                    agg_sh.at[pl.ds(r0, ROWS_PER_TILE)])
    plsc.subcore_barrier()

    nj = BASE_CH + jnp.where(wid < EXTRA_CH, 1, 0)

    def body(j, cc):
        ch = wid + NW * j
        base = ch * CHUNK
        pltpu.sync_copy(src_hbm.at[pl.ds(base, CHUNK)], src_i)
        pltpu.sync_copy(dst_hbm.at[pl.ds(base, CHUNK)], dst_i)
        pltpu.sync_copy(sig_hbm.at[pl.ds(base, CHUNK)], sig_v)
        pltpu.async_copy(h_hbm.at[src_i], rows_v, sem).wait()

        def mrow(r, rc):
            for q in range(D // 16):
                sl = pl.ds(q * 16, 16)
                rows_v[r, sl] = rows_v[r, sl] * sig_v[r, sl]
            return rc

        lax.fori_loop(0, CHUNK, mrow, 0)
        pltpu.sync_copy(rows_v, agg_sh.at[dst_i], add=True)
        return cc

    lax.fori_loop(0, nj, body, 0)
    plsc.subcore_barrier()
    pltpu.sync_copy(agg_sh.at[pl.ds(r0, ROWS_PER_TILE)],
                    out_hbm.at[c, pl.ds(r0, ROWS_PER_TILE)])



def _h0_body(h_ref, w_ref, b_ref, o_ref):
    o_ref[...] = (jnp.dot(h_ref[...], w_ref[...],
                          preferred_element_type=jnp.float32) + b_ref[...])


def _sig_body(e_ref, w_ref, b_ref, o_ref):
    z = (jnp.dot(e_ref[...], w_ref[...],
                 preferred_element_type=jnp.float32) + b_ref[...])
    o_ref[...] = 1.0 / (1.0 + jnp.exp(-z))


def _layer_core(h, agg0, agg1, invd, w1, w2, b, g, bt):
    agg = (agg0 + agg1) * invd
    z = (jnp.dot(h, w1, preferred_element_type=jnp.float32)
         + jnp.dot(agg, w2, preferred_element_type=jnp.float32) + b)
    nrm = jnp.sqrt(jnp.sum(z * z, axis=1, keepdims=True))
    z = z / (nrm + 1e-12)
    z = jnp.maximum(z, 0.0)
    mu = jnp.mean(z, axis=0, keepdims=True)
    dv = z - mu
    var = jnp.mean(dv * dv, axis=0, keepdims=True)
    hn = g * dv * lax.rsqrt(var + 1e-5) + bt
    return h + hn


def _layer_body(h_ref, agg_ref, invd_ref, w1_ref, w2_ref, b_ref, g_ref,
                bt_ref, o_ref):
    o_ref[...] = _layer_core(h_ref[...], agg_ref[0], agg_ref[1], invd_ref[...],
                             w1_ref[...], w2_ref[...], b_ref[...], g_ref[...],
                             bt_ref[...])


def _last_body(h_ref, agg_ref, invd_ref, w1_ref, w2_ref, b_ref, g_ref,
               bt_ref, wm0_ref, bm0_ref, wm1_ref, bm1_ref, wm2_ref, bm2_ref,
               o_ref):
    hN = _layer_core(h_ref[...], agg_ref[0], agg_ref[1], invd_ref[...],
                     w1_ref[...], w2_ref[...], b_ref[...], g_ref[...],
                     bt_ref[...])
    hg = jnp.mean(hN, axis=0, keepdims=True)
    x = jnp.maximum(jnp.dot(hg, wm0_ref[...],
                            preferred_element_type=jnp.float32)
                    + bm0_ref[...], 0.0)
    x = jnp.maximum(jnp.dot(x, wm1_ref[...],
                            preferred_element_type=jnp.float32)
                    + bm1_ref[...], 0.0)
    o_ref[...] = (jnp.dot(x, wm2_ref[...], preferred_element_type=jnp.float32)
                  + bm2_ref[...])


_SIG_RB = 3200


def kernel(h, e, edge_index, Wh, bh, We, be, Wl, bl, gamma, beta,
           Wm0, bm0, Wm1, bm1, Wm2, bm2):
    src = edge_index[0]
    dst = edge_index[1]

    h0 = pl.pallas_call(
        _h0_body,
        out_shape=jax.ShapeDtypeStruct((N_NODES, D), jnp.float32),
    )(h, Wh, bh.reshape(1, D))

    sig = pl.pallas_call(
        _sig_body,
        grid=(N_EDGES // _SIG_RB,),
        in_specs=[
            pl.BlockSpec((_SIG_RB, 16), lambda i: (i, 0)),
            pl.BlockSpec((16, D), lambda i: (0, 0)),
            pl.BlockSpec((1, D), lambda i: (0, 0)),
        ],
        out_specs=pl.BlockSpec((_SIG_RB, D), lambda i: (i, 0)),
        out_shape=jax.ShapeDtypeStruct((N_EDGES, D), jnp.float32),
    )(e, We, be.reshape(1, D))

    zrow = jnp.zeros((N_PAD, D), jnp.float32)
    zdeg = jnp.zeros((N_PAD, DEG_W), jnp.float32)

    degp = _sc_deg(dst, zdeg)
    deg = jnp.maximum(degp[0, :N_NODES, 0] + degp[1, :N_NODES, 0], 1.0)
    invd = (1.0 / deg)[:, None]

    hc = h0
    for i in range(4):
        agg2 = _sc_agg(hc, sig, src, dst, zrow)[:, :N_NODES, :]
        w1 = Wl[i, :D]
        w2 = Wl[i, D:]
        b2 = bl[i].reshape(1, D)
        g2 = gamma[i].reshape(1, D)
        bt2 = beta[i].reshape(1, D)
        if i < 3:
            hc = pl.pallas_call(
                _layer_body,
                out_shape=jax.ShapeDtypeStruct((N_NODES, D), jnp.float32),
            )(hc, agg2, invd, w1, w2, b2, g2, bt2)
        else:
            scores = pl.pallas_call(
                _last_body,
                out_shape=jax.ShapeDtypeStruct((1, 10), jnp.float32),
            )(hc, agg2, invd, w1, w2, b2, g2, bt2,
              Wm0, bm0.reshape(1, -1), Wm1, bm1.reshape(1, -1),
              Wm2, bm2.reshape(1, -1))
    return scores

# --- scband reference (transcript-rebuilt; emitter-appended) ---
"""Pipeline reference for scband-graph-sage-net-62380105007960 (READ-ONLY COPY).

The authoritative reference and input builder live on the scoring server;
editing this copy changes nothing except your own understanding.
"""

import jax, jax.numpy as jnp
import numpy as np

N_NODES = 10000
N_EDGES = 320000
IN_DIM = 128
EDGE_DIM = 16
HIDDEN = 128
OUT_DIM = 128
N_CLASSES = 10
N_LAYERS = 4

def _lin(k, i, o):
    k1, k2 = jax.random.split(k)
    s = 1.0 / np.sqrt(i)
    W = jax.random.uniform(k1, (i, o), jnp.float32, -s, s)
    b = jax.random.uniform(k2, (o,), jnp.float32, -s, s)
    return W, b

def setup_inputs(seed: int = 0):
    key = jax.random.key(seed)
    ks = jax.random.split(key, 16)
    h = jax.random.normal(ks[0], (N_NODES, IN_DIM), jnp.float32)
    e = jax.random.normal(ks[1], (N_EDGES, EDGE_DIM), jnp.float32)
    edge_index = jax.random.randint(ks[2], (2, N_EDGES), 0, N_NODES, jnp.int32)
    Wh, bh = _lin(ks[3], IN_DIM, HIDDEN)
    We, be = _lin(ks[4], EDGE_DIM, HIDDEN)
    Wl_list, bl_list = [], []
    for i in range(N_LAYERS):
        W, b = _lin(jax.random.fold_in(ks[5], i), 2 * HIDDEN, HIDDEN)
        Wl_list.append(W)
        bl_list.append(b)
    Wl = jnp.stack(Wl_list)
    bl = jnp.stack(bl_list)
    gamma = jnp.ones((N_LAYERS, HIDDEN), jnp.float32)
    beta = jnp.zeros((N_LAYERS, HIDDEN), jnp.float32)
    Wm0, bm0 = _lin(ks[6], OUT_DIM, OUT_DIM // 2)
    Wm1, bm1 = _lin(ks[7], OUT_DIM // 2, OUT_DIM // 4)
    Wm2, bm2 = _lin(ks[8], OUT_DIM // 4, N_CLASSES)
    return {"h": h, "e": e, "edge_index": edge_index, "Wh": Wh, "bh": bh, "We": We, "be": be, "Wl": Wl, "bl": bl, "gamma": gamma, "beta": beta, "Wm0": Wm0, "bm0": bm0, "Wm1": Wm1, "bm1": bm1, "Wm2": Wm2, "bm2": bm2}

def reference(h, e, edge_index, Wh, bh, We, be, Wl, bl, gamma, beta, Wm0, bm0, Wm1, bm1, Wm2, bm2):
    src = edge_index[0]
    dst = edge_index[1]
    h = h @ Wh + bh
    e = e @ We + be
    deg = jnp.zeros((h.shape[0],), h.dtype).at[dst].add(1.0)
    deg = jnp.maximum(deg, 1.0)[:, None]
    for i in range(N_LAYERS):
        h_in = h
        m = h[src] * jax.nn.sigmoid(e)
        agg = jnp.zeros_like(h).at[dst].add(m) / deg
        bundle = jnp.concatenate([h, agg], axis=1)
        hn = bundle @ Wl[i] + bl[i]
        hn = hn / (jnp.linalg.norm(hn, axis=1, keepdims=True) + 1e-12)
        hn = jax.nn.relu(hn)
        mu = hn.mean(axis=0)
        var = hn.var(axis=0)
        hn = gamma[i] * (hn - mu) / jnp.sqrt(var + 1e-5) + beta[i]
        h = h_in + hn
    hg = jnp.mean(h, axis=0, keepdims=True)
    x = jax.nn.relu(hg @ Wm0 + bm0)
    x = jax.nn.relu(x @ Wm1 + bm1)
    scores = x @ Wm2 + bm2
    return scores

if __name__ == "__main__":
    import jax
    _d = setup_inputs()
    print(jax.jit(kernel)(*tuple(_d.values())))

</pallas_src>

<mosaic_0001>
#map = affine_map<(d0, d1) -> (0, 0)>
#map1 = affine_map<(d0, d1) -> (0)>
#map2 = affine_map<(d0, d1) -> (0, 0, 0)>
module attributes {stable_mosaic.version = 14 : i64} {
  func.func @_sc_agg(%arg0: i32, %arg1: i32, %arg2: memref<10000x128xf32, #tpu.memory_space<hbm>>, %arg3: memref<320000x128xf32, #tpu.memory_space<hbm>>, %arg4: memref<320000xi32, #tpu.memory_space<hbm>>, %arg5: memref<320000xi32, #tpu.memory_space<hbm>>, %arg6: memref<10240x128xf32, #tpu.memory_space<hbm>>, %arg7: memref<2x10240x128xf32, #tpu.memory_space<hbm>>, %arg8: memref<128xi32, #tpu.memory_space<vmem>>, %arg9: memref<128xi32, #tpu.memory_space<vmem>>, %arg10: memref<128x128xf32, #tpu.memory_space<vmem>>, %arg11: memref<128x128xf32, #tpu.memory_space<vmem>>, %arg12: memref<10240x128xf32, #tpu.memory_space<vmem_shared>>, %arg13: memref<!tpu.dma_semaphore, #tpu.memory_space<semaphore_mem>>) attributes {dimension_semantics = [#tpu.dimension_semantics<core_parallel>, #tpu.dimension_semantics<subcore_parallel>], iteration_bounds = array<i64: 2, 16>, scalar_prefetch = 0 : i64, scratch_operands = 6 : i64, tpu.core_type = #tpu.core_type<sc_vector_subcore>, window_params = [{transform_indices = #map}, {transform_indices = #map}, {transform_indices = #map1}, {transform_indices = #map1}, {transform_indices = #map}, {transform_indices = #map2}]} {
    %mul3A = arith.constant 2 : i32
    %mul3A_0 = arith.muli %arg1, %mul3A : i32
    %add3A = arith.addi %mul3A_0, %arg0 : i32
    %mul3A_1 = arith.constant 640 : i32
    %mul3A_2 = arith.muli %arg1, %mul3A_1 : i32
    "tpu.region"() ({
      %run_scoped3A = tpu.sem_alloc : memref<!tpu.dma_semaphore, #tpu.memory_space<semaphore_mem>>
      %dma_start3A = arith.constant 0 : i32
      %dma_start3A_17 = tpu.memref_slice %arg12[%mul3A_2, %dma_start3A] : memref<10240x128xf32, #tpu.memory_space<vmem_shared>> -> memref<640x128xf32, #tpu.memory_space<vmem_shared>>
      %dma_start3A_18 = arith.constant 0 : i32
      %dma_start3A_19 = tpu.memref_slice %arg6[%mul3A_2, %dma_start3A_18] : memref<10240x128xf32, #tpu.memory_space<hbm>> -> memref<640x128xf32, #tpu.memory_space<hbm>>
      tpu.enqueue_dma source(%dma_start3A_19 : memref<640x128xf32, #tpu.memory_space<hbm>>) target(%dma_start3A_17 : memref<640x128xf32, #tpu.memory_space<vmem_shared>>) target_semaphore(%run_scoped3A : memref<!tpu.dma_semaphore, #tpu.memory_space<semaphore_mem>>)
      %dma_wait3A = arith.constant 0 : i32
      %dma_wait3A_20 = tpu.memref_slice %arg12[%mul3A_2, %dma_wait3A] : memref<10240x128xf32, #tpu.memory_space<vmem_shared>> -> memref<640x128xf32, #tpu.memory_space<vmem_shared>>
      %dma_wait3A_21 = arith.constant 0 : i32
      %dma_wait3A_22 = tpu.memref_slice %arg6[%mul3A_2, %dma_wait3A_21] : memref<10240x128xf32, #tpu.memory_space<hbm>> -> memref<640x128xf32, #tpu.memory_space<hbm>>
      tpu.wait_dma2 semaphore(%run_scoped3A : memref<!tpu.dma_semaphore, #tpu.memory_space<semaphore_mem>>) src(%dma_wait3A_22 : memref<640x128xf32, #tpu.memory_space<hbm>>) dst(%dma_wait3A_20 : memref<640x128xf32, #tpu.memory_space<vmem_shared>>)
      tpu.yield
    }) : () -> ()
    %barrier3A = arith.constant 0 : index
    tpu.barrier barrier_id(%barrier3A)
    %lt3A = arith.constant 4 : i32
    %lt3A_3 = arith.cmpi slt, %add3A, %lt3A : i32
    %jit3A = arith.constant 1 : i32
    %jit3A_4 = arith.constant 0 : i32
    %select_n3A = arith.select %lt3A_3, %jit3A, %jit3A_4 : i32
    %add3A_5 = arith.constant 78 : i32
    %add3A_6 = arith.addi %add3A_5, %select_n3A : i32
    %while3A = arith.constant 0 : i32
    %while3A_7 = arith.constant 0 : i32
    %while3A_8 = arith.subi %add3A_6, %while3A_7 : i32
    %while3A_9 = arith.addi %while3A_7, %while3A_8 : i32
    %while3A_10 = arith.constant 1 : i32
    %while3A_11 = arith.divsi %while3A_8, %while3A_10 : i32
    %while3A_12 = arith.muli %while3A_11, %while3A_10 : i32
    %while3A_13 = arith.addi %while3A_7, %while3A_12 : i32
    %while3A_14 = arith.constant 1 : i32
    scf.for %while3A_17 = %while3A_7 to %while3A_13 step %while3A_14  : i32 {
      %mul3A_18 = arith.constant 32 : i32
      %mul3A_19 = arith.muli %mul3A_18, %while3A_17 : i32
      %add3A_20 = arith.addi %add3A, %mul3A_19 : i32
      %mul3A_21 = arith.constant 128 : i32
      %mul3A_22 = arith.muli %add3A_20, %mul3A_21 : i32
      "tpu.region"() ({
        %run_scoped3A = tpu.sem_alloc : memref<!tpu.dma_semaphore, #tpu.memory_space<semaphore_mem>>
        %dma_start3A_32 = tpu.memref_slice %arg4[%mul3A_22] : memref<320000xi32, #tpu.memory_space<hbm>> -> memref<128xi32, #tpu.memory_space<hbm>>
        %dma_start3A_33 = tpu.memref_slice %arg4[%mul3A_22] : memref<320000xi32, #tpu.memory_space<hbm>> -> memref<128xi32, #tpu.memory_space<hbm>>
        tpu.enqueue_dma source(%dma_start3A_33 : memref<128xi32, #tpu.memory_space<hbm>>) target(%arg8 : memref<128xi32, #tpu.memory_space<vmem>>) target_semaphore(%run_scoped3A : memref<!tpu.dma_semaphore, #tpu.memory_space<semaphore_mem>>)
        %dma_wait3A_34 = tpu.memref_slice %arg4[%mul3A_22] : memref<320000xi32, #tpu.memory_space<hbm>> -> memref<128xi32, #tpu.memory_space<hbm>>
        %dma_wait3A_35 = tpu.memref_slice %arg4[%mul3A_22] : memref<320000xi32, #tpu.memory_space<hbm>> -> memref<128xi32, #tpu.memory_space<hbm>>
        tpu.wait_dma2 semaphore(%run_scoped3A : memref<!tpu.dma_semaphore, #tpu.memory_space<semaphore_mem>>) src(%dma_wait3A_35 : memref<128xi32, #tpu.memory_space<hbm>>) dst(%arg8 : memref<128xi32, #tpu.memory_space<vmem>>)
        tpu.yield
      }) : () -> ()
      "tpu.region"() ({
        %run_scoped3A = tpu.sem_alloc : memref<!tpu.dma_semaphore, #tpu.memory_space<semaphore_mem>>
        %dma_start3A_32 = tpu.memref_slice %arg5[%mul3A_22] : memref<320000xi32, #tpu.memory_space<hbm>> -> memref<128xi32, #tpu.memory_space<hbm>>
        %dma_start3A_33 = tpu.memref_slice %arg5[%mul3A_22] : memref<320000xi32, #tpu.memory_space<hbm>> -> memref<128xi32, #tpu.memory_space<hbm>>
        tpu.enqueue_dma source(%dma_start3A_33 : memref<128xi32, #tpu.memory_space<hbm>>) target(%arg9 : memref<128xi32, #tpu.memory_space<vmem>>) target_semaphore(%run_scoped3A : memref<!tpu.dma_semaphore, #tpu.memory_space<semaphore_mem>>)
        %dma_wait3A_34 = tpu.memref_slice %arg5[%mul3A_22] : memref<320000xi32, #tpu.memory_space<hbm>> -> memref<128xi32, #tpu.memory_space<hbm>>
        %dma_wait3A_35 = tpu.memref_slice %arg5[%mul3A_22] : memref<320000xi32, #tpu.memory_space<hbm>> -> memref<128xi32, #tpu.memory_space<hbm>>
        tpu.wait_dma2 semaphore(%run_scoped3A : memref<!tpu.dma_semaphore, #tpu.memory_space<semaphore_mem>>) src(%dma_wait3A_35 : memref<128xi32, #tpu.memory_space<hbm>>) dst(%arg9 : memref<128xi32, #tpu.memory_space<vmem>>)
        tpu.yield
      }) : () -> ()
      "tpu.region"() ({
        %run_scoped3A = tpu.sem_alloc : memref<!tpu.dma_semaphore, #tpu.memory_space<semaphore_mem>>
        %dma_start3A_32 = arith.constant 0 : i32
        %dma_start3A_33 = tpu.memref_slice %arg3[%mul3A_22, %dma_start3A_32] : memref<320000x128xf32, #tpu.memory_space<hbm>> -> memref<128x128xf32, #tpu.memory_space<hbm>>
        %dma_start3A_34 = arith.constant 0 : i32
        %dma_start3A_35 = tpu.memref_slice %arg3[%mul3A_22, %dma_start3A_34] : memref<320000x128xf32, #tpu.memory_space<hbm>> -> memref<128x128xf32, #tpu.memory_space<hbm>>
        tpu.enqueue_dma source(%dma_start3A_35 : memref<128x128xf32, #tpu.memory_space<hbm>>) target(%arg11 : memref<128x128xf32, #tpu.memory_space<vmem>>) target_semaphore(%run_scoped3A : memref<!tpu.dma_semaphore, #tpu.memory_space<semaphore_mem>>)
        %dma_wait3A_36 = arith.constant 0 : i32
        %dma_wait3A_37 = tpu.memref_slice %arg3[%mul3A_22, %dma_wait3A_36] : memref<320000x128xf32, #tpu.memory_space<hbm>> -> memref<128x128xf32, #tpu.memory_space<hbm>>
        %dma_wait3A_38 = arith.constant 0 : i32
        %dma_wait3A_39 = tpu.memref_slice %arg3[%mul3A_22, %dma_wait3A_38] : memref<320000x128xf32, #tpu.memory_space<hbm>> -> memref<128x128xf32, #tpu.memory_space<hbm>>
        tpu.wait_dma2 semaphore(%run_scoped3A : memref<!tpu.dma_semaphore, #tpu.memory_space<semaphore_mem>>) src(%dma_wait3A_39 : memref<128x128xf32, #tpu.memory_space<hbm>>) dst(%arg11 : memref<128x128xf32, #tpu.memory_space<vmem>>)
        tpu.yield
      }) : () -> ()
      %dma_start3A = arith.constant 0 : i32
      %dma_start3A_23 = arith.constant 0 : i32
      %dma_start3A_24 = tpu.memref_slice %arg2[%dma_start3A, %dma_start3A_23] : memref<10000x128xf32, #tpu.memory_space<hbm>> -> memref<10000x128xf32, #tpu.memory_space<hbm>>
      tpu.enqueue_indirect_dma source(%dma_start3A_24 : memref<10000x128xf32, #tpu.memory_space<hbm>>) target(%arg10 : memref<128x128xf32, #tpu.memory_space<vmem>>) offsets(%arg8 : memref<128xi32, #tpu.memory_space<vmem>>) semaphore(%arg13 : memref<!tpu.dma_semaphore, #tpu.memory_space<semaphore_mem>>)
      %dma_wait3A = arith.constant 0 : i32
      %dma_wait3A_25 = arith.constant 0 : i32
      %dma_wait3A_26 = tpu.memref_slice %arg2[%dma_wait3A, %dma_wait3A_25] : memref<10000x128xf32, #tpu.memory_space<hbm>> -> memref<10000x128xf32, #tpu.memory_space<hbm>>
      tpu.wait_indirect_dma semaphore(%arg13 : memref<!tpu.dma_semaphore, #tpu.memory_space<semaphore_mem>>) src(%dma_wait3A_26 : memref<10000x128xf32, #tpu.memory_space<hbm>>) dst(%arg10 : memref<128x128xf32, #tpu.memory_space<vmem>>)
      %scan3A = arith.constant 0 : i32
      %scan3A_27 = arith.constant 0 : i32
      %scan3A_28 = arith.constant 128 : i32
      %scan3A_29 = arith.addi %scan3A_27, %scan3A_28 : i32
      %scan3A_30 = arith.constant 1 : i32
      scf.for %scan3A_32 = %scan3A_27 to %scan3A_29 step %scan3A_30  : i32 {
        %get3A = arith.index_cast %scan3A_32 : i32 to index
        %get3A_33 = arith.constant 0 : index
        %get3A_34 = tpu.vector_load %arg10[%get3A, %get3A_33] {strides = array<i32>} : memref<128x128xf32, #tpu.memory_space<vmem>>, vector<1x16xf32>,
        %get3A_35 = vector.shape_cast %get3A_34 : vector<1x16xf32> to vector<16xf32>
        %get3A_36 = arith.index_cast %scan3A_32 : i32 to index
        %get3A_37 = arith.constant 0 : index
        %get3A_38 = tpu.vector_load %arg11[%get3A_36, %get3A_37] {strides = array<i32>} : memref<128x128xf32, #tpu.memory_space<vmem>>, vector<1x16xf32>,
        %get3A_39 = vector.shape_cast %get3A_38 : vector<1x16xf32> to vector<16xf32>
        %mul3A_40 = arith.mulf %get3A_35, %get3A_39 : vector<16xf32>
        %swap3A = arith.index_cast %scan3A_32 : i32 to index
        %swap3A_41 = arith.constant 0 : index
        %swap3A_42 = tpu.vector_load %arg10[%swap3A, %swap3A_41] {strides = array<i32>} : memref<128x128xf32, #tpu.memory_space<vmem>>, vector<1x16xf32>,
        %swap3A_43 = vector.shape_cast %swap3A_42 : vector<1x16xf32> to vector<16xf32>
        %swap3A_44 = vector.shape_cast %mul3A_40 : vector<16xf32> to vector<1x16xf32>
        tpu.vector_store %arg10[%swap3A, %swap3A_41], %swap3A_44 {strides = array<i32>} : memref<128x128xf32, #tpu.memory_space<vmem>>, vector<1x16xf32>,
        %get3A_45 = arith.index_cast %scan3A_32 : i32 to index
        %get3A_46 = arith.constant 16 : index
        %get3A_47 = tpu.vector_load %arg10[%get3A_45, %get3A_46] {strides = array<i32>} : memref<128x128xf32, #tpu.memory_space<vmem>>, vector<1x16xf32>,
        %get3A_48 = vector.shape_cast %get3A_47 : vector<1x16xf32> to vector<16xf32>
        %get3A_49 = arith.index_cast %scan3A_32 : i32 to index
        %get3A_50 = arith.constant 16 : index
        %get3A_51 = tpu.vector_load %arg11[%get3A_49, %get3A_50] {strides = array<i32>} : memref<128x128xf32, #tpu.memory_space<vmem>>, vector<1x16xf32>,
        %get3A_52 = vector.shape_cast %get3A_51 : vector<1x16xf32> to vector<16xf32>
        %mul3A_53 = arith.mulf %get3A_48, %get3A_52 : vector<16xf32>
        %swap3A_54 = arith.index_cast %scan3A_32 : i32 to index
        %swap3A_55 = arith.constant 16 : index
        %swap3A_56 = tpu.vector_load %arg10[%swap3A_54, %swap3A_55] {strides = array<i32>} : memref<128x128xf32, #tpu.memory_space<vmem>>, vector<1x16xf32>,
        %swap3A_57 = vector.shape_cast %swap3A_56 : vector<1x16xf32> to vector<16xf32>
        %swap3A_58 = vector.shape_cast %mul3A_53 : vector<16xf32> to vector<1x16xf32>
        tpu.vector_store %arg10[%swap3A_54, %swap3A_55], %swap3A_58 {strides = array<i32>} : memref<128x128xf32, #tpu.memory_space<vmem>>, vector<1x16xf32>,
        %get3A_59 = arith.index_cast %scan3A_32 : i32 to index
        %get3A_60 = arith.constant 32 : index
        %get3A_61 = tpu.vector_load %arg10[%get3A_59, %get3A_60] {strides = array<i32>} : memref<128x128xf32, #tpu.memory_space<vmem>>, vector<1x16xf32>,
        %get3A_62 = vector.shape_cast %get3A_61 : vector<1x16xf32> to vector<16xf32>
        %get3A_63 = arith.index_cast %scan3A_32 : i32 to index
        %get3A_64 = arith.constant 32 : index
        %get3A_65 = tpu.vector_load %arg11[%get3A_63, %get3A_64] {strides = array<i32>} : memref<128x128xf32, #tpu.memory_space<vmem>>, vector<1x16xf32>,
        %get3A_66 = vector.shape_cast %get3A_65 : vector<1x16xf32> to vector<16xf32>
        %mul3A_67 = arith.mulf %get3A_62, %get3A_66 : vector<16xf32>
        %swap3A_68 = arith.index_cast %scan3A_32 : i32 to index
        %swap3A_69 = arith.constant 32 : index
        %swap3A_70 = tpu.vector_load %arg10[%swap3A_68, %swap3A_69] {strides = array<i32>} : memref<128x128xf32, #tpu.memory_space<vmem>>, vector<1x16xf32>,
        %swap3A_71 = vector.shape_cast %swap3A_70 : vector<1x16xf32> to vector<16xf32>
        %swap3A_72 = vector.shape_cast %mul3A_67 : vector<16xf32> to vector<1x16xf32>
        tpu.vector_store %arg10[%swap3A_68, %swap3A_69], %swap3A_72 {strides = array<i32>} : memref<128x128xf32, #tpu.memory_space<vmem>>, vector<1x16xf32>,
        %get3A_73 = arith.index_cast %scan3A_32 : i32 to index
        %get3A_74 = arith.constant 48 : index
        %get3A_75 = tpu.vector_load %arg10[%get3A_73, %get3A_74] {strides = array<i32>} : memref<128x128xf32, #tpu.memory_space<vmem>>, vector<1x16xf32>,
        %get3A_76 = vector.shape_cast %get3A_75 : vector<1x16xf32> to vector<16xf32>
        %get3A_77 = arith.index_cast %scan3A_32 : i32 to index
        %get3A_78 = arith.constant 48 : index
        %get3A_79 = tpu.vector_load %arg11[%get3A_77, %get3A_78] {strides = array<i32>} : memref<128x128xf32, #tpu.memory_space<vmem>>, vector<1x16xf32>,
        %get3A_80 = vector.shape_cast %get3A_79 : vector<1x16xf32> to vector<16xf32>
        %mul3A_81 = arith.mulf %get3A_76, %get3A_80 : vector<16xf32>
        %swap3A_82 = arith.index_cast %scan3A_32 : i32 to index
        %swap3A_83 = arith.constant 48 : index
        %swap3A_84 = tpu.vector_load %arg10[%swap3A_82, %swap3A_83] {strides = array<i32>} : memref<128x128xf32, #tpu.memory_space<vmem>>, vector<1x16xf32>,
        %swap3A_85 = vector.shape_cast %swap3A_84 : vector<1x16xf32> to vector<16xf32>
        %swap3A_86 = vector.shape_cast %mul3A_81 : vector<16xf32> to vector<1x16xf32>
        tpu.vector_store %arg10[%swap3A_82, %swap3A_83], %swap3A_86 {strides = array<i32>} : memref<128x128xf32, #tpu.memory_space<vmem>>, vector<1x16xf32>,
        %get3A_87 = arith.index_cast %scan3A_32 : i32 to index
        %get3A_88 = arith.constant 64 : index
        %get3A_89 = tpu.vector_load %arg10[%get3A_87, %get3A_88] {strides = array<i32>} : memref<128x128xf32, #tpu.memory_space<vmem>>, vector<1x16xf32>,
        %get3A_90 = vector.shape_cast %get3A_89 : vector<1x16xf32> to vector<16xf32>
        %get3A_91 = arith.index_cast %scan3A_32 : i32 to index
        %get3A_92 = arith.constant 64 : index
        %get3A_93 = tpu.vector_load %arg11[%get3A_91, %get3A_92] {strides = array<i32>} : memref<128x128xf32, #tpu.memory_space<vmem>>, vector<1x16xf32>,
        %get3A_94 = vector.shape_cast %get3A_93 : vector<1x16xf32> to vector<16xf32>
        %mul3A_95 = arith.mulf %get3A_90, %get3A_94 : vector<16xf32>
        %swap3A_96 = arith.index_cast %scan3A_32 : i32 to index
        %swap3A_97 = arith.constant 64 : index
        %swap3A_98 = tpu.vector_load %arg10[%swap3A_96, %swap3A_97] {strides = array<i32>} : memref<128x128xf32, #tpu.memory_space<vmem>>, vector<1x16xf32>,
        %swap3A_99 = vector.shape_cast %swap3A_98 : vector<1x16xf32> to vector<16xf32>
        %swap3A_100 = vector.shape_cast %mul3A_95 : vector<16xf32> to vector<1x16xf32>
        tpu.vector_store %arg10[%swap3A_96, %swap3A_97], %swap3A_100 {strides = array<i32>} : memref<128x128xf32, #tpu.memory_space<vmem>>, vector<1x16xf32>,
        %get3A_101 = arith.index_cast %scan3A_32 : i32 to index
        %get3A_102 = arith.constant 80 : index
        %get3A_103 = tpu.vector_load %arg10[%get3A_101, %get3A_102] {strides = array<i32>} : memref<128x128xf32, #tpu.memory_space<vmem>>, vector<1x16xf32>,
        %get3A_104 = vector.shape_cast %get3A_103 : vector<1x16xf32> to vector<16xf32>
        %get3A_105 = arith.index_cast %scan3A_32 : i32 to index
        %get3A_106 = arith.constant 80 : index
        %get3A_107 = tpu.vector_load %arg11[%get3A_105, %get3A_106] {strides = array<i32>} : memref<128x128xf32, #tpu.memory_space<vmem>>, vector<1x16xf32>,
        %get3A_108 = vector.shape_cast %get3A_107 : vector<1x16xf32> to vector<16xf32>
        %mul3A_109 = arith.mulf %get3A_104, %get3A_108 : vector<16xf32>
        %swap3A_110 = arith.index_cast %scan3A_32 : i32 to index
        %swap3A_111 = arith.constant 80 : index
        %swap3A_112 = tpu.vector_load %arg10[%swap3A_110, %swap3A_111] {strides = array<i32>} : memref<128x128xf32, #tpu.memory_space<vmem>>, vector<1x16xf32>,
        %swap3A_113 = vector.shape_cast %swap3A_112 : vector<1x16xf32> to vector<16xf32>
        %swap3A_114 = vector.shape_cast %mul3A_109 : vector<16xf32> to vector<1x16xf32>
        tpu.vector_store %arg10[%swap3A_110, %swap3A_111], %swap3A_114 {strides = array<i32>} : memref<128x128xf32, #tpu.memory_space<vmem>>, vector<1x16xf32>,
        %get3A_115 = arith.index_cast %scan3A_32 : i32 to index
        %get3A_116 = arith.constant 96 : index
        %get3A_117 = tpu.vector_load %arg10[%get3A_115, %get3A_116] {strides = array<i32>} : memref<128x128xf32, #tpu.memory_space<vmem>>, vector<1x16xf32>,
        %get3A_118 = vector.shape_cast %get3A_117 : vector<1x16xf32> to vector<16xf32>
        %get3A_119 = arith.index_cast %scan3A_32 : i32 to index
        %get3A_120 = arith.constant 96 : index
        %get3A_121 = tpu.vector_load %arg11[%get3A_119, %get3A_120] {strides = array<i32>} : memref<128x128xf32, #tpu.memory_space<vmem>>, vector<1x16xf32>,
        %get3A_122 = vector.shape_cast %get3A_121 : vector<1x16xf32> to vector<16xf32>
        %mul3A_123 = arith.mulf %get3A_118, %get3A_122 : vector<16xf32>
        %swap3A_124 = arith.index_cast %scan3A_32 : i32 to index
        %swap3A_125 = arith.constant 96 : index
        %swap3A_126 = tpu.vector_load %arg10[%swap3A_124, %swap3A_125] {strides = array<i32>} : memref<128x128xf32, #tpu.memory_space<vmem>>, vector<1x16xf32>,
        %swap3A_127 = vector.shape_cast %swap3A_126 : vector<1x16xf32> to vector<16xf32>
        %swap3A_128 = vector.shape_cast %mul3A_123 : vector<16xf32> to vector<1x16xf32>
        tpu.vector_store %arg10[%swap3A_124, %swap3A_125], %swap3A_128 {strides = array<i32>} : memref<128x128xf32, #tpu.memory_space<vmem>>, vector<1x16xf32>,
        %get3A_129 = arith.index_cast %scan3A_32 : i32 to index
        %get3A_130 = arith.constant 112 : index
        %get3A_131 = tpu.vector_load %arg10[%get3A_129, %get3A_130] {strides = array<i32>} : memref<128x128xf32, #tpu.memory_space<vmem>>, vector<1x16xf32>,
        %get3A_132 = vector.shape_cast %get3A_131 : vector<1x16xf32> to vector<16xf32>
        %get3A_133 = arith.index_cast %scan3A_32 : i32 to index
        %get3A_134 = arith.constant 112 : index
        %get3A_135 = tpu.vector_load %arg11[%get3A_133, %get3A_134] {strides = array<i32>} : memref<128x128xf32, #tpu.memory_space<vmem>>, vector<1x16xf32>,
        %get3A_136 = vector.shape_cast %get3A_135 : vector<1x16xf32> to vector<16xf32>
        %mul3A_137 = arith.mulf %get3A_132, %get3A_136 : vector<16xf32>
        %swap3A_138 = arith.index_cast %scan3A_32 : i32 to index
        %swap3A_139 = arith.constant 112 : index
        %swap3A_140 = tpu.vector_load %arg10[%swap3A_138, %swap3A_139] {strides = array<i32>} : memref<128x128xf32, #tpu.memory_space<vmem>>, vector<1x16xf32>,
        %swap3A_141 = vector.shape_cast %swap3A_140 : vector<1x16xf32> to vector<16xf32>
        %swap3A_142 = vector.shape_cast %mul3A_137 : vector<16xf32> to vector<1x16xf32>
        tpu.vector_store %arg10[%swap3A_138, %swap3A_139], %swap3A_142 {strides = array<i32>} : memref<128x128xf32, #tpu.memory_space<vmem>>, vector<1x16xf32>,
      }
      %scan3A_31 = arith.constant 128 : i32
      "tpu.region"() ({
        %run_scoped3A = tpu.sem_alloc : memref<!tpu.dma_semaphore, #tpu.memory_space<semaphore_mem>>
        %dma_start3A_32 = arith.constant 0 : i32
        %dma_start3A_33 = arith.constant 0 : i32
        %dma_start3A_34 = tpu.memref_slice %arg12[%dma_start3A_32, %dma_start3A_33] : memref<10240x128xf32, #tpu.memory_space<vmem_shared>> -> memref<10240x128xf32, #tpu.memory_space<vmem_shared>>
        tpu.enqueue_indirect_dma source(%arg10 : memref<128x128xf32, #tpu.memory_space<vmem>>) target(%dma_start3A_34 : memref<10240x128xf32, #tpu.memory_space<vmem_shared>>) offsets(%arg9 : memref<128xi32, #tpu.memory_space<vmem>>) semaphore(%run_scoped3A : memref<!tpu.dma_semaphore, #tpu.memory_space<semaphore_mem>>) {add = true}
        %dma_wait3A_35 = arith.constant 0 : i32
        %dma_wait3A_36 = arith.constant 0 : i32
        %dma_wait3A_37 = tpu.memref_slice %arg12[%dma_wait3A_35, %dma_wait3A_36] : memref<10240x128xf32, #tpu.memory_space<vmem_shared>> -> memref<10240x128xf32, #tpu.memory_space<vmem_shared>>
        tpu.wait_indirect_dma semaphore(%run_scoped3A : memref<!tpu.dma_semaphore, #tpu.memory_space<semaphore_mem>>) src(%arg10 : memref<128x128xf32, #tpu.memory_space<vmem>>) dst(%dma_wait3A_37 : memref<10240x128xf32, #tpu.memory_space<vmem_shared>>)
        tpu.yield
      }) : () -> ()
    }
    %while3A_15 = arith.constant 1 : i32
    scf.for %while3A_17 = %while3A_13 to %while3A_9 step %while3A_15  : i32 {
      %mul3A_18 = arith.constant 32 : i32
      %mul3A_19 = arith.muli %mul3A_18, %while3A_17 : i32
      %add3A_20 = arith.addi %add3A, %mul3A_19 : i32
      %mul3A_21 = arith.constant 128 : i32
      %mul3A_22 = arith.muli %add3A_20, %mul3A_21 : i32
      "tpu.region"() ({
        %run_scoped3A = tpu.sem_alloc : memref<!tpu.dma_semaphore, #tpu.memory_space<semaphore_mem>>
        %dma_start3A_32 = tpu.memref_slice %arg4[%mul3A_22] : memref<320000xi32, #tpu.memory_space<hbm>> -> memref<128xi32, #tpu.memory_space<hbm>>
        %dma_start3A_33 = tpu.memref_slice %arg4[%mul3A_22] : memref<320000xi32, #tpu.memory_space<hbm>> -> memref<128xi32, #tpu.memory_space<hbm>>
        tpu.enqueue_dma source(%dma_start3A_33 : memref<128xi32, #tpu.memory_space<hbm>>) target(%arg8 : memref<128xi32, #tpu.memory_space<vmem>>) target_semaphore(%run_scoped3A : memref<!tpu.dma_semaphore, #tpu.memory_space<semaphore_mem>>)
        %dma_wait3A_34 = tpu.memref_slice %arg4[%mul3A_22] : memref<320000xi32, #tpu.memory_space<hbm>> -> memref<128xi32, #tpu.memory_space<hbm>>
        %dma_wait3A_35 = tpu.memref_slice %arg4[%mul3A_22] : memref<320000xi32, #tpu.memory_space<hbm>> -> memref<128xi32, #tpu.memory_space<hbm>>
        tpu.wait_dma2 semaphore(%run_scoped3A : memref<!tpu.dma_semaphore, #tpu.memory_space<semaphore_mem>>) src(%dma_wait3A_35 : memref<128xi32, #tpu.memory_space<hbm>>) dst(%arg8 : memref<128xi32, #tpu.memory_space<vmem>>)
        tpu.yield
      }) : () -> ()
      "tpu.region"() ({
        %run_scoped3A = tpu.sem_alloc : memref<!tpu.dma_semaphore, #tpu.memory_space<semaphore_mem>>
        %dma_start3A_32 = tpu.memref_slice %arg5[%mul3A_22] : memref<320000xi32, #tpu.memory_space<hbm>> -> memref<128xi32, #tpu.memory_space<hbm>>
        %dma_start3A_33 = tpu.memref_slice %arg5[%mul3A_22] : memref<320000xi32, #tpu.memory_space<hbm>> -> memref<128xi32, #tpu.memory_space<hbm>>
        tpu.enqueue_dma source(%dma_start3A_33 : memref<128xi32, #tpu.memory_space<hbm>>) target(%arg9 : memref<128xi32, #tpu.memory_space<vmem>>) target_semaphore(%run_scoped3A : memref<!tpu.dma_semaphore, #tpu.memory_space<semaphore_mem>>)
        %dma_wait3A_34 = tpu.memref_slice %arg5[%mul3A_22] : memref<320000xi32, #tpu.memory_space<hbm>> -> memref<128xi32, #tpu.memory_space<hbm>>
        %dma_wait3A_35 = tpu.memref_slice %arg5[%mul3A_22] : memref<320000xi32, #tpu.memory_space<hbm>> -> memref<128xi32, #tpu.memory_space<hbm>>
        tpu.wait_dma2 semaphore(%run_scoped3A : memref<!tpu.dma_semaphore, #tpu.memory_space<semaphore_mem>>) src(%dma_wait3A_35 : memref<128xi32, #tpu.memory_space<hbm>>) dst(%arg9 : memref<128xi32, #tpu.memory_space<vmem>>)
        tpu.yield
      }) : () -> ()
      "tpu.region"() ({
        %run_scoped3A = tpu.sem_alloc : memref<!tpu.dma_semaphore, #tpu.memory_space<semaphore_mem>>
        %dma_start3A_32 = arith.constant 0 : i32
        %dma_start3A_33 = tpu.memref_slice %arg3[%mul3A_22, %dma_start3A_32] : memref<320000x128xf32, #tpu.memory_space<hbm>> -> memref<128x128xf32, #tpu.memory_space<hbm>>
        %dma_start3A_34 = arith.constant 0 : i32
        %dma_start3A_35 = tpu.memref_slice %arg3[%mul3A_22, %dma_start3A_34] : memref<320000x128xf32, #tpu.memory_space<hbm>> -> memref<128x128xf32, #tpu.memory_space<hbm>>
        tpu.enqueue_dma source(%dma_start3A_35 : memref<128x128xf32, #tpu.memory_space<hbm>>) target(%arg11 : memref<128x128xf32, #tpu.memory_space<vmem>>) target_semaphore(%run_scoped3A : memref<!tpu.dma_semaphore, #tpu.memory_space<semaphore_mem>>)
        %dma_wait3A_36 = arith.constant 0 : i32
        %dma_wait3A_37 = tpu.memref_slice %arg3[%mul3A_22, %dma_wait3A_36] : memref<320000x128xf32, #tpu.memory_space<hbm>> -> memref<128x128xf32, #tpu.memory_space<hbm>>
        %dma_wait3A_38 = arith.constant 0 : i32
        %dma_wait3A_39 = tpu.memref_slice %arg3[%mul3A_22, %dma_wait3A_38] : memref<320000x128xf32, #tpu.memory_space<hbm>> -> memref<128x128xf32, #tpu.memory_space<hbm>>
        tpu.wait_dma2 semaphore(%run_scoped3A : memref<!tpu.dma_semaphore, #tpu.memory_space<semaphore_mem>>) src(%dma_wait3A_39 : memref<128x128xf32, #tpu.memory_space<hbm>>) dst(%arg11 : memref<128x128xf32, #tpu.memory_space<vmem>>)
        tpu.yield
      }) : () -> ()
      %dma_start3A = arith.constant 0 : i32
      %dma_start3A_23 = arith.constant 0 : i32
      %dma_start3A_24 = tpu.memref_slice %arg2[%dma_start3A, %dma_start3A_23] : memref<10000x128xf32, #tpu.memory_space<hbm>> -> memref<10000x128xf32, #tpu.memory_space<hbm>>
      tpu.enqueue_indirect_dma source(%dma_start3A_24 : memref<10000x128xf32, #tpu.memory_space<hbm>>) target(%arg10 : memref<128x128xf32, #tpu.memory_space<vmem>>) offsets(%arg8 : memref<128xi32, #tpu.memory_space<vmem>>) semaphore(%arg13 : memref<!tpu.dma_semaphore, #tpu.memory_space<semaphore_mem>>)
      %dma_wait3A = arith.constant 0 : i32
      %dma_wait3A_25 = arith.constant 0 : i32
      %dma_wait3A_26 = tpu.memref_slice %arg2[%dma_wait3A, %dma_wait3A_25] : memref<10000x128xf32, #tpu.memory_space<hbm>> -> memref<10000x128xf32, #tpu.memory_space<hbm>>
      tpu.wait_indirect_dma semaphore(%arg13 : memref<!tpu.dma_semaphore, #tpu.memory_space<semaphore_mem>>) src(%dma_wait3A_26 : memref<10000x128xf32, #tpu.memory_space<hbm>>) dst(%arg10 : memref<128x128xf32, #tpu.memory_space<vmem>>)
      %scan3A = arith.constant 0 : i32
      %scan3A_27 = arith.constant 0 : i32
      %scan3A_28 = arith.constant 128 : i32
      %scan3A_29 = arith.addi %scan3A_27, %scan3A_28 : i32
      %scan3A_30 = arith.constant 1 : i32
      scf.for %scan3A_32 = %scan3A_27 to %scan3A_29 step %scan3A_30  : i32 {
        %get3A = arith.index_cast %scan3A_32 : i32 to index
        %get3A_33 = arith.constant 0 : index
        %get3A_34 = tpu.vector_load %arg10[%get3A, %get3A_33] {strides = array<i32>} : memref<128x128xf32, #tpu.memory_space<vmem>>, vector<1x16xf32>,
        %get3A_35 = vector.shape_cast %get3A_34 : vector<1x16xf32> to vector<16xf32>
        %get3A_36 = arith.index_cast %scan3A_32 : i32 to index
        %get3A_37 = arith.constant 0 : index
        %get3A_38 = tpu.vector_load %arg11[%get3A_36, %get3A_37] {strides = array<i32>} : memref<128x128xf32, #tpu.memory_space<vmem>>, vector<1x16xf32>,
        %get3A_39 = vector.shape_cast %get3A_38 : vector<1x16xf32> to vector<16xf32>
        %mul3A_40 = arith.mulf %get3A_35, %get3A_39 : vector<16xf32>
        %swap3A = arith.index_cast %scan3A_32 : i32 to index
        %swap3A_41 = arith.constant 0 : index
        %swap3A_42 = tpu.vector_load %arg10[%swap3A, %swap3A_41] {strides = array<i32>} : memref<128x128xf32, #tpu.memory_space<vmem>>, vector<1x16xf32>,
        %swap3A_43 = vector.shape_cast %swap3A_42 : vector<1x16xf32> to vector<16xf32>
        %swap3A_44 = vector.shape_cast %mul3A_40 : vector<16xf32> to vector<1x16xf32>
        tpu.vector_store %arg10[%swap3A, %swap3A_41], %swap3A_44 {strides = array<i32>} : memref<128x128xf32, #tpu.memory_space<vmem>>, vector<1x16xf32>,
        %get3A_45 = arith.index_cast %scan3A_32 : i32 to index
        %get3A_46 = arith.constant 16 : index
        %get3A_47 = tpu.vector_load %arg10[%get3A_45, %get3A_46] {strides = array<i32>} : memref<128x128xf32, #tpu.memory_space<vmem>>, vector<1x16xf32>,
        %get3A_48 = vector.shape_cast %get3A_47 : vector<1x16xf32> to vector<16xf32>
        %get3A_49 = arith.index_cast %scan3A_32 : i32 to index
        %get3A_50 = arith.constant 16 : index
        %get3A_51 = tpu.vector_load %arg11[%get3A_49, %get3A_50] {strides = array<i32>} : memref<128x128xf32, #tpu.memory_space<vmem>>, vector<1x16xf32>,
        %get3A_52 = vector.shape_cast %get3A_51 : vector<1x16xf32> to vector<16xf32>
        %mul3A_53 = arith.mulf %get3A_48, %get3A_52 : vector<16xf32>
        %swap3A_54 = arith.index_cast %scan3A_32 : i32 to index
        %swap3A_55 = arith.constant 16 : index
        %swap3A_56 = tpu.vector_load %arg10[%swap3A_54, %swap3A_55] {strides = array<i32>} : memref<128x128xf32, #tpu.memory_space<vmem>>, vector<1x16xf32>,
        %swap3A_57 = vector.shape_cast %swap3A_56 : vector<1x16xf32> to vector<16xf32>
        %swap3A_58 = vector.shape_cast %mul3A_53 : vector<16xf32> to vector<1x16xf32>
        tpu.vector_store %arg10[%swap3A_54, %swap3A_55], %swap3A_58 {strides = array<i32>} : memref<128x128xf32, #tpu.memory_space<vmem>>, vector<1x16xf32>,
        %get3A_59 = arith.index_cast %scan3A_32 : i32 to index
        %get3A_60 = arith.constant 32 : index
        %get3A_61 = tpu.vector_load %arg10[%get3A_59, %get3A_60] {strides = array<i32>} : memref<128x128xf32, #tpu.memory_space<vmem>>, vector<1x16xf32>,
        %get3A_62 = vector.shape_cast %get3A_61 : vector<1x16xf32> to vector<16xf32>
        %get3A_63 = arith.index_cast %scan3A_32 : i32 to index
        %get3A_64 = arith.constant 32 : index
        %get3A_65 = tpu.vector_load %arg11[%get3A_63, %get3A_64] {strides = array<i32>} : memref<128x128xf32, #tpu.memory_space<vmem>>, vector<1x16xf32>,
        %get3A_66 = vector.shape_cast %get3A_65 : vector<1x16xf32> to vector<16xf32>
        %mul3A_67 = arith.mulf %get3A_62, %get3A_66 : vector<16xf32>
        %swap3A_68 = arith.index_cast %scan3A_32 : i32 to index
        %swap3A_69 = arith.constant 32 : index
        %swap3A_70 = tpu.vector_load %arg10[%swap3A_68, %swap3A_69] {strides = array<i32>} : memref<128x128xf32, #tpu.memory_space<vmem>>, vector<1x16xf32>,
        %swap3A_71 = vector.shape_cast %swap3A_70 : vector<1x16xf32> to vector<16xf32>
        %swap3A_72 = vector.shape_cast %mul3A_67 : vector<16xf32> to vector<1x16xf32>
        tpu.vector_store %arg10[%swap3A_68, %swap3A_69], %swap3A_72 {strides = array<i32>} : memref<128x128xf32, #tpu.memory_space<vmem>>, vector<1x16xf32>,
        %get3A_73 = arith.index_cast %scan3A_32 : i32 to index
        %get3A_74 = arith.constant 48 : index
        %get3A_75 = tpu.vector_load %arg10[%get3A_73, %get3A_74] {strides = array<i32>} : memref<128x128xf32, #tpu.memory_space<vmem>>, vector<1x16xf32>,
        %get3A_76 = vector.shape_cast %get3A_75 : vector<1x16xf32> to vector<16xf32>
        %get3A_77 = arith.index_cast %scan3A_32 : i32 to index
        %get3A_78 = arith.constant 48 : index
        %get3A_79 = tpu.vector_load %arg11[%get3A_77, %get3A_78] {strides = array<i32>} : memref<128x128xf32, #tpu.memory_space<vmem>>, vector<1x16xf32>,
        %get3A_80 = vector.shape_cast %get3A_79 : vector<1x16xf32> to vector<16xf32>
        %mul3A_81 = arith.mulf %get3A_76, %get3A_80 : vector<16xf32>
        %swap3A_82 = arith.index_cast %scan3A_32 : i32 to index
        %swap3A_83 = arith.constant 48 : index
        %swap3A_84 = tpu.vector_load %arg10[%swap3A_82, %swap3A_83] {strides = array<i32>} : memref<128x128xf32, #tpu.memory_space<vmem>>, vector<1x16xf32>,
        %swap3A_85 = vector.shape_cast %swap3A_84 : vector<1x16xf32> to vector<16xf32>
        %swap3A_86 = vector.shape_cast %mul3A_81 : vector<16xf32> to vector<1x16xf32>
        tpu.vector_store %arg10[%swap3A_82, %swap3A_83], %swap3A_86 {strides = array<i32>} : memref<128x128xf32, #tpu.memory_space<vmem>>, vector<1x16xf32>,
        %get3A_87 = arith.index_cast %scan3A_32 : i32 to index
        %get3A_88 = arith.constant 64 : index
        %get3A_89 = tpu.vector_load %arg10[%get3A_87, %get3A_88] {strides = array<i32>} : memref<128x128xf32, #tpu.memory_space<vmem>>, vector<1x16xf32>,
        %get3A_90 = vector.shape_cast %get3A_89 : vector<1x16xf32> to vector<16xf32>
        %get3A_91 = arith.index_cast %scan3A_32 : i32 to index
        %get3A_92 = arith.constant 64 : index
        %get3A_93 = tpu.vector_load %arg11[%get3A_91, %get3A_92] {strides = array<i32>} : memref<128x128xf32, #tpu.memory_space<vmem>>, vector<1x16xf32>,
        %get3A_94 = vector.shape_cast %get3A_93 : vector<1x16xf32> to vector<16xf32>
        %mul3A_95 = arith.mulf %get3A_90, %get3A_94 : vector<16xf32>
        %swap3A_96 = arith.index_cast %scan3A_32 : i32 to index
        %swap3A_97 = arith.constant 64 : index
        %swap3A_98 = tpu.vector_load %arg10[%swap3A_96, %swap3A_97] {strides = array<i32>} : memref<128x128xf32, #tpu.memory_space<vmem>>, vector<1x16xf32>,
        %swap3A_99 = vector.shape_cast %swap3A_98 : vector<1x16xf32> to vector<16xf32>
        %swap3A_100 = vector.shape_cast %mul3A_95 : vector<16xf32> to vector<1x16xf32>
        tpu.vector_store %arg10[%swap3A_96, %swap3A_97], %swap3A_100 {strides = array<i32>} : memref<128x128xf32, #tpu.memory_space<vmem>>, vector<1x16xf32>,
        %get3A_101 = arith.index_cast %scan3A_32 : i32 to index
        %get3A_102 = arith.constant 80 : index
        %get3A_103 = tpu.vector_load %arg10[%get3A_101, %get3A_102] {strides = array<i32>} : memref<128x128xf32, #tpu.memory_space<vmem>>, vector<1x16xf32>,
        %get3A_104 = vector.shape_cast %get3A_103 : vector<1x16xf32> to vector<16xf32>
        %get3A_105 = arith.index_cast %scan3A_32 : i32 to index
        %get3A_106 = arith.constant 80 : index
        %get3A_107 = tpu.vector_load %arg11[%get3A_105, %get3A_106] {strides = array<i32>} : memref<128x128xf32, #tpu.memory_space<vmem>>, vector<1x16xf32>,
        %get3A_108 = vector.shape_cast %get3A_107 : vector<1x16xf32> to vector<16xf32>
        %mul3A_109 = arith.mulf %get3A_104, %get3A_108 : vector<16xf32>
        %swap3A_110 = arith.index_cast %scan3A_32 : i32 to index
        %swap3A_111 = arith.constant 80 : index
        %swap3A_112 = tpu.vector_load %arg10[%swap3A_110, %swap3A_111] {strides = array<i32>} : memref<128x128xf32, #tpu.memory_space<vmem>>, vector<1x16xf32>,
        %swap3A_113 = vector.shape_cast %swap3A_112 : vector<1x16xf32> to vector<16xf32>
        %swap3A_114 = vector.shape_cast %mul3A_109 : vector<16xf32> to vector<1x16xf32>
        tpu.vector_store %arg10[%swap3A_110, %swap3A_111], %swap3A_114 {strides = array<i32>} : memref<128x128xf32, #tpu.memory_space<vmem>>, vector<1x16xf32>,
        %get3A_115 = arith.index_cast %scan3A_32 : i32 to index
        %get3A_116 = arith.constant 96 : index
        %get3A_117 = tpu.vector_load %arg10[%get3A_115, %get3A_116] {strides = array<i32>} : memref<128x128xf32, #tpu.memory_space<vmem>>, vector<1x16xf32>,
        %get3A_118 = vector.shape_cast %get3A_117 : vector<1x16xf32> to vector<16xf32>
        %get3A_119 = arith.index_cast %scan3A_32 : i32 to index
        %get3A_120 = arith.constant 96 : index
        %get3A_121 = tpu.vector_load %arg11[%get3A_119, %get3A_120] {strides = array<i32>} : memref<128x128xf32, #tpu.memory_space<vmem>>, vector<1x16xf32>,
        %get3A_122 = vector.shape_cast %get3A_121 : vector<1x16xf32> to vector<16xf32>
        %mul3A_123 = arith.mulf %get3A_118, %get3A_122 : vector<16xf32>
        %swap3A_124 = arith.index_cast %scan3A_32 : i32 to index
        %swap3A_125 = arith.constant 96 : index
        %swap3A_126 = tpu.vector_load %arg10[%swap3A_124, %swap3A_125] {strides = array<i32>} : memref<128x128xf32, #tpu.memory_space<vmem>>, vector<1x16xf32>,
        %swap3A_127 = vector.shape_cast %swap3A_126 : vector<1x16xf32> to vector<16xf32>
        %swap3A_128 = vector.shape_cast %mul3A_123 : vector<16xf32> to vector<1x16xf32>
        tpu.vector_store %arg10[%swap3A_124, %swap3A_125], %swap3A_128 {strides = array<i32>} : memref<128x128xf32, #tpu.memory_space<vmem>>, vector<1x16xf32>,
        %get3A_129 = arith.index_cast %scan3A_32 : i32 to index
        %get3A_130 = arith.constant 112 : index
        %get3A_131 = tpu.vector_load %arg10[%get3A_129, %get3A_130] {strides = array<i32>} : memref<128x128xf32, #tpu.memory_space<vmem>>, vector<1x16xf32>,
        %get3A_132 = vector.shape_cast %get3A_131 : vector<1x16xf32> to vector<16xf32>
        %get3A_133 = arith.index_cast %scan3A_32 : i32 to index
        %get3A_134 = arith.constant 112 : index
        %get3A_135 = tpu.vector_load %arg11[%get3A_133, %get3A_134] {strides = array<i32>} : memref<128x128xf32, #tpu.memory_space<vmem>>, vector<1x16xf32>,
        %get3A_136 = vector.shape_cast %get3A_135 : vector<1x16xf32> to vector<16xf32>
        %mul3A_137 = arith.mulf %get3A_132, %get3A_136 : vector<16xf32>
        %swap3A_138 = arith.index_cast %scan3A_32 : i32 to index
        %swap3A_139 = arith.constant 112 : index
        %swap3A_140 = tpu.vector_load %arg10[%swap3A_138, %swap3A_139] {strides = array<i32>} : memref<128x128xf32, #tpu.memory_space<vmem>>, vector<1x16xf32>,
        %swap3A_141 = vector.shape_cast %swap3A_140 : vector<1x16xf32> to vector<16xf32>
        %swap3A_142 = vector.shape_cast %mul3A_137 : vector<16xf32> to vector<1x16xf32>
        tpu.vector_store %arg10[%swap3A_138, %swap3A_139], %swap3A_142 {strides = array<i32>} : memref<128x128xf32, #tpu.memory_space<vmem>>, vector<1x16xf32>,
      }
      %scan3A_31 = arith.constant 128 : i32
      "tpu.region"() ({
        %run_scoped3A = tpu.sem_alloc : memref<!tpu.dma_semaphore, #tpu.memory_space<semaphore_mem>>
        %dma_start3A_32 = arith.constant 0 : i32
        %dma_start3A_33 = arith.constant 0 : i32
        %dma_start3A_34 = tpu.memref_slice %arg12[%dma_start3A_32, %dma_start3A_33] : memref<10240x128xf32, #tpu.memory_space<vmem_shared>> -> memref<10240x128xf32, #tpu.memory_space<vmem_shared>>
        tpu.enqueue_indirect_dma source(%arg10 : memref<128x128xf32, #tpu.memory_space<vmem>>) target(%dma_start3A_34 : memref<10240x128xf32, #tpu.memory_space<vmem_shared>>) offsets(%arg9 : memref<128xi32, #tpu.memory_space<vmem>>) semaphore(%run_scoped3A : memref<!tpu.dma_semaphore, #tpu.memory_space<semaphore_mem>>) {add = true}
        %dma_wait3A_35 = arith.constant 0 : i32
        %dma_wait3A_36 = arith.constant 0 : i32
        %dma_wait3A_37 = tpu.memref_slice %arg12[%dma_wait3A_35, %dma_wait3A_36] : memref<10240x128xf32, #tpu.memory_space<vmem_shared>> -> memref<10240x128xf32, #tpu.memory_space<vmem_shared>>
        tpu.wait_indirect_dma semaphore(%run_scoped3A : memref<!tpu.dma_semaphore, #tpu.memory_space<semaphore_mem>>) src(%arg10 : memref<128x128xf32, #tpu.memory_space<vmem>>) dst(%dma_wait3A_37 : memref<10240x128xf32, #tpu.memory_space<vmem_shared>>)
        tpu.yield
      }) : () -> ()
    }
    %barrier3A_16 = arith.constant 0 : index
    tpu.barrier barrier_id(%barrier3A_16)
    "tpu.region"() ({
      %run_scoped3A = tpu.sem_alloc : memref<!tpu.dma_semaphore, #tpu.memory_space<semaphore_mem>>
      %dma_start3A = arith.constant 0 : i32
      %dma_start3A_17 = tpu.memref_slice %arg7[%arg0, %mul3A_2, %dma_start3A] : memref<2x10240x128xf32, #tpu.memory_space<hbm>> -> memref<1x640x128xf32, #tpu.memory_space<hbm>>
      %dma_start3A_18 = tpu.memref_squeeze %dma_start3A_17 : memref<1x640x128xf32, #tpu.memory_space<hbm>> -> memref<640x128xf32, #tpu.memory_space<hbm>>
      %dma_start3A_19 = arith.constant 0 : i32
      %dma_start3A_20 = tpu.memref_slice %arg12[%mul3A_2, %dma_start3A_19] : memref<10240x128xf32, #tpu.memory_space<vmem_shared>> -> memref<640x128xf32, #tpu.memory_space<vmem_shared>>
      tpu.enqueue_dma source(%dma_start3A_20 : memref<640x128xf32, #tpu.memory_space<vmem_shared>>) target(%dma_start3A_18 : memref<640x128xf32, #tpu.memory_space<hbm>>) target_semaphore(%run_scoped3A : memref<!tpu.dma_semaphore, #tpu.memory_space<semaphore_mem>>)
      %dma_wait3A = arith.constant 0 : i32
      %dma_wait3A_21 = tpu.memref_slice %arg7[%arg0, %mul3A_2, %dma_wait3A] : memref<2x10240x128xf32, #tpu.memory_space<hbm>> -> memref<1x640x128xf32, #tpu.memory_space<hbm>>
      %dma_wait3A_22 = tpu.memref_squeeze %dma_wait3A_21 : memref<1x640x128xf32, #tpu.memory_space<hbm>> -> memref<640x128xf32, #tpu.memory_space<hbm>>
      %dma_wait3A_23 = arith.constant 0 : i32
      %dma_wait3A_24 = tpu.memref_slice %arg12[%mul3A_2, %dma_wait3A_23] : memref<10240x128xf32, #tpu.memory_space<vmem_shared>> -> memref<640x128xf32, #tpu.memory_space<vmem_shared>>
      tpu.wait_dma2 semaphore(%run_scoped3A : memref<!tpu.dma_semaphore, #tpu.memory_space<semaphore_mem>>) src(%dma_wait3A_24 : memref<640x128xf32, #tpu.memory_space<vmem_shared>>) dst(%dma_wait3A_22 : memref<640x128xf32, #tpu.memory_space<hbm>>)
      tpu.yield
    }) : () -> ()
    return
  }
}

#map = affine_map<(d0, d1) -> (0, 0)>
#map1 = affine_map<(d0, d1) -> (0)>
#map2 = affine_map<(d0, d1) -> (0, 0, 0)>
module attributes {stable_mosaic.version = 14 : i64} {
  func.func @_sc_agg(%arg0: i32, %arg1: i32, %arg2: memref<10000x128xf32, #tpu.memory_space<hbm>>, %arg3: memref<320000x128xf32, #tpu.memory_space<hbm>>, %arg4: memref<320000xi32, #tpu.memory_space<hbm>>, %arg5: memref<320000xi32, #tpu.memory_space<hbm>>, %arg6: memref<10240x128xf32, #tpu.memory_space<hbm>>, %arg7: memref<2x10240x128xf32, #tpu.memory_space<hbm>>, %arg8: memref<128xi32, #tpu.memory_space<vmem>>, %arg9: memref<128xi32, #tpu.memory_space<vmem>>, %arg10: memref<128x128xf32, #tpu.memory_space<vmem>>, %arg11: memref<128x128xf32, #tpu.memory_space<vmem>>, %arg12: memref<10240x128xf32, #tpu.memory_space<vmem_shared>>, %arg13: memref<!tpu.dma_semaphore, #tpu.memory_space<semaphore_mem>>) attributes {dimension_semantics = [#tpu.dimension_semantics<core_parallel>, #tpu.dimension_semantics<subcore_parallel>], iteration_bounds = array<i64: 2, 16>, scalar_prefetch = 0 : i64, scratch_operands = 6 : i64, tpu.core_type = #tpu.core_type<sc_vector_subcore>, window_params = [{transform_indices = #map}, {transform_indices = #map}, {transform_indices = #map1}, {transform_indices = #map1}, {transform_indices = #map}, {transform_indices = #map2}]} {
    %mul3A = arith.constant 2 : i32
    %mul3A_0 = arith.muli %arg1, %mul3A : i32
    %add3A = arith.addi %mul3A_0, %arg0 : i32
    %mul3A_1 = arith.constant 640 : i32
    %mul3A_2 = arith.muli %arg1, %mul3A_1 : i32
    "tpu.region"() ({
      %run_scoped3A = tpu.sem_alloc : memref<!tpu.dma_semaphore, #tpu.memory_space<semaphore_mem>>
      %dma_start3A = arith.constant 0 : i32
      %dma_start3A_17 = tpu.memref_slice %arg12[%mul3A_2, %dma_start3A] : memref<10240x128xf32, #tpu.memory_space<vmem_shared>> -> memref<640x128xf32, #tpu.memory_space<vmem_shared>>
      %dma_start3A_18 = arith.constant 0 : i32
      %dma_start3A_19 = tpu.memref_slice %arg6[%mul3A_2, %dma_start3A_18] : memref<10240x128xf32, #tpu.memory_space<hbm>> -> memref<640x128xf32, #tpu.memory_space<hbm>>
      tpu.enqueue_dma source(%dma_start3A_19 : memref<640x128xf32, #tpu.memory_space<hbm>>) target(%dma_start3A_17 : memref<640x128xf32, #tpu.memory_space<vmem_shared>>) target_semaphore(%run_scoped3A : memref<!tpu.dma_semaphore, #tpu.memory_space<semaphore_mem>>)
      %dma_wait3A = arith.constant 0 : i32
      %dma_wait3A_20 = tpu.memref_slice %arg12[%mul3A_2, %dma_wait3A] : memref<10240x128xf32, #tpu.memory_space<vmem_shared>> -> memref<640x128xf32, #tpu.memory_space<vmem_shared>>
      %dma_wait3A_21 = arith.constant 0 : i32
      %dma_wait3A_22 = tpu.memref_slice %arg6[%mul3A_2, %dma_wait3A_21] : memref<10240x128xf32, #tpu.memory_space<hbm>> -> memref<640x128xf32, #tpu.memory_space<hbm>>
      tpu.wait_dma2 semaphore(%run_scoped3A : memref<!tpu.dma_semaphore, #tpu.memory_space<semaphore_mem>>) src(%dma_wait3A_22 : memref<640x128xf32, #tpu.memory_space<hbm>>) dst(%dma_wait3A_20 : memref<640x128xf32, #tpu.memory_space<vmem_shared>>)
      tpu.yield
    }) : () -> ()
    %barrier3A = arith.constant 0 : index
    tpu.barrier barrier_id(%barrier3A)
    %lt3A = arith.constant 4 : i32
    %lt3A_3 = arith.cmpi slt, %add3A, %lt3A : i32
    %jit3A = arith.constant 1 : i32
    %jit3A_4 = arith.constant 0 : i32
    %select_n3A = arith.select %lt3A_3, %jit3A, %jit3A_4 : i32
    %add3A_5 = arith.constant 78 : i32
    %add3A_6 = arith.addi %add3A_5, %select_n3A : i32
    %while3A = arith.constant 0 : i32
    %while3A_7 = arith.constant 0 : i32
    %while3A_8 = arith.subi %add3A_6, %while3A_7 : i32
    %while3A_9 = arith.addi %while3A_7, %while3A_8 : i32
    %while3A_10 = arith.constant 1 : i32
    %while3A_11 = arith.divsi %while3A_8, %while3A_10 : i32
    %while3A_12 = arith.muli %while3A_11, %while3A_10 : i32
    %while3A_13 = arith.addi %while3A_7, %while3A_12 : i32
    %while3A_14 = arith.constant 1 : i32
    scf.for %while3A_17 = %while3A_7 to %while3A_13 step %while3A_14  : i32 {
      %mul3A_18 = arith.constant 32 : i32
      %mul3A_19 = arith.muli %mul3A_18, %while3A_17 : i32
      %add3A_20 = arith.addi %add3A, %mul3A_19 : i32
      %mul3A_21 = arith.constant 128 : i32
      %mul3A_22 = arith.muli %add3A_20, %mul3A_21 : i32
      "tpu.region"() ({
        %run_scoped3A = tpu.sem_alloc : memref<!tpu.dma_semaphore, #tpu.memory_space<semaphore_mem>>
        %dma_start3A_32 = tpu.memref_slice %arg4[%mul3A_22] : memref<320000xi32, #tpu.memory_space<hbm>> -> memref<128xi32, #tpu.memory_space<hbm>>
        %dma_start3A_33 = tpu.memref_slice %arg4[%mul3A_22] : memref<320000xi32, #tpu.memory_space<hbm>> -> memref<128xi32, #tpu.memory_space<hbm>>
        tpu.enqueue_dma source(%dma_start3A_33 : memref<128xi32, #tpu.memory_space<hbm>>) target(%arg8 : memref<128xi32, #tpu.memory_space<vmem>>) target_semaphore(%run_scoped3A : memref<!tpu.dma_semaphore, #tpu.memory_space<semaphore_mem>>)
        %dma_wait3A_34 = tpu.memref_slice %arg4[%mul3A_22] : memref<320000xi32, #tpu.memory_space<hbm>> -> memref<128xi32, #tpu.memory_space<hbm>>
        %dma_wait3A_35 = tpu.memref_slice %arg4[%mul3A_22] : memref<320000xi32, #tpu.memory_space<hbm>> -> memref<128xi32, #tpu.memory_space<hbm>>
        tpu.wait_dma2 semaphore(%run_scoped3A : memref<!tpu.dma_semaphore, #tpu.memory_space<semaphore_mem>>) src(%dma_wait3A_35 : memref<128xi32, #tpu.memory_space<hbm>>) dst(%arg8 : memref<128xi32, #tpu.memory_space<vmem>>)
        tpu.yield
      }) : () -> ()
      "tpu.region"() ({
        %run_scoped3A = tpu.sem_alloc : memref<!tpu.dma_semaphore, #tpu.memory_space<semaphore_mem>>
        %dma_start3A_32 = tpu.memref_slice %arg5[%mul3A_22] : memref<320000xi32, #tpu.memory_space<hbm>> -> memref<128xi32, #tpu.memory_space<hbm>>
        %dma_start3A_33 = tpu.memref_slice %arg5[%mul3A_22] : memref<320000xi32, #tpu.memory_space<hbm>> -> memref<128xi32, #tpu.memory_space<hbm>>
        tpu.enqueue_dma source(%dma_start3A_33 : memref<128xi32, #tpu.memory_space<hbm>>) target(%arg9 : memref<128xi32, #tpu.memory_space<vmem>>) target_semaphore(%run_scoped3A : memref<!tpu.dma_semaphore, #tpu.memory_space<semaphore_mem>>)
        %dma_wait3A_34 = tpu.memref_slice %arg5[%mul3A_22] : memref<320000xi32, #tpu.memory_space<hbm>> -> memref<128xi32, #tpu.memory_space<hbm>>
        %dma_wait3A_35 = tpu.memref_slice %arg5[%mul3A_22] : memref<320000xi32, #tpu.memory_space<hbm>> -> memref<128xi32, #tpu.memory_space<hbm>>
        tpu.wait_dma2 semaphore(%run_scoped3A : memref<!tpu.dma_semaphore, #tpu.memory_space<semaphore_mem>>) src(%dma_wait3A_35 : memref<128xi32, #tpu.memory_space<hbm>>) dst(%arg9 : memref<128xi32, #tpu.memory_space<vmem>>)
        tpu.yield
      }) : () -> ()
      "tpu.region"() ({
        %run_scoped3A = tpu.sem_alloc : memref<!tpu.dma_semaphore, #tpu.memory_space<semaphore_mem>>
        %dma_start3A_32 = arith.constant 0 : i32
        %dma_start3A_33 = tpu.memref_slice %arg3[%mul3A_22, %dma_start3A_32] : memref<320000x128xf32, #tpu.memory_space<hbm>> -> memref<128x128xf32, #tpu.memory_space<hbm>>
        %dma_start3A_34 = arith.constant 0 : i32
        %dma_start3A_35 = tpu.memref_slice %arg3[%mul3A_22, %dma_start3A_34] : memref<320000x128xf32, #tpu.memory_space<hbm>> -> memref<128x128xf32, #tpu.memory_space<hbm>>
        tpu.enqueue_dma source(%dma_start3A_35 : memref<128x128xf32, #tpu.memory_space<hbm>>) target(%arg11 : memref<128x128xf32, #tpu.memory_space<vmem>>) target_semaphore(%run_scoped3A : memref<!tpu.dma_semaphore, #tpu.memory_space<semaphore_mem>>)
        %dma_wait3A_36 = arith.constant 0 : i32
        %dma_wait3A_37 = tpu.memref_slice %arg3[%mul3A_22, %dma_wait3A_36] : memref<320000x128xf32, #tpu.memory_space<hbm>> -> memref<128x128xf32, #tpu.memory_space<hbm>>
        %dma_wait3A_38 = arith.constant 0 : i32
        %dma_wait3A_39 = tpu.memref_slice %arg3[%mul3A_22, %dma_wait3A_38] : memref<320000x128xf32, #tpu.memory_space<hbm>> -> memref<128x128xf32, #tpu.memory_space<hbm>>
        tpu.wait_dma2 semaphore(%run_scoped3A : memref<!tpu.dma_semaphore, #tpu.memory_space<semaphore_mem>>) src(%dma_wait3A_39 : memref<128x128xf32, #tpu.memory_space<hbm>>) dst(%arg11 : memref<128x128xf32, #tpu.memory_space<vmem>>)
        tpu.yield
      }) : () -> ()
      %dma_start3A = arith.constant 0 : i32
      %dma_start3A_23 = arith.constant 0 : i32
      %dma_start3A_24 = tpu.memref_slice %arg2[%dma_start3A, %dma_start3A_23] : memref<10000x128xf32, #tpu.memory_space<hbm>> -> memref<10000x128xf32, #tpu.memory_space<hbm>>
      tpu.enqueue_indirect_dma source(%dma_start3A_24 : memref<10000x128xf32, #tpu.memory_space<hbm>>) target(%arg10 : memref<128x128xf32, #tpu.memory_space<vmem>>) offsets(%arg8 : memref<128xi32, #tpu.memory_space<vmem>>) semaphore(%arg13 : memref<!tpu.dma_semaphore, #tpu.memory_space<semaphore_mem>>)
      %dma_wait3A = arith.constant 0 : i32
      %dma_wait3A_25 = arith.constant 0 : i32
      %dma_wait3A_26 = tpu.memref_slice %arg2[%dma_wait3A, %dma_wait3A_25] : memref<10000x128xf32, #tpu.memory_space<hbm>> -> memref<10000x128xf32, #tpu.memory_space<hbm>>
      tpu.wait_indirect_dma semaphore(%arg13 : memref<!tpu.dma_semaphore, #tpu.memory_space<semaphore_mem>>) src(%dma_wait3A_26 : memref<10000x128xf32, #tpu.memory_space<hbm>>) dst(%arg10 : memref<128x128xf32, #tpu.memory_space<vmem>>)
      %scan3A = arith.constant 0 : i32
      %scan3A_27 = arith.constant 0 : i32
      %scan3A_28 = arith.constant 128 : i32
      %scan3A_29 = arith.addi %scan3A_27, %scan3A_28 : i32
      %scan3A_30 = arith.constant 1 : i32
      scf.for %scan3A_32 = %scan3A_27 to %scan3A_29 step %scan3A_30  : i32 {
        %get3A = arith.index_cast %scan3A_32 : i32 to index
        %get3A_33 = arith.constant 0 : index
        %get3A_34 = tpu.vector_load %arg10[%get3A, %get3A_33] {strides = array<i32>} : memref<128x128xf32, #tpu.memory_space<vmem>>, vector<1x16xf32>,
        %get3A_35 = vector.shape_cast %get3A_34 : vector<1x16xf32> to vector<16xf32>
        %get3A_36 = arith.index_cast %scan3A_32 : i32 to index
        %get3A_37 = arith.constant 0 : index
        %get3A_38 = tpu.vector_load %arg11[%get3A_36, %get3A_37] {strides = array<i32>} : memref<128x128xf32, #tpu.memory_space<vmem>>, vector<1x16xf32>,
        %get3A_39 = vector.shape_cast %get3A_38 : vector<1x16xf32> to vector<16xf32>
        %mul3A_40 = arith.mulf %get3A_35, %get3A_39 : vector<16xf32>
        %swap3A = arith.index_cast %scan3A_32 : i32 to index
        %swap3A_41 = arith.constant 0 : index
        %swap3A_42 = tpu.vector_load %arg10[%swap3A, %swap3A_41] {strides = array<i32>} : memref<128x128xf32, #tpu.memory_space<vmem>>, vector<1x16xf32>,
        %swap3A_43 = vector.shape_cast %swap3A_42 : vector<1x16xf32> to vector<16xf32>
        %swap3A_44 = vector.shape_cast %mul3A_40 : vector<16xf32> to vector<1x16xf32>
        tpu.vector_store %arg10[%swap3A, %swap3A_41], %swap3A_44 {strides = array<i32>} : memref<128x128xf32, #tpu.memory_space<vmem>>, vector<1x16xf32>,
        %get3A_45 = arith.index_cast %scan3A_32 : i32 to index
        %get3A_46 = arith.constant 16 : index
        %get3A_47 = tpu.vector_load %arg10[%get3A_45, %get3A_46] {strides = array<i32>} : memref<128x128xf32, #tpu.memory_space<vmem>>, vector<1x16xf32>,
        %get3A_48 = vector.shape_cast %get3A_47 : vector<1x16xf32> to vector<16xf32>
        %get3A_49 = arith.index_cast %scan3A_32 : i32 to index
        %get3A_50 = arith.constant 16 : index
        %get3A_51 = tpu.vector_load %arg11[%get3A_49, %get3A_50] {strides = array<i32>} : memref<128x128xf32, #tpu.memory_space<vmem>>, vector<1x16xf32>,
        %get3A_52 = vector.shape_cast %get3A_51 : vector<1x16xf32> to vector<16xf32>
        %mul3A_53 = arith.mulf %get3A_48, %get3A_52 : vector<16xf32>
        %swap3A_54 = arith.index_cast %scan3A_32 : i32 to index
        %swap3A_55 = arith.constant 16 : index
        %swap3A_56 = tpu.vector_load %arg10[%swap3A_54, %swap3A_55] {strides = array<i32>} : memref<128x128xf32, #tpu.memory_space<vmem>>, vector<1x16xf32>,
        %swap3A_57 = vector.shape_cast %swap3A_56 : vector<1x16xf32> to vector<16xf32>
        %swap3A_58 = vector.shape_cast %mul3A_53 : vector<16xf32> to vector<1x16xf32>
        tpu.vector_store %arg10[%swap3A_54, %swap3A_55], %swap3A_58 {strides = array<i32>} : memref<128x128xf32, #tpu.memory_space<vmem>>, vector<1x16xf32>,
        %get3A_59 = arith.index_cast %scan3A_32 : i32 to index
        %get3A_60 = arith.constant 32 : index
        %get3A_61 = tpu.vector_load %arg10[%get3A_59, %get3A_60] {strides = array<i32>} : memref<128x128xf32, #tpu.memory_space<vmem>>, vector<1x16xf32>,
        %get3A_62 = vector.shape_cast %get3A_61 : vector<1x16xf32> to vector<16xf32>
        %get3A_63 = arith.index_cast %scan3A_32 : i32 to index
        %get3A_64 = arith.constant 32 : index
        %get3A_65 = tpu.vector_load %arg11[%get3A_63, %get3A_64] {strides = array<i32>} : memref<128x128xf32, #tpu.memory_space<vmem>>, vector<1x16xf32>,
        %get3A_66 = vector.shape_cast %get3A_65 : vector<1x16xf32> to vector<16xf32>
        %mul3A_67 = arith.mulf %get3A_62, %get3A_66 : vector<16xf32>
        %swap3A_68 = arith.index_cast %scan3A_32 : i32 to index
        %swap3A_69 = arith.constant 32 : index
        %swap3A_70 = tpu.vector_load %arg10[%swap3A_68, %swap3A_69] {strides = array<i32>} : memref<128x128xf32, #tpu.memory_space<vmem>>, vector<1x16xf32>,
        %swap3A_71 = vector.shape_cast %swap3A_70 : vector<1x16xf32> to vector<16xf32>
        %swap3A_72 = vector.shape_cast %mul3A_67 : vector<16xf32> to vector<1x16xf32>
        tpu.vector_store %arg10[%swap3A_68, %swap3A_69], %swap3A_72 {strides = array<i32>} : memref<128x128xf32, #tpu.memory_space<vmem>>, vector<1x16xf32>,
        %get3A_73 = arith.index_cast %scan3A_32 : i32 to index
        %get3A_74 = arith.constant 48 : index
        %get3A_75 = tpu.vector_load %arg10[%get3A_73, %get3A_74] {strides = array<i32>} : memref<128x128xf32, #tpu.memory_space<vmem>>, vector<1x16xf32>,
        %get3A_76 = vector.shape_cast %get3A_75 : vector<1x16xf32> to vector<16xf32>
        %get3A_77 = arith.index_cast %scan3A_32 : i32 to index
        %get3A_78 = arith.constant 48 : index
        %get3A_79 = tpu.vector_load %arg11[%get3A_77, %get3A_78] {strides = array<i32>} : memref<128x128xf32, #tpu.memory_space<vmem>>, vector<1x16xf32>,
        %get3A_80 = vector.shape_cast %get3A_79 : vector<1x16xf32> to vector<16xf32>
        %mul3A_81 = arith.mulf %get3A_76, %get3A_80 : vector<16xf32>
        %swap3A_82 = arith.index_cast %scan3A_32 : i32 to index
        %swap3A_83 = arith.constant 48 : index
        %swap3A_84 = tpu.vector_load %arg10[%swap3A_82, %swap3A_83] {strides = array<i32>} : memref<128x128xf32, #tpu.memory_space<vmem>>, vector<1x16xf32>,
        %swap3A_85 = vector.shape_cast %swap3A_84 : vector<1x16xf32> to vector<16xf32>
        %swap3A_86 = vector.shape_cast %mul3A_81 : vector<16xf32> to vector<1x16xf32>
        tpu.vector_store %arg10[%swap3A_82, %swap3A_83], %swap3A_86 {strides = array<i32>} : memref<128x128xf32, #tpu.memory_space<vmem>>, vector<1x16xf32>,
        %get3A_87 = arith.index_cast %scan3A_32 : i32 to index
        %get3A_88 = arith.constant 64 : index
        %get3A_89 = tpu.vector_load %arg10[%get3A_87, %get3A_88] {strides = array<i32>} : memref<128x128xf32, #tpu.memory_space<vmem>>, vector<1x16xf32>,
        %get3A_90 = vector.shape_cast %get3A_89 : vector<1x16xf32> to vector<16xf32>
        %get3A_91 = arith.index_cast %scan3A_32 : i32 to index
        %get3A_92 = arith.constant 64 : index
        %get3A_93 = tpu.vector_load %arg11[%get3A_91, %get3A_92] {strides = array<i32>} : memref<128x128xf32, #tpu.memory_space<vmem>>, vector<1x16xf32>,
        %get3A_94 = vector.shape_cast %get3A_93 : vector<1x16xf32> to vector<16xf32>
        %mul3A_95 = arith.mulf %get3A_90, %get3A_94 : vector<16xf32>
        %swap3A_96 = arith.index_cast %scan3A_32 : i32 to index
        %swap3A_97 = arith.constant 64 : index
        %swap3A_98 = tpu.vector_load %arg10[%swap3A_96, %swap3A_97] {strides = array<i32>} : memref<128x128xf32, #tpu.memory_space<vmem>>, vector<1x16xf32>,
        %swap3A_99 = vector.shape_cast %swap3A_98 : vector<1x16xf32> to vector<16xf32>
        %swap3A_100 = vector.shape_cast %mul3A_95 : vector<16xf32> to vector<1x16xf32>
        tpu.vector_store %arg10[%swap3A_96, %swap3A_97], %swap3A_100 {strides = array<i32>} : memref<128x128xf32, #tpu.memory_space<vmem>>, vector<1x16xf32>,
        %get3A_101 = arith.index_cast %scan3A_32 : i32 to index
        %get3A_102 = arith.constant 80 : index
        %get3A_103 = tpu.vector_load %arg10[%get3A_101, %get3A_102] {strides = array<i32>} : memref<128x128xf32, #tpu.memory_space<vmem>>, vector<1x16xf32>,
        %get3A_104 = vector.shape_cast %get3A_103 : vector<1x16xf32> to vector<16xf32>
        %get3A_105 = arith.index_cast %scan3A_32 : i32 to index
        %get3A_106 = arith.constant 80 : index
        %get3A_107 = tpu.vector_load %arg11[%get3A_105, %get3A_106] {strides = array<i32>} : memref<128x128xf32, #tpu.memory_space<vmem>>, vector<1x16xf32>,
        %get3A_108 = vector.shape_cast %get3A_107 : vector<1x16xf32> to vector<16xf32>
        %mul3A_109 = arith.mulf %get3A_104, %get3A_108 : vector<16xf32>
        %swap3A_110 = arith.index_cast %scan3A_32 : i32 to index
        %swap3A_111 = arith.constant 80 : index
        %swap3A_112 = tpu.vector_load %arg10[%swap3A_110, %swap3A_111] {strides = array<i32>} : memref<128x128xf32, #tpu.memory_space<vmem>>, vector<1x16xf32>,
        %swap3A_113 = vector.shape_cast %swap3A_112 : vector<1x16xf32> to vector<16xf32>
        %swap3A_114 = vector.shape_cast %mul3A_109 : vector<16xf32> to vector<1x16xf32>
        tpu.vector_store %arg10[%swap3A_110, %swap3A_111], %swap3A_114 {strides = array<i32>} : memref<128x128xf32, #tpu.memory_space<vmem>>, vector<1x16xf32>,
        %get3A_115 = arith.index_cast %scan3A_32 : i32 to index
        %get3A_116 = arith.constant 96 : index
        %get3A_117 = tpu.vector_load %arg10[%get3A_115, %get3A_116] {strides = array<i32>} : memref<128x128xf32, #tpu.memory_space<vmem>>, vector<1x16xf32>,
        %get3A_118 = vector.shape_cast %get3A_117 : vector<1x16xf32> to vector<16xf32>
        %get3A_119 = arith.index_cast %scan3A_32 : i32 to index
        %get3A_120 = arith.constant 96 : index
        %get3A_121 = tpu.vector_load %arg11[%get3A_119, %get3A_120] {strides = array<i32>} : memref<128x128xf32, #tpu.memory_space<vmem>>, vector<1x16xf32>,
        %get3A_122 = vector.shape_cast %get3A_121 : vector<1x16xf32> to vector<16xf32>
        %mul3A_123 = arith.mulf %get3A_118, %get3A_122 : vector<16xf32>
        %swap3A_124 = arith.index_cast %scan3A_32 : i32 to index
        %swap3A_125 = arith.constant 96 : index
        %swap3A_126 = tpu.vector_load %arg10[%swap3A_124, %swap3A_125] {strides = array<i32>} : memref<128x128xf32, #tpu.memory_space<vmem>>, vector<1x16xf32>,
        %swap3A_127 = vector.shape_cast %swap3A_126 : vector<1x16xf32> to vector<16xf32>
        %swap3A_128 = vector.shape_cast %mul3A_123 : vector<16xf32> to vector<1x16xf32>
        tpu.vector_store %arg10[%swap3A_124, %swap3A_125], %swap3A_128 {strides = array<i32>} : memref<128x128xf32, #tpu.memory_space<vmem>>, vector<1x16xf32>,
        %get3A_129 = arith.index_cast %scan3A_32 : i32 to index
        %get3A_130 = arith.constant 112 : index
        %get3A_131 = tpu.vector_load %arg10[%get3A_129, %get3A_130] {strides = array<i32>} : memref<128x128xf32, #tpu.memory_space<vmem>>, vector<1x16xf32>,
        %get3A_132 = vector.shape_cast %get3A_131 : vector<1x16xf32> to vector<16xf32>
        %get3A_133 = arith.index_cast %scan3A_32 : i32 to index
        %get3A_134 = arith.constant 112 : index
        %get3A_135 = tpu.vector_load %arg11[%get3A_133, %get3A_134] {strides = array<i32>} : memref<128x128xf32, #tpu.memory_space<vmem>>, vector<1x16xf32>,
        %get3A_136 = vector.shape_cast %get3A_135 : vector<1x16xf32> to vector<16xf32>
        %mul3A_137 = arith.mulf %get3A_132, %get3A_136 : vector<16xf32>
        %swap3A_138 = arith.index_cast %scan3A_32 : i32 to index
        %swap3A_139 = arith.constant 112 : index
        %swap3A_140 = tpu.vector_load %arg10[%swap3A_138, %swap3A_139] {strides = array<i32>} : memref<128x128xf32, #tpu.memory_space<vmem>>, vector<1x16xf32>,
        %swap3A_141 = vector.shape_cast %swap3A_140 : vector<1x16xf32> to vector<16xf32>
        %swap3A_142 = vector.shape_cast %mul3A_137 : vector<16xf32> to vector<1x16xf32>
        tpu.vector_store %arg10[%swap3A_138, %swap3A_139], %swap3A_142 {strides = array<i32>} : memref<128x128xf32, #tpu.memory_space<vmem>>, vector<1x16xf32>,
      }
      %scan3A_31 = arith.constant 128 : i32
      "tpu.region"() ({
        %run_scoped3A = tpu.sem_alloc : memref<!tpu.dma_semaphore, #tpu.memory_space<semaphore_mem>>
        %dma_start3A_32 = arith.constant 0 : i32
        %dma_start3A_33 = arith.constant 0 : i32
        %dma_start3A_34 = tpu.memref_slice %arg12[%dma_start3A_32, %dma_start3A_33] : memref<10240x128xf32, #tpu.memory_space<vmem_shared>> -> memref<10240x128xf32, #tpu.memory_space<vmem_shared>>
        tpu.enqueue_indirect_dma source(%arg10 : memref<128x128xf32, #tpu.memory_space<vmem>>) target(%dma_start3A_34 : memref<10240x128xf32, #tpu.memory_space<vmem_shared>>) offsets(%arg9 : memref<128xi32, #tpu.memory_space<vmem>>) semaphore(%run_scoped3A : memref<!tpu.dma_semaphore, #tpu.memory_space<semaphore_mem>>) {add = true}
        %dma_wait3A_35 = arith.constant 0 : i32
        %dma_wait3A_36 = arith.constant 0 : i32
        %dma_wait3A_37 = tpu.memref_slice %arg12[%dma_wait3A_35, %dma_wait3A_36] : memref<10240x128xf32, #tpu.memory_space<vmem_shared>> -> memref<10240x128xf32, #tpu.memory_space<vmem_shared>>
        tpu.wait_indirect_dma semaphore(%run_scoped3A : memref<!tpu.dma_semaphore, #tpu.memory_space<semaphore_mem>>) src(%arg10 : memref<128x128xf32, #tpu.memory_space<vmem>>) dst(%dma_wait3A_37 : memref<10240x128xf32, #tpu.memory_space<vmem_shared>>)
        tpu.yield
      }) : () -> ()
    }
    %while3A_15 = arith.constant 1 : i32
    scf.for %while3A_17 = %while3A_13 to %while3A_9 step %while3A_15  : i32 {
      %mul3A_18 = arith.constant 32 : i32
      %mul3A_19 = arith.muli %mul3A_18, %while3A_17 : i32
      %add3A_20 = arith.addi %add3A, %mul3A_19 : i32
      %mul3A_21 = arith.constant 128 : i32
      %mul3A_22 = arith.muli %add3A_20, %mul3A_21 : i32
      "tpu.region"() ({
        %run_scoped3A = tpu.sem_alloc : memref<!tpu.dma_semaphore, #tpu.memory_space<semaphore_mem>>
        %dma_start3A_32 = tpu.memref_slice %arg4[%mul3A_22] : memref<320000xi32, #tpu.memory_space<hbm>> -> memref<128xi32, #tpu.memory_space<hbm>>
        %dma_start3A_33 = tpu.memref_slice %arg4[%mul3A_22] : memref<320000xi32, #tpu.memory_space<hbm>> -> memref<128xi32, #tpu.memory_space<hbm>>
        tpu.enqueue_dma source(%dma_start3A_33 : memref<128xi32, #tpu.memory_space<hbm>>) target(%arg8 : memref<128xi32, #tpu.memory_space<vmem>>) target_semaphore(%run_scoped3A : memref<!tpu.dma_semaphore, #tpu.memory_space<semaphore_mem>>)
        %dma_wait3A_34 = tpu.memref_slice %arg4[%mul3A_22] : memref<320000xi32, #tpu.memory_space<hbm>> -> memref<128xi32, #tpu.memory_space<hbm>>
        %dma_wait3A_35 = tpu.memref_slice %arg4[%mul3A_22] : memref<320000xi32, #tpu.memory_space<hbm>> -> memref<128xi32, #tpu.memory_space<hbm>>
        tpu.wait_dma2 semaphore(%run_scoped3A : memref<!tpu.dma_semaphore, #tpu.memory_space<semaphore_mem>>) src(%dma_wait3A_35 : memref<128xi32, #tpu.memory_space<hbm>>) dst(%arg8 : memref<128xi32, #tpu.memory_space<vmem>>)
        tpu.yield
      }) : () -> ()
      "tpu.region"() ({
        %run_scoped3A = tpu.sem_alloc : memref<!tpu.dma_semaphore, #tpu.memory_space<semaphore_mem>>
        %dma_start3A_32 = tpu.memref_slice %arg5[%mul3A_22] : memref<320000xi32, #tpu.memory_space<hbm>> -> memref<128xi32, #tpu.memory_space<hbm>>
        %dma_start3A_33 = tpu.memref_slice %arg5[%mul3A_22] : memref<320000xi32, #tpu.memory_space<hbm>> -> memref<128xi32, #tpu.memory_space<hbm>>
        tpu.enqueue_dma source(%dma_start3A_33 : memref<128xi32, #tpu.memory_space<hbm>>) target(%arg9 : memref<128xi32, #tpu.memory_space<vmem>>) target_semaphore(%run_scoped3A : memref<!tpu.dma_semaphore, #tpu.memory_space<semaphore_mem>>)
        %dma_wait3A_34 = tpu.memref_slice %arg5[%mul3A_22] : memref<320000xi32, #tpu.memory_space<hbm>> -> memref<128xi32, #tpu.memory_space<hbm>>
        %dma_wait3A_35 = tpu.memref_slice %arg5[%mul3A_22] : memref<320000xi32, #tpu.memory_space<hbm>> -> memref<128xi32, #tpu.memory_space<hbm>>
        tpu.wait_dma2 semaphore(%run_scoped3A : memref<!tpu.dma_semaphore, #tpu.memory_space<semaphore_mem>>) src(%dma_wait3A_35 : memref<128xi32, #tpu.memory_space<hbm>>) dst(%arg9 : memref<128xi32, #tpu.memory_space<vmem>>)
        tpu.yield
      }) : () -> ()
      "tpu.region"() ({
        %run_scoped3A = tpu.sem_alloc : memref<!tpu.dma_semaphore, #tpu.memory_space<semaphore_mem>>
        %dma_start3A_32 = arith.constant 0 : i32
        %dma_start3A_33 = tpu.memref_slice %arg3[%mul3A_22, %dma_start3A_32] : memref<320000x128xf32, #tpu.memory_space<hbm>> -> memref<128x128xf32, #tpu.memory_space<hbm>>
        %dma_start3A_34 = arith.constant 0 : i32
        %dma_start3A_35 = tpu.memref_slice %arg3[%mul3A_22, %dma_start3A_34] : memref<320000x128xf32, #tpu.memory_space<hbm>> -> memref<128x128xf32, #tpu.memory_space<hbm>>
        tpu.enqueue_dma source(%dma_start3A_35 : memref<128x128xf32, #tpu.memory_space<hbm>>) target(%arg11 : memref<128x128xf32, #tpu.memory_space<vmem>>) target_semaphore(%run_scoped3A : memref<!tpu.dma_semaphore, #tpu.memory_space<semaphore_mem>>)
        %dma_wait3A_36 = arith.constant 0 : i32
        %dma_wait3A_37 = tpu.memref_slice %arg3[%mul3A_22, %dma_wait3A_36] : memref<320000x128xf32, #tpu.memory_space<hbm>> -> memref<128x128xf32, #tpu.memory_space<hbm>>
        %dma_wait3A_38 = arith.constant 0 : i32
        %dma_wait3A_39 = tpu.memref_slice %arg3[%mul3A_22, %dma_wait3A_38] : memref<320000x128xf32, #tpu.memory_space<hbm>> -> memref<128x128xf32, #tpu.memory_space<hbm>>
        tpu.wait_dma2 semaphore(%run_scoped3A : memref<!tpu.dma_semaphore, #tpu.memory_space<semaphore_mem>>) src(%dma_wait3A_39 : memref<128x128xf32, #tpu.memory_space<hbm>>) dst(%arg11 : memref<128x128xf32, #tpu.memory_space<vmem>>)
        tpu.yield
      }) : () -> ()
      %dma_start3A = arith.constant 0 : i32
      %dma_start3A_23 = arith.constant 0 : i32
      %dma_start3A_24 = tpu.memref_slice %arg2[%dma_start3A, %dma_start3A_23] : memref<10000x128xf32, #tpu.memory_space<hbm>> -> memref<10000x128xf32, #tpu.memory_space<hbm>>
      tpu.enqueue_indirect_dma source(%dma_start3A_24 : memref<10000x128xf32, #tpu.memory_space<hbm>>) target(%arg10 : memref<128x128xf32, #tpu.memory_space<vmem>>) offsets(%arg8 : memref<128xi32, #tpu.memory_space<vmem>>) semaphore(%arg13 : memref<!tpu.dma_semaphore, #tpu.memory_space<semaphore_mem>>)
      %dma_wait3A = arith.constant 0 : i32
      %dma_wait3A_25 = arith.constant 0 : i32
      %dma_wait3A_26 = tpu.memref_slice %arg2[%dma_wait3A, %dma_wait3A_25] : memref<10000x128xf32, #tpu.memory_space<hbm>> -> memref<10000x128xf32, #tpu.memory_space<hbm>>
      tpu.wait_indirect_dma semaphore(%arg13 : memref<!tpu.dma_semaphore, #tpu.memory_space<semaphore_mem>>) src(%dma_wait3A_26 : memref<10000x128xf32, #tpu.memory_space<hbm>>) dst(%arg10 : memref<128x128xf32, #tpu.memory_space<vmem>>)
      %scan3A = arith.constant 0 : i32
      %scan3A_27 = arith.constant 0 : i32
      %scan3A_28 = arith.constant 128 : i32
      %scan3A_29 = arith.addi %scan3A_27, %scan3A_28 : i32
      %scan3A_30 = arith.constant 1 : i32
      scf.for %scan3A_32 = %scan3A_27 to %scan3A_29 step %scan3A_30  : i32 {
        %get3A = arith.index_cast %scan3A_32 : i32 to index
        %get3A_33 = arith.constant 0 : index
        %get3A_34 = tpu.vector_load %arg10[%get3A, %get3A_33] {strides = array<i32>} : memref<128x128xf32, #tpu.memory_space<vmem>>, vector<1x16xf32>,
        %get3A_35 = vector.shape_cast %get3A_34 : vector<1x16xf32> to vector<16xf32>
        %get3A_36 = arith.index_cast %scan3A_32 : i32 to index
        %get3A_37 = arith.constant 0 : index
        %get3A_38 = tpu.vector_load %arg11[%get3A_36, %get3A_37] {strides = array<i32>} : memref<128x128xf32, #tpu.memory_space<vmem>>, vector<1x16xf32>,
        %get3A_39 = vector.shape_cast %get3A_38 : vector<1x16xf32> to vector<16xf32>
        %mul3A_40 = arith.mulf %get3A_35, %get3A_39 : vector<16xf32>
        %swap3A = arith.index_cast %scan3A_32 : i32 to index
        %swap3A_41 = arith.constant 0 : index
        %swap3A_42 = tpu.vector_load %arg10[%swap3A, %swap3A_41] {strides = array<i32>} : memref<128x128xf32, #tpu.memory_space<vmem>>, vector<1x16xf32>,
        %swap3A_43 = vector.shape_cast %swap3A_42 : vector<1x16xf32> to vector<16xf32>
        %swap3A_44 = vector.shape_cast %mul3A_40 : vector<16xf32> to vector<1x16xf32>
        tpu.vector_store %arg10[%swap3A, %swap3A_41], %swap3A_44 {strides = array<i32>} : memref<128x128xf32, #tpu.memory_space<vmem>>, vector<1x16xf32>,
        %get3A_45 = arith.index_cast %scan3A_32 : i32 to index
        %get3A_46 = arith.constant 16 : index
        %get3A_47 = tpu.vector_load %arg10[%get3A_45, %get3A_46] {strides = array<i32>} : memref<128x128xf32, #tpu.memory_space<vmem>>, vector<1x16xf32>,
        %get3A_48 = vector.shape_cast %get3A_47 : vector<1x16xf32> to vector<16xf32>
        %get3A_49 = arith.index_cast %scan3A_32 : i32 to index
        %get3A_50 = arith.constant 16 : index
        %get3A_51 = tpu.vector_load %arg11[%get3A_49, %get3A_50] {strides = array<i32>} : memref<128x128xf32, #tpu.memory_space<vmem>>, vector<1x16xf32>,
        %get3A_52 = vector.shape_cast %get3A_51 : vector<1x16xf32> to vector<16xf32>
        %mul3A_53 = arith.mulf %get3A_48, %get3A_52 : vector<16xf32>
        %swap3A_54 = arith.index_cast %scan3A_32 : i32 to index
        %swap3A_55 = arith.constant 16 : index
        %swap3A_56 = tpu.vector_load %arg10[%swap3A_54, %swap3A_55] {strides = array<i32>} : memref<128x128xf32, #tpu.memory_space<vmem>>, vector<1x16xf32>,
        %swap3A_57 = vector.shape_cast %swap3A_56 : vector<1x16xf32> to vector<16xf32>
        %swap3A_58 = vector.shape_cast %mul3A_53 : vector<16xf32> to vector<1x16xf32>
        tpu.vector_store %arg10[%swap3A_54, %swap3A_55], %swap3A_58 {strides = array<i32>} : memref<128x128xf32, #tpu.memory_space<vmem>>, vector<1x16xf32>,
        %get3A_59 = arith.index_cast %scan3A_32 : i32 to index
        %get3A_60 = arith.constant 32 : index
        %get3A_61 = tpu.vector_load %arg10[%get3A_59, %get3A_60] {strides = array<i32>} : memref<128x128xf32, #tpu.memory_space<vmem>>, vector<1x16xf32>,
        %get3A_62 = vector.shape_cast %get3A_61 : vector<1x16xf32> to vector<16xf32>
        %get3A_63 = arith.index_cast %scan3A_32 : i32 to index
        %get3A_64 = arith.constant 32 : index
        %get3A_65 = tpu.vector_load %arg11[%get3A_63, %get3A_64] {strides = array<i32>} : memref<128x128xf32, #tpu.memory_space<vmem>>, vector<1x16xf32>,
        %get3A_66 = vector.shape_cast %get3A_65 : vector<1x16xf32> to vector<16xf32>
        %mul3A_67 = arith.mulf %get3A_62, %get3A_66 : vector<16xf32>
        %swap3A_68 = arith.index_cast %scan3A_32 : i32 to index
        %swap3A_69 = arith.constant 32 : index
        %swap3A_70 = tpu.vector_load %arg10[%swap3A_68, %swap3A_69] {strides = array<i32>} : memref<128x128xf32, #tpu.memory_space<vmem>>, vector<1x16xf32>,
        %swap3A_71 = vector.shape_cast %swap3A_70 : vector<1x16xf32> to vector<16xf32>
        %swap3A_72 = vector.shape_cast %mul3A_67 : vector<16xf32> to vector<1x16xf32>
        tpu.vector_store %arg10[%swap3A_68, %swap3A_69], %swap3A_72 {strides = array<i32>} : memref<128x128xf32, #tpu.memory_space<vmem>>, vector<1x16xf32>,
        %get3A_73 = arith.index_cast %scan3A_32 : i32 to index
        %get3A_74 = arith.constant 48 : index
        %get3A_75 = tpu.vector_load %arg10[%get3A_73, %get3A_74] {strides = array<i32>} : memref<128x128xf32, #tpu.memory_space<vmem>>, vector<1x16xf32>,
        %get3A_76 = vector.shape_cast %get3A_75 : vector<1x16xf32> to vector<16xf32>
        %get3A_77 = arith.index_cast %scan3A_32 : i32 to index
        %get3A_78 = arith.constant 48 : index
        %get3A_79 = tpu.vector_load %arg11[%get3A_77, %get3A_78] {strides = array<i32>} : memref<128x128xf32, #tpu.memory_space<vmem>>, vector<1x16xf32>,
        %get3A_80 = vector.shape_cast %get3A_79 : vector<1x16xf32> to vector<16xf32>
        %mul3A_81 = arith.mulf %get3A_76, %get3A_80 : vector<16xf32>
        %swap3A_82 = arith.index_cast %scan3A_32 : i32 to index
        %swap3A_83 = arith.constant 48 : index
        %swap3A_84 = tpu.vector_load %arg10[%swap3A_82, %swap3A_83] {strides = array<i32>} : memref<128x128xf32, #tpu.memory_space<vmem>>, vector<1x16xf32>,
        %swap3A_85 = vector.shape_cast %swap3A_84 : vector<1x16xf32> to vector<16xf32>
        %swap3A_86 = vector.shape_cast %mul3A_81 : vector<16xf32> to vector<1x16xf32>
        tpu.vector_store %arg10[%swap3A_82, %swap3A_83], %swap3A_86 {strides = array<i32>} : memref<128x128xf32, #tpu.memory_space<vmem>>, vector<1x16xf32>,
        %get3A_87 = arith.index_cast %scan3A_32 : i32 to index
        %get3A_88 = arith.constant 64 : index
        %get3A_89 = tpu.vector_load %arg10[%get3A_87, %get3A_88] {strides = array<i32>} : memref<128x128xf32, #tpu.memory_space<vmem>>, vector<1x16xf32>,
        %get3A_90 = vector.shape_cast %get3A_89 : vector<1x16xf32> to vector<16xf32>
        %get3A_91 = arith.index_cast %scan3A_32 : i32 to index
        %get3A_92 = arith.constant 64 : index
        %get3A_93 = tpu.vector_load %arg11[%get3A_91, %get3A_92] {strides = array<i32>} : memref<128x128xf32, #tpu.memory_space<vmem>>, vector<1x16xf32>,
        %get3A_94 = vector.shape_cast %get3A_93 : vector<1x16xf32> to vector<16xf32>
        %mul3A_95 = arith.mulf %get3A_90, %get3A_94 : vector<16xf32>
        %swap3A_96 = arith.index_cast %scan3A_32 : i32 to index
        %swap3A_97 = arith.constant 64 : index
        %swap3A_98 = tpu.vector_load %arg10[%swap3A_96, %swap3A_97] {strides = array<i32>} : memref<128x128xf32, #tpu.memory_space<vmem>>, vector<1x16xf32>,
        %swap3A_99 = vector.shape_cast %swap3A_98 : vector<1x16xf32> to vector<16xf32>
        %swap3A_100 = vector.shape_cast %mul3A_95 : vector<16xf32> to vector<1x16xf32>
        tpu.vector_store %arg10[%swap3A_96, %swap3A_97], %swap3A_100 {strides = array<i32>} : memref<128x128xf32, #tpu.memory_space<vmem>>, vector<1x16xf32>,
        %get3A_101 = arith.index_cast %scan3A_32 : i32 to index
        %get3A_102 = arith.constant 80 : index
        %get3A_103 = tpu.vector_load %arg10[%get3A_101, %get3A_102] {strides = array<i32>} : memref<128x128xf32, #tpu.memory_space<vmem>>, vector<1x16xf32>,
        %get3A_104 = vector.shape_cast %get3A_103 : vector<1x16xf32> to vector<16xf32>
        %get3A_105 = arith.index_cast %scan3A_32 : i32 to index
        %get3A_106 = arith.constant 80 : index
        %get3A_107 = tpu.vector_load %arg11[%get3A_105, %get3A_106] {strides = array<i32>} : memref<128x128xf32, #tpu.memory_space<vmem>>, vector<1x16xf32>,
        %get3A_108 = vector.shape_cast %get3A_107 : vector<1x16xf32> to vector<16xf32>
        %mul3A_109 = arith.mulf %get3A_104, %get3A_108 : vector<16xf32>
        %swap3A_110 = arith.index_cast %scan3A_32 : i32 to index
        %swap3A_111 = arith.constant 80 : index
        %swap3A_112 = tpu.vector_load %arg10[%swap3A_110, %swap3A_111] {strides = array<i32>} : memref<128x128xf32, #tpu.memory_space<vmem>>, vector<1x16xf32>,
        %swap3A_113 = vector.shape_cast %swap3A_112 : vector<1x16xf32> to vector<16xf32>
        %swap3A_114 = vector.shape_cast %mul3A_109 : vector<16xf32> to vector<1x16xf32>
        tpu.vector_store %arg10[%swap3A_110, %swap3A_111], %swap3A_114 {strides = array<i32>} : memref<128x128xf32, #tpu.memory_space<vmem>>, vector<1x16xf32>,
        %get3A_115 = arith.index_cast %scan3A_32 : i32 to index
        %get3A_116 = arith.constant 96 : index
        %get3A_117 = tpu.vector_load %arg10[%get3A_115, %get3A_116] {strides = array<i32>} : memref<128x128xf32, #tpu.memory_space<vmem>>, vector<1x16xf32>,
        %get3A_118 = vector.shape_cast %get3A_117 : vector<1x16xf32> to vector<16xf32>
        %get3A_119 = arith.index_cast %scan3A_32 : i32 to index
        %get3A_120 = arith.constant 96 : index
        %get3A_121 = tpu.vector_load %arg11[%get3A_119, %get3A_120] {strides = array<i32>} : memref<128x128xf32, #tpu.memory_space<vmem>>, vector<1x16xf32>,
        %get3A_122 = vector.shape_cast %get3A_121 : vector<1x16xf32> to vector<16xf32>
        %mul3A_123 = arith.mulf %get3A_118, %get3A_122 : vector<16xf32>
        %swap3A_124 = arith.index_cast %scan3A_32 : i32 to index
        %swap3A_125 = arith.constant 96 : index
        %swap3A_126 = tpu.vector_load %arg10[%swap3A_124, %swap3A_125] {strides = array<i32>} : memref<128x128xf32, #tpu.memory_space<vmem>>, vector<1x16xf32>,
        %swap3A_127 = vector.shape_cast %swap3A_126 : vector<1x16xf32> to vector<16xf32>
        %swap3A_128 = vector.shape_cast %mul3A_123 : vector<16xf32> to vector<1x16xf32>
        tpu.vector_store %arg10[%swap3A_124, %swap3A_125], %swap3A_128 {strides = array<i32>} : memref<128x128xf32, #tpu.memory_space<vmem>>, vector<1x16xf32>,
        %get3A_129 = arith.index_cast %scan3A_32 : i32 to index
        %get3A_130 = arith.constant 112 : index
        %get3A_131 = tpu.vector_load %arg10[%get3A_129, %get3A_130] {strides = array<i32>} : memref<128x128xf32, #tpu.memory_space<vmem>>, vector<1x16xf32>,
        %get3A_132 = vector.shape_cast %get3A_131 : vector<1x16xf32> to vector<16xf32>
        %get3A_133 = arith.index_cast %scan3A_32 : i32 to index
        %get3A_134 = arith.constant 112 : index
        %get3A_135 = tpu.vector_load %arg11[%get3A_133, %get3A_134] {strides = array<i32>} : memref<128x128xf32, #tpu.memory_space<vmem>>, vector<1x16xf32>,
        %get3A_136 = vector.shape_cast %get3A_135 : vector<1x16xf32> to vector<16xf32>
        %mul3A_137 = arith.mulf %get3A_132, %get3A_136 : vector<16xf32>
        %swap3A_138 = arith.index_cast %scan3A_32 : i32 to index
        %swap3A_139 = arith.constant 112 : index
        %swap3A_140 = tpu.vector_load %arg10[%swap3A_138, %swap3A_139] {strides = array<i32>} : memref<128x128xf32, #tpu.memory_space<vmem>>, vector<1x16xf32>,
        %swap3A_141 = vector.shape_cast %swap3A_140 : vector<1x16xf32> to vector<16xf32>
        %swap3A_142 = vector.shape_cast %mul3A_137 : vector<16xf32> to vector<1x16xf32>
        tpu.vector_store %arg10[%swap3A_138, %swap3A_139], %swap3A_142 {strides = array<i32>} : memref<128x128xf32, #tpu.memory_space<vmem>>, vector<1x16xf32>,
      }
      %scan3A_31 = arith.constant 128 : i32
      "tpu.region"() ({
        %run_scoped3A = tpu.sem_alloc : memref<!tpu.dma_semaphore, #tpu.memory_space<semaphore_mem>>
        %dma_start3A_32 = arith.constant 0 : i32
        %dma_start3A_33 = arith.constant 0 : i32
        %dma_start3A_34 = tpu.memref_slice %arg12[%dma_start3A_32, %dma_start3A_33] : memref<10240x128xf32, #tpu.memory_space<vmem_shared>> -> memref<10240x128xf32, #tpu.memory_space<vmem_shared>>
        tpu.enqueue_indirect_dma source(%arg10 : memref<128x128xf32, #tpu.memory_space<vmem>>) target(%dma_start3A_34 : memref<10240x128xf32, #tpu.memory_space<vmem_shared>>) offsets(%arg9 : memref<128xi32, #tpu.memory_space<vmem>>) semaphore(%run_scoped3A : memref<!tpu.dma_semaphore, #tpu.memory_space<semaphore_mem>>) {add = true}
        %dma_wait3A_35 = arith.constant 0 : i32
        %dma_wait3A_36 = arith.constant 0 : i32
        %dma_wait3A_37 = tpu.memref_slice %arg12[%dma_wait3A_35, %dma_wait3A_36] : memref<10240x128xf32, #tpu.memory_space<vmem_shared>> -> memref<10240x128xf32, #tpu.memory_space<vmem_shared>>
        tpu.wait_indirect_dma semaphore(%run_scoped3A : memref<!tpu.dma_semaphore, #tpu.memory_space<semaphore_mem>>) src(%arg10 : memref<128x128xf32, #tpu.memory_space<vmem>>) dst(%dma_wait3A_37 : memref<10240x128xf32, #tpu.memory_space<vmem_shared>>)
        tpu.yield
      }) : () -> ()
    }
    %barrier3A_16 = arith.constant 0 : index
    tpu.barrier barrier_id(%barrier3A_16)
    "tpu.region"() ({
      %run_scoped3A = tpu.sem_alloc : memref<!tpu.dma_semaphore, #tpu.memory_space<semaphore_mem>>
      %dma_start3A = arith.constant 0 : i32
      %dma_start3A_17 = tpu.memref_slice %arg7[%arg0, %mul3A_2, %dma_start3A] : memref<2x10240x128xf32, #tpu.memory_space<hbm>> -> memref<1x640x128xf32, #tpu.memory_space<hbm>>
      %dma_start3A_18 = tpu.memref_squeeze %dma_start3A_17 : memref<1x640x128xf32, #tpu.memory_space<hbm>> -> memref<640x128xf32, #tpu.memory_space<hbm>>
      %dma_start3A_19 = arith.constant 0 : i32
      %dma_start3A_20 = tpu.memref_slice %arg12[%mul3A_2, %dma_start3A_19] : memref<10240x128xf32, #tpu.memory_space<vmem_shared>> -> memref<640x128xf32, #tpu.memory_space<vmem_shared>>
      tpu.enqueue_dma source(%dma_start3A_20 : memref<640x128xf32, #tpu.memory_space<vmem_shared>>) target(%dma_start3A_18 : memref<640x128xf32, #tpu.memory_space<hbm>>) target_semaphore(%run_scoped3A : memref<!tpu.dma_semaphore, #tpu.memory_space<semaphore_mem>>)
      %dma_wait3A = arith.constant 0 : i32
      %dma_wait3A_21 = tpu.memref_slice %arg7[%arg0, %mul3A_2, %dma_wait3A] : memref<2x10240x128xf32, #tpu.memory_space<hbm>> -> memref<1x640x128xf32, #tpu.memory_space<hbm>>
      %dma_wait3A_22 = tpu.memref_squeeze %dma_wait3A_21 : memref<1x640x128xf32, #tpu.memory_space<hbm>> -> memref<640x128xf32, #tpu.memory_space<hbm>>
      %dma_wait3A_23 = arith.constant 0 : i32
      %dma_wait3A_24 = tpu.memref_slice %arg12[%mul3A_2, %dma_wait3A_23] : memref<10240x128xf32, #tpu.memory_space<vmem_shared>> -> memref<640x128xf32, #tpu.memory_space<vmem_shared>>
      tpu.wait_dma2 semaphore(%run_scoped3A : memref<!tpu.dma_semaphore, #tpu.memory_space<semaphore_mem>>) src(%dma_wait3A_24 : memref<640x128xf32, #tpu.memory_space<vmem_shared>>) dst(%dma_wait3A_22 : memref<640x128xf32, #tpu.memory_space<hbm>>)
      tpu.yield
    }) : () -> ()
    return
  }
}

#map = affine_map<(d0, d1) -> (0, 0)>
#map1 = affine_map<(d0, d1) -> (0)>
#map2 = affine_map<(d0, d1) -> (0, 0, 0)>
module attributes {stable_mosaic.version = 14 : i64} {
  func.func @_sc_agg(%arg0: i32, %arg1: i32, %arg2: memref<10000x128xf32, #tpu.memory_space<hbm>>, %arg3: memref<320000x128xf32, #tpu.memory_space<hbm>>, %arg4: memref<320000xi32, #tpu.memory_space<hbm>>, %arg5: memref<320000xi32, #tpu.memory_space<hbm>>, %arg6: memref<10240x128xf32, #tpu.memory_space<hbm>>, %arg7: memref<2x10240x128xf32, #tpu.memory_space<hbm>>, %arg8: memref<128xi32, #tpu.memory_space<vmem>>, %arg9: memref<128xi32, #tpu.memory_space<vmem>>, %arg10: memref<128x128xf32, #tpu.memory_space<vmem>>, %arg11: memref<128x128xf32, #tpu.memory_space<vmem>>, %arg12: memref<10240x128xf32, #tpu.memory_space<vmem_shared>>, %arg13: memref<!tpu.dma_semaphore, #tpu.memory_space<semaphore_mem>>) attributes {dimension_semantics = [#tpu.dimension_semantics<core_parallel>, #tpu.dimension_semantics<subcore_parallel>], iteration_bounds = array<i64: 2, 16>, scalar_prefetch = 0 : i64, scratch_operands = 6 : i64, tpu.core_type = #tpu.core_type<sc_vector_subcore>, window_params = [{transform_indices = #map}, {transform_indices = #map}, {transform_indices = #map1}, {transform_indices = #map1}, {transform_indices = #map}, {transform_indices = #map2}]} {
    %mul3A = arith.constant 2 : i32
    %mul3A_0 = arith.muli %arg1, %mul3A : i32
    %add3A = arith.addi %mul3A_0, %arg0 : i32
    %mul3A_1 = arith.constant 640 : i32
    %mul3A_2 = arith.muli %arg1, %mul3A_1 : i32
    "tpu.region"() ({
      %run_scoped3A = tpu.sem_alloc : memref<!tpu.dma_semaphore, #tpu.memory_space<semaphore_mem>>
      %dma_start3A = arith.constant 0 : i32
      %dma_start3A_17 = tpu.memref_slice %arg12[%mul3A_2, %dma_start3A] : memref<10240x128xf32, #tpu.memory_space<vmem_shared>> -> memref<640x128xf32, #tpu.memory_space<vmem_shared>>
      %dma_start3A_18 = arith.constant 0 : i32
      %dma_start3A_19 = tpu.memref_slice %arg6[%mul3A_2, %dma_start3A_18] : memref<10240x128xf32, #tpu.memory_space<hbm>> -> memref<640x128xf32, #tpu.memory_space<hbm>>
      tpu.enqueue_dma source(%dma_start3A_19 : memref<640x128xf32, #tpu.memory_space<hbm>>) target(%dma_start3A_17 : memref<640x128xf32, #tpu.memory_space<vmem_shared>>) target_semaphore(%run_scoped3A : memref<!tpu.dma_semaphore, #tpu.memory_space<semaphore_mem>>)
      %dma_wait3A = arith.constant 0 : i32
      %dma_wait3A_20 = tpu.memref_slice %arg12[%mul3A_2, %dma_wait3A] : memref<10240x128xf32, #tpu.memory_space<vmem_shared>> -> memref<640x128xf32, #tpu.memory_space<vmem_shared>>
      %dma_wait3A_21 = arith.constant 0 : i32
      %dma_wait3A_22 = tpu.memref_slice %arg6[%mul3A_2, %dma_wait3A_21] : memref<10240x128xf32, #tpu.memory_space<hbm>> -> memref<640x128xf32, #tpu.memory_space<hbm>>
      tpu.wait_dma2 semaphore(%run_scoped3A : memref<!tpu.dma_semaphore, #tpu.memory_space<semaphore_mem>>) src(%dma_wait3A_22 : memref<640x128xf32, #tpu.memory_space<hbm>>) dst(%dma_wait3A_20 : memref<640x128xf32, #tpu.memory_space<vmem_shared>>)
      tpu.yield
    }) : () -> ()
    %barrier3A = arith.constant 0 : index
    tpu.barrier barrier_id(%barrier3A)
    %lt3A = arith.constant 4 : i32
    %lt3A_3 = arith.cmpi slt, %add3A, %lt3A : i32
    %jit3A = arith.constant 1 : i32
    %jit3A_4 = arith.constant 0 : i32
    %select_n3A = arith.select %lt3A_3, %jit3A, %jit3A_4 : i32
    %add3A_5 = arith.constant 78 : i32
    %add3A_6 = arith.addi %add3A_5, %select_n3A : i32
    %while3A = arith.constant 0 : i32
    %while3A_7 = arith.constant 0 : i32
    %while3A_8 = arith.subi %add3A_6, %while3A_7 : i32
    %while3A_9 = arith.addi %while3A_7, %while3A_8 : i32
    %while3A_10 = arith.constant 1 : i32
    %while3A_11 = arith.divsi %while3A_8, %while3A_10 : i32
    %while3A_12 = arith.muli %while3A_11, %while3A_10 : i32
    %while3A_13 = arith.addi %while3A_7, %while3A_12 : i32
    %while3A_14 = arith.constant 1 : i32
    scf.for %while3A_17 = %while3A_7 to %while3A_13 step %while3A_14  : i32 {
      %mul3A_18 = arith.constant 32 : i32
      %mul3A_19 = arith.muli %mul3A_18, %while3A_17 : i32
      %add3A_20 = arith.addi %add3A, %mul3A_19 : i32
      %mul3A_21 = arith.constant 128 : i32
      %mul3A_22 = arith.muli %add3A_20, %mul3A_21 : i32
      "tpu.region"() ({
        %run_scoped3A = tpu.sem_alloc : memref<!tpu.dma_semaphore, #tpu.memory_space<semaphore_mem>>
        %dma_start3A_32 = tpu.memref_slice %arg4[%mul3A_22] : memref<320000xi32, #tpu.memory_space<hbm>> -> memref<128xi32, #tpu.memory_space<hbm>>
        %dma_start3A_33 = tpu.memref_slice %arg4[%mul3A_22] : memref<320000xi32, #tpu.memory_space<hbm>> -> memref<128xi32, #tpu.memory_space<hbm>>
        tpu.enqueue_dma source(%dma_start3A_33 : memref<128xi32, #tpu.memory_space<hbm>>) target(%arg8 : memref<128xi32, #tpu.memory_space<vmem>>) target_semaphore(%run_scoped3A : memref<!tpu.dma_semaphore, #tpu.memory_space<semaphore_mem>>)
        %dma_wait3A_34 = tpu.memref_slice %arg4[%mul3A_22] : memref<320000xi32, #tpu.memory_space<hbm>> -> memref<128xi32, #tpu.memory_space<hbm>>
        %dma_wait3A_35 = tpu.memref_slice %arg4[%mul3A_22] : memref<320000xi32, #tpu.memory_space<hbm>> -> memref<128xi32, #tpu.memory_space<hbm>>
        tpu.wait_dma2 semaphore(%run_scoped3A : memref<!tpu.dma_semaphore, #tpu.memory_space<semaphore_mem>>) src(%dma_wait3A_35 : memref<128xi32, #tpu.memory_space<hbm>>) dst(%arg8 : memref<128xi32, #tpu.memory_space<vmem>>)
        tpu.yield
      }) : () -> ()
      "tpu.region"() ({
        %run_scoped3A = tpu.sem_alloc : memref<!tpu.dma_semaphore, #tpu.memory_space<semaphore_mem>>
        %dma_start3A_32 = tpu.memref_slice %arg5[%mul3A_22] : memref<320000xi32, #tpu.memory_space<hbm>> -> memref<128xi32, #tpu.memory_space<hbm>>
        %dma_start3A_33 = tpu.memref_slice %arg5[%mul3A_22] : memref<320000xi32, #tpu.memory_space<hbm>> -> memref<128xi32, #tpu.memory_space<hbm>>
        tpu.enqueue_dma source(%dma_start3A_33 : memref<128xi32, #tpu.memory_space<hbm>>) target(%arg9 : memref<128xi32, #tpu.memory_space<vmem>>) target_semaphore(%run_scoped3A : memref<!tpu.dma_semaphore, #tpu.memory_space<semaphore_mem>>)
        %dma_wait3A_34 = tpu.memref_slice %arg5[%mul3A_22] : memref<320000xi32, #tpu.memory_space<hbm>> -> memref<128xi32, #tpu.memory_space<hbm>>
        %dma_wait3A_35 = tpu.memref_slice %arg5[%mul3A_22] : memref<320000xi32, #tpu.memory_space<hbm>> -> memref<128xi32, #tpu.memory_space<hbm>>
        tpu.wait_dma2 semaphore(%run_scoped3A : memref<!tpu.dma_semaphore, #tpu.memory_space<semaphore_mem>>) src(%dma_wait3A_35 : memref<128xi32, #tpu.memory_space<hbm>>) dst(%arg9 : memref<128xi32, #tpu.memory_space<vmem>>)
        tpu.yield
      }) : () -> ()
      "tpu.region"() ({
        %run_scoped3A = tpu.sem_alloc : memref<!tpu.dma_semaphore, #tpu.memory_space<semaphore_mem>>
        %dma_start3A_32 = arith.constant 0 : i32
        %dma_start3A_33 = tpu.memref_slice %arg3[%mul3A_22, %dma_start3A_32] : memref<320000x128xf32, #tpu.memory_space<hbm>> -> memref<128x128xf32, #tpu.memory_space<hbm>>
        %dma_start3A_34 = arith.constant 0 : i32
        %dma_start3A_35 = tpu.memref_slice %arg3[%mul3A_22, %dma_start3A_34] : memref<320000x128xf32, #tpu.memory_space<hbm>> -> memref<128x128xf32, #tpu.memory_space<hbm>>
        tpu.enqueue_dma source(%dma_start3A_35 : memref<128x128xf32, #tpu.memory_space<hbm>>) target(%arg11 : memref<128x128xf32, #tpu.memory_space<vmem>>) target_semaphore(%run_scoped3A : memref<!tpu.dma_semaphore, #tpu.memory_space<semaphore_mem>>)
        %dma_wait3A_36 = arith.constant 0 : i32
        %dma_wait3A_37 = tpu.memref_slice %arg3[%mul3A_22, %dma_wait3A_36] : memref<320000x128xf32, #tpu.memory_space<hbm>> -> memref<128x128xf32, #tpu.memory_space<hbm>>
        %dma_wait3A_38 = arith.constant 0 : i32
        %dma_wait3A_39 = tpu.memref_slice %arg3[%mul3A_22, %dma_wait3A_38] : memref<320000x128xf32, #tpu.memory_space<hbm>> -> memref<128x128xf32, #tpu.memory_space<hbm>>
        tpu.wait_dma2 semaphore(%run_scoped3A : memref<!tpu.dma_semaphore, #tpu.memory_space<semaphore_mem>>) src(%dma_wait3A_39 : memref<128x128xf32, #tpu.memory_space<hbm>>) dst(%arg11 : memref<128x128xf32, #tpu.memory_space<vmem>>)
        tpu.yield
      }) : () -> ()
      %dma_start3A = arith.constant 0 : i32
      %dma_start3A_23 = arith.constant 0 : i32
      %dma_start3A_24 = tpu.memref_slice %arg2[%dma_start3A, %dma_start3A_23] : memref<10000x128xf32, #tpu.memory_space<hbm>> -> memref<10000x128xf32, #tpu.memory_space<hbm>>
      tpu.enqueue_indirect_dma source(%dma_start3A_24 : memref<10000x128xf32, #tpu.memory_space<hbm>>) target(%arg10 : memref<128x128xf32, #tpu.memory_space<vmem>>) offsets(%arg8 : memref<128xi32, #tpu.memory_space<vmem>>) semaphore(%arg13 : memref<!tpu.dma_semaphore, #tpu.memory_space<semaphore_mem>>)
      %dma_wait3A = arith.constant 0 : i32
      %dma_wait3A_25 = arith.constant 0 : i32
      %dma_wait3A_26 = tpu.memref_slice %arg2[%dma_wait3A, %dma_wait3A_25] : memref<10000x128xf32, #tpu.memory_space<hbm>> -> memref<10000x128xf32, #tpu.memory_space<hbm>>
      tpu.wait_indirect_dma semaphore(%arg13 : memref<!tpu.dma_semaphore, #tpu.memory_space<semaphore_mem>>) src(%dma_wait3A_26 : memref<10000x128xf32, #tpu.memory_space<hbm>>) dst(%arg10 : memref<128x128xf32, #tpu.memory_space<vmem>>)
      %scan3A = arith.constant 0 : i32
      %scan3A_27 = arith.constant 0 : i32
      %scan3A_28 = arith.constant 128 : i32
      %scan3A_29 = arith.addi %scan3A_27, %scan3A_28 : i32
      %scan3A_30 = arith.constant 1 : i32
      scf.for %scan3A_32 = %scan3A_27 to %scan3A_29 step %scan3A_30  : i32 {
        %get3A = arith.index_cast %scan3A_32 : i32 to index
        %get3A_33 = arith.constant 0 : index
        %get3A_34 = tpu.vector_load %arg10[%get3A, %get3A_33] {strides = array<i32>} : memref<128x128xf32, #tpu.memory_space<vmem>>, vector<1x16xf32>,
        %get3A_35 = vector.shape_cast %get3A_34 : vector<1x16xf32> to vector<16xf32>
        %get3A_36 = arith.index_cast %scan3A_32 : i32 to index
        %get3A_37 = arith.constant 0 : index
        %get3A_38 = tpu.vector_load %arg11[%get3A_36, %get3A_37] {strides = array<i32>} : memref<128x128xf32, #tpu.memory_space<vmem>>, vector<1x16xf32>,
        %get3A_39 = vector.shape_cast %get3A_38 : vector<1x16xf32> to vector<16xf32>
        %mul3A_40 = arith.mulf %get3A_35, %get3A_39 : vector<16xf32>
        %swap3A = arith.index_cast %scan3A_32 : i32 to index
        %swap3A_41 = arith.constant 0 : index
        %swap3A_42 = tpu.vector_load %arg10[%swap3A, %swap3A_41] {strides = array<i32>} : memref<128x128xf32, #tpu.memory_space<vmem>>, vector<1x16xf32>,
        %swap3A_43 = vector.shape_cast %swap3A_42 : vector<1x16xf32> to vector<16xf32>
        %swap3A_44 = vector.shape_cast %mul3A_40 : vector<16xf32> to vector<1x16xf32>
        tpu.vector_store %arg10[%swap3A, %swap3A_41], %swap3A_44 {strides = array<i32>} : memref<128x128xf32, #tpu.memory_space<vmem>>, vector<1x16xf32>,
        %get3A_45 = arith.index_cast %scan3A_32 : i32 to index
        %get3A_46 = arith.constant 16 : index
        %get3A_47 = tpu.vector_load %arg10[%get3A_45, %get3A_46] {strides = array<i32>} : memref<128x128xf32, #tpu.memory_space<vmem>>, vector<1x16xf32>,
        %get3A_48 = vector.shape_cast %get3A_47 : vector<1x16xf32> to vector<16xf32>
        %get3A_49 = arith.index_cast %scan3A_32 : i32 to index
        %get3A_50 = arith.constant 16 : index
        %get3A_51 = tpu.vector_load %arg11[%get3A_49, %get3A_50] {strides = array<i32>} : memref<128x128xf32, #tpu.memory_space<vmem>>, vector<1x16xf32>,
        %get3A_52 = vector.shape_cast %get3A_51 : vector<1x16xf32> to vector<16xf32>
        %mul3A_53 = arith.mulf %get3A_48, %get3A_52 : vector<16xf32>
        %swap3A_54 = arith.index_cast %scan3A_32 : i32 to index
        %swap3A_55 = arith.constant 16 : index
        %swap3A_56 = tpu.vector_load %arg10[%swap3A_54, %swap3A_55] {strides = array<i32>} : memref<128x128xf32, #tpu.memory_space<vmem>>, vector<1x16xf32>,
        %swap3A_57 = vector.shape_cast %swap3A_56 : vector<1x16xf32> to vector<16xf32>
        %swap3A_58 = vector.shape_cast %mul3A_53 : vector<16xf32> to vector<1x16xf32>
        tpu.vector_store %arg10[%swap3A_54, %swap3A_55], %swap3A_58 {strides = array<i32>} : memref<128x128xf32, #tpu.memory_space<vmem>>, vector<1x16xf32>,
        %get3A_59 = arith.index_cast %scan3A_32 : i32 to index
        %get3A_60 = arith.constant 32 : index
        %get3A_61 = tpu.vector_load %arg10[%get3A_59, %get3A_60] {strides = array<i32>} : memref<128x128xf32, #tpu.memory_space<vmem>>, vector<1x16xf32>,
        %get3A_62 = vector.shape_cast %get3A_61 : vector<1x16xf32> to vector<16xf32>
        %get3A_63 = arith.index_cast %scan3A_32 : i32 to index
        %get3A_64 = arith.constant 32 : index
        %get3A_65 = tpu.vector_load %arg11[%get3A_63, %get3A_64] {strides = array<i32>} : memref<128x128xf32, #tpu.memory_space<vmem>>, vector<1x16xf32>,
        %get3A_66 = vector.shape_cast %get3A_65 : vector<1x16xf32> to vector<16xf32>
        %mul3A_67 = arith.mulf %get3A_62, %get3A_66 : vector<16xf32>
        %swap3A_68 = arith.index_cast %scan3A_32 : i32 to index
        %swap3A_69 = arith.constant 32 : index
        %swap3A_70 = tpu.vector_load %arg10[%swap3A_68, %swap3A_69] {strides = array<i32>} : memref<128x128xf32, #tpu.memory_space<vmem>>, vector<1x16xf32>,
        %swap3A_71 = vector.shape_cast %swap3A_70 : vector<1x16xf32> to vector<16xf32>
        %swap3A_72 = vector.shape_cast %mul3A_67 : vector<16xf32> to vector<1x16xf32>
        tpu.vector_store %arg10[%swap3A_68, %swap3A_69], %swap3A_72 {strides = array<i32>} : memref<128x128xf32, #tpu.memory_space<vmem>>, vector<1x16xf32>,
        %get3A_73 = arith.index_cast %scan3A_32 : i32 to index
        %get3A_74 = arith.constant 48 : index
        %get3A_75 = tpu.vector_load %arg10[%get3A_73, %get3A_74] {strides = array<i32>} : memref<128x128xf32, #tpu.memory_space<vmem>>, vector<1x16xf32>,
        %get3A_76 = vector.shape_cast %get3A_75 : vector<1x16xf32> to vector<16xf32>
        %get3A_77 = arith.index_cast %scan3A_32 : i32 to index
        %get3A_78 = arith.constant 48 : index
        %get3A_79 = tpu.vector_load %arg11[%get3A_77, %get3A_78] {strides = array<i32>} : memref<128x128xf32, #tpu.memory_space<vmem>>, vector<1x16xf32>,
        %get3A_80 = vector.shape_cast %get3A_79 : vector<1x16xf32> to vector<16xf32>
        %mul3A_81 = arith.mulf %get3A_76, %get3A_80 : vector<16xf32>
        %swap3A_82 = arith.index_cast %scan3A_32 : i32 to index
        %swap3A_83 = arith.constant 48 : index
        %swap3A_84 = tpu.vector_load %arg10[%swap3A_82, %swap3A_83] {strides = array<i32>} : memref<128x128xf32, #tpu.memory_space<vmem>>, vector<1x16xf32>,
        %swap3A_85 = vector.shape_cast %swap3A_84 : vector<1x16xf32> to vector<16xf32>
        %swap3A_86 = vector.shape_cast %mul3A_81 : vector<16xf32> to vector<1x16xf32>
        tpu.vector_store %arg10[%swap3A_82, %swap3A_83], %swap3A_86 {strides = array<i32>} : memref<128x128xf32, #tpu.memory_space<vmem>>, vector<1x16xf32>,
        %get3A_87 = arith.index_cast %scan3A_32 : i32 to index
        %get3A_88 = arith.constant 64 : index
        %get3A_89 = tpu.vector_load %arg10[%get3A_87, %get3A_88] {strides = array<i32>} : memref<128x128xf32, #tpu.memory_space<vmem>>, vector<1x16xf32>,
        %get3A_90 = vector.shape_cast %get3A_89 : vector<1x16xf32> to vector<16xf32>
        %get3A_91 = arith.index_cast %scan3A_32 : i32 to index
        %get3A_92 = arith.constant 64 : index
        %get3A_93 = tpu.vector_load %arg11[%get3A_91, %get3A_92] {strides = array<i32>} : memref<128x128xf32, #tpu.memory_space<vmem>>, vector<1x16xf32>,
        %get3A_94 = vector.shape_cast %get3A_93 : vector<1x16xf32> to vector<16xf32>
        %mul3A_95 = arith.mulf %get3A_90, %get3A_94 : vector<16xf32>
        %swap3A_96 = arith.index_cast %scan3A_32 : i32 to index
        %swap3A_97 = arith.constant 64 : index
        %swap3A_98 = tpu.vector_load %arg10[%swap3A_96, %swap3A_97] {strides = array<i32>} : memref<128x128xf32, #tpu.memory_space<vmem>>, vector<1x16xf32>,
        %swap3A_99 = vector.shape_cast %swap3A_98 : vector<1x16xf32> to vector<16xf32>
        %swap3A_100 = vector.shape_cast %mul3A_95 : vector<16xf32> to vector<1x16xf32>
        tpu.vector_store %arg10[%swap3A_96, %swap3A_97], %swap3A_100 {strides = array<i32>} : memref<128x128xf32, #tpu.memory_space<vmem>>, vector<1x16xf32>,
        %get3A_101 = arith.index_cast %scan3A_32 : i32 to index
        %get3A_102 = arith.constant 80 : index
        %get3A_103 = tpu.vector_load %arg10[%get3A_101, %get3A_102] {strides = array<i32>} : memref<128x128xf32, #tpu.memory_space<vmem>>, vector<1x16xf32>,
        %get3A_104 = vector.shape_cast %get3A_103 : vector<1x16xf32> to vector<16xf32>
        %get3A_105 = arith.index_cast %scan3A_32 : i32 to index
        %get3A_106 = arith.constant 80 : index
        %get3A_107 = tpu.vector_load %arg11[%get3A_105, %get3A_106] {strides = array<i32>} : memref<128x128xf32, #tpu.memory_space<vmem>>, vector<1x16xf32>,
        %get3A_108 = vector.shape_cast %get3A_107 : vector<1x16xf32> to vector<16xf32>
        %mul3A_109 = arith.mulf %get3A_104, %get3A_108 : vector<16xf32>
        %swap3A_110 = arith.index_cast %scan3A_32 : i32 to index
        %swap3A_111 = arith.constant 80 : index
        %swap3A_112 = tpu.vector_load %arg10[%swap3A_110, %swap3A_111] {strides = array<i32>} : memref<128x128xf32, #tpu.memory_space<vmem>>, vector<1x16xf32>,
        %swap3A_113 = vector.shape_cast %swap3A_112 : vector<1x16xf32> to vector<16xf32>
        %swap3A_114 = vector.shape_cast %mul3A_109 : vector<16xf32> to vector<1x16xf32>
        tpu.vector_store %arg10[%swap3A_110, %swap3A_111], %swap3A_114 {strides = array<i32>} : memref<128x128xf32, #tpu.memory_space<vmem>>, vector<1x16xf32>,
        %get3A_115 = arith.index_cast %scan3A_32 : i32 to index
        %get3A_116 = arith.constant 96 : index
        %get3A_117 = tpu.vector_load %arg10[%get3A_115, %get3A_116] {strides = array<i32>} : memref<128x128xf32, #tpu.memory_space<vmem>>, vector<1x16xf32>,
        %get3A_118 = vector.shape_cast %get3A_117 : vector<1x16xf32> to vector<16xf32>
        %get3A_119 = arith.index_cast %scan3A_32 : i32 to index
        %get3A_120 = arith.constant 96 : index
        %get3A_121 = tpu.vector_load %arg11[%get3A_119, %get3A_120] {strides = array<i32>} : memref<128x128xf32, #tpu.memory_space<vmem>>, vector<1x16xf32>,
        %get3A_122 = vector.shape_cast %get3A_121 : vector<1x16xf32> to vector<16xf32>
        %mul3A_123 = arith.mulf %get3A_118, %get3A_122 : vector<16xf32>
        %swap3A_124 = arith.index_cast %scan3A_32 : i32 to index
        %swap3A_125 = arith.constant 96 : index
        %swap3A_126 = tpu.vector_load %arg10[%swap3A_124, %swap3A_125] {strides = array<i32>} : memref<128x128xf32, #tpu.memory_space<vmem>>, vector<1x16xf32>,
        %swap3A_127 = vector.shape_cast %swap3A_126 : vector<1x16xf32> to vector<16xf32>
        %swap3A_128 = vector.shape_cast %mul3A_123 : vector<16xf32> to vector<1x16xf32>
        tpu.vector_store %arg10[%swap3A_124, %swap3A_125], %swap3A_128 {strides = array<i32>} : memref<128x128xf32, #tpu.memory_space<vmem>>, vector<1x16xf32>,
        %get3A_129 = arith.index_cast %scan3A_32 : i32 to index
        %get3A_130 = arith.constant 112 : index
        %get3A_131 = tpu.vector_load %arg10[%get3A_129, %get3A_130] {strides = array<i32>} : memref<128x128xf32, #tpu.memory_space<vmem>>, vector<1x16xf32>,
        %get3A_132 = vector.shape_cast %get3A_131 : vector<1x16xf32> to vector<16xf32>
        %get3A_133 = arith.index_cast %scan3A_32 : i32 to index
        %get3A_134 = arith.constant 112 : index
        %get3A_135 = tpu.vector_load %arg11[%get3A_133, %get3A_134] {strides = array<i32>} : memref<128x128xf32, #tpu.memory_space<vmem>>, vector<1x16xf32>,
        %get3A_136 = vector.shape_cast %get3A_135 : vector<1x16xf32> to vector<16xf32>
        %mul3A_137 = arith.mulf %get3A_132, %get3A_136 : vector<16xf32>
        %swap3A_138 = arith.index_cast %scan3A_32 : i32 to index
        %swap3A_139 = arith.constant 112 : index
        %swap3A_140 = tpu.vector_load %arg10[%swap3A_138, %swap3A_139] {strides = array<i32>} : memref<128x128xf32, #tpu.memory_space<vmem>>, vector<1x16xf32>,
        %swap3A_141 = vector.shape_cast %swap3A_140 : vector<1x16xf32> to vector<16xf32>
        %swap3A_142 = vector.shape_cast %mul3A_137 : vector<16xf32> to vector<1x16xf32>
        tpu.vector_store %arg10[%swap3A_138, %swap3A_139], %swap3A_142 {strides = array<i32>} : memref<128x128xf32, #tpu.memory_space<vmem>>, vector<1x16xf32>,
      }
      %scan3A_31 = arith.constant 128 : i32
      "tpu.region"() ({
        %run_scoped3A = tpu.sem_alloc : memref<!tpu.dma_semaphore, #tpu.memory_space<semaphore_mem>>
        %dma_start3A_32 = arith.constant 0 : i32
        %dma_start3A_33 = arith.constant 0 : i32
        %dma_start3A_34 = tpu.memref_slice %arg12[%dma_start3A_32, %dma_start3A_33] : memref<10240x128xf32, #tpu.memory_space<vmem_shared>> -> memref<10240x128xf32, #tpu.memory_space<vmem_shared>>
        tpu.enqueue_indirect_dma source(%arg10 : memref<128x128xf32, #tpu.memory_space<vmem>>) target(%dma_start3A_34 : memref<10240x128xf32, #tpu.memory_space<vmem_shared>>) offsets(%arg9 : memref<128xi32, #tpu.memory_space<vmem>>) semaphore(%run_scoped3A : memref<!tpu.dma_semaphore, #tpu.memory_space<semaphore_mem>>) {add = true}
        %dma_wait3A_35 = arith.constant 0 : i32
        %dma_wait3A_36 = arith.constant 0 : i32
        %dma_wait3A_37 = tpu.memref_slice %arg12[%dma_wait3A_35, %dma_wait3A_36] : memref<10240x128xf32, #tpu.memory_space<vmem_shared>> -> memref<10240x128xf32, #tpu.memory_space<vmem_shared>>
        tpu.wait_indirect_dma semaphore(%run_scoped3A : memref<!tpu.dma_semaphore, #tpu.memory_space<semaphore_mem>>) src(%arg10 : memref<128x128xf32, #tpu.memory_space<vmem>>) dst(%dma_wait3A_37 : memref<10240x128xf32, #tpu.memory_space<vmem_shared>>)
        tpu.yield
      }) : () -> ()
    }
    %while3A_15 = arith.constant 1 : i32
    scf.for %while3A_17 = %while3A_13 to %while3A_9 step %while3A_15  : i32 {
      %mul3A_18 = arith.constant 32 : i32
      %mul3A_19 = arith.muli %mul3A_18, %while3A_17 : i32
      %add3A_20 = arith.addi %add3A, %mul3A_19 : i32
      %mul3A_21 = arith.constant 128 : i32
      %mul3A_22 = arith.muli %add3A_20, %mul3A_21 : i32
      "tpu.region"() ({
        %run_scoped3A = tpu.sem_alloc : memref<!tpu.dma_semaphore, #tpu.memory_space<semaphore_mem>>
        %dma_start3A_32 = tpu.memref_slice %arg4[%mul3A_22] : memref<320000xi32, #tpu.memory_space<hbm>> -> memref<128xi32, #tpu.memory_space<hbm>>
        %dma_start3A_33 = tpu.memref_slice %arg4[%mul3A_22] : memref<320000xi32, #tpu.memory_space<hbm>> -> memref<128xi32, #tpu.memory_space<hbm>>
        tpu.enqueue_dma source(%dma_start3A_33 : memref<128xi32, #tpu.memory_space<hbm>>) target(%arg8 : memref<128xi32, #tpu.memory_space<vmem>>) target_semaphore(%run_scoped3A : memref<!tpu.dma_semaphore, #tpu.memory_space<semaphore_mem>>)
        %dma_wait3A_34 = tpu.memref_slice %arg4[%mul3A_22] : memref<320000xi32, #tpu.memory_space<hbm>> -> memref<128xi32, #tpu.memory_space<hbm>>
        %dma_wait3A_35 = tpu.memref_slice %arg4[%mul3A_22] : memref<320000xi32, #tpu.memory_space<hbm>> -> memref<128xi32, #tpu.memory_space<hbm>>
        tpu.wait_dma2 semaphore(%run_scoped3A : memref<!tpu.dma_semaphore, #tpu.memory_space<semaphore_mem>>) src(%dma_wait3A_35 : memref<128xi32, #tpu.memory_space<hbm>>) dst(%arg8 : memref<128xi32, #tpu.memory_space<vmem>>)
        tpu.yield
      }) : () -> ()
      "tpu.region"() ({
        %run_scoped3A = tpu.sem_alloc : memref<!tpu.dma_semaphore, #tpu.memory_space<semaphore_mem>>
        %dma_start3A_32 = tpu.memref_slice %arg5[%mul3A_22] : memref<320000xi32, #tpu.memory_space<hbm>> -> memref<128xi32, #tpu.memory_space<hbm>>
        %dma_start3A_33 = tpu.memref_slice %arg5[%mul3A_22] : memref<320000xi32, #tpu.memory_space<hbm>> -> memref<128xi32, #tpu.memory_space<hbm>>
        tpu.enqueue_dma source(%dma_start3A_33 : memref<128xi32, #tpu.memory_space<hbm>>) target(%arg9 : memref<128xi32, #tpu.memory_space<vmem>>) target_semaphore(%run_scoped3A : memref<!tpu.dma_semaphore, #tpu.memory_space<semaphore_mem>>)
        %dma_wait3A_34 = tpu.memref_slice %arg5[%mul3A_22] : memref<320000xi32, #tpu.memory_space<hbm>> -> memref<128xi32, #tpu.memory_space<hbm>>
        %dma_wait3A_35 = tpu.memref_slice %arg5[%mul3A_22] : memref<320000xi32, #tpu.memory_space<hbm>> -> memref<128xi32, #tpu.memory_space<hbm>>
        tpu.wait_dma2 semaphore(%run_scoped3A : memref<!tpu.dma_semaphore, #tpu.memory_space<semaphore_mem>>) src(%dma_wait3A_35 : memref<128xi32, #tpu.memory_space<hbm>>) dst(%arg9 : memref<128xi32, #tpu.memory_space<vmem>>)
        tpu.yield
      }) : () -> ()
      "tpu.region"() ({
        %run_scoped3A = tpu.sem_alloc : memref<!tpu.dma_semaphore, #tpu.memory_space<semaphore_mem>>
        %dma_start3A_32 = arith.constant 0 : i32
        %dma_start3A_33 = tpu.memref_slice %arg3[%mul3A_22, %dma_start3A_32] : memref<320000x128xf32, #tpu.memory_space<hbm>> -> memref<128x128xf32, #tpu.memory_space<hbm>>
        %dma_start3A_34 = arith.constant 0 : i32
        %dma_start3A_35 = tpu.memref_slice %arg3[%mul3A_22, %dma_start3A_34] : memref<320000x128xf32, #tpu.memory_space<hbm>> -> memref<128x128xf32, #tpu.memory_space<hbm>>
        tpu.enqueue_dma source(%dma_start3A_35 : memref<128x128xf32, #tpu.memory_space<hbm>>) target(%arg11 : memref<128x128xf32, #tpu.memory_space<vmem>>) target_semaphore(%run_scoped3A : memref<!tpu.dma_semaphore, #tpu.memory_space<semaphore_mem>>)
        %dma_wait3A_36 = arith.constant 0 : i32
        %dma_wait3A_37 = tpu.memref_slice %arg3[%mul3A_22, %dma_wait3A_36] : memref<320000x128xf32, #tpu.memory_space<hbm>> -> memref<128x128xf32, #tpu.memory_space<hbm>>
        %dma_wait3A_38 = arith.constant 0 : i32
        %dma_wait3A_39 = tpu.memref_slice %arg3[%mul3A_22, %dma_wait3A_38] : memref<320000x128xf32, #tpu.memory_space<hbm>> -> memref<128x128xf32, #tpu.memory_space<hbm>>
        tpu.wait_dma2 semaphore(%run_scoped3A : memref<!tpu.dma_semaphore, #tpu.memory_space<semaphore_mem>>) src(%dma_wait3A_39 : memref<128x128xf32, #tpu.memory_space<hbm>>) dst(%arg11 : memref<128x128xf32, #tpu.memory_space<vmem>>)
        tpu.yield
      }) : () -> ()
      %dma_start3A = arith.constant 0 : i32
      %dma_start3A_23 = arith.constant 0 : i32
      %dma_start3A_24 = tpu.memref_slice %arg2[%dma_start3A, %dma_start3A_23] : memref<10000x128xf32, #tpu.memory_space<hbm>> -> memref<10000x128xf32, #tpu.memory_space<hbm>>
      tpu.enqueue_indirect_dma source(%dma_start3A_24 : memref<10000x128xf32, #tpu.memory_space<hbm>>) target(%arg10 : memref<128x128xf32, #tpu.memory_space<vmem>>) offsets(%arg8 : memref<128xi32, #tpu.memory_space<vmem>>) semaphore(%arg13 : memref<!tpu.dma_semaphore, #tpu.memory_space<semaphore_mem>>)
      %dma_wait3A = arith.constant 0 : i32
      %dma_wait3A_25 = arith.constant 0 : i32
      %dma_wait3A_26 = tpu.memref_slice %arg2[%dma_wait3A, %dma_wait3A_25] : memref<10000x128xf32, #tpu.memory_space<hbm>> -> memref<10000x128xf32, #tpu.memory_space<hbm>>
      tpu.wait_indirect_dma semaphore(%arg13 : memref<!tpu.dma_semaphore, #tpu.memory_space<semaphore_mem>>) src(%dma_wait3A_26 : memref<10000x128xf32, #tpu.memory_space<hbm>>) dst(%arg10 : memref<128x128xf32, #tpu.memory_space<vmem>>)
      %scan3A = arith.constant 0 : i32
      %scan3A_27 = arith.constant 0 : i32
      %scan3A_28 = arith.constant 128 : i32
      %scan3A_29 = arith.addi %scan3A_27, %scan3A_28 : i32
      %scan3A_30 = arith.constant 1 : i32
      scf.for %scan3A_32 = %scan3A_27 to %scan3A_29 step %scan3A_30  : i32 {
        %get3A = arith.index_cast %scan3A_32 : i32 to index
        %get3A_33 = arith.constant 0 : index
        %get3A_34 = tpu.vector_load %arg10[%get3A, %get3A_33] {strides = array<i32>} : memref<128x128xf32, #tpu.memory_space<vmem>>, vector<1x16xf32>,
        %get3A_35 = vector.shape_cast %get3A_34 : vector<1x16xf32> to vector<16xf32>
        %get3A_36 = arith.index_cast %scan3A_32 : i32 to index
        %get3A_37 = arith.constant 0 : index
        %get3A_38 = tpu.vector_load %arg11[%get3A_36, %get3A_37] {strides = array<i32>} : memref<128x128xf32, #tpu.memory_space<vmem>>, vector<1x16xf32>,
        %get3A_39 = vector.shape_cast %get3A_38 : vector<1x16xf32> to vector<16xf32>
        %mul3A_40 = arith.mulf %get3A_35, %get3A_39 : vector<16xf32>
        %swap3A = arith.index_cast %scan3A_32 : i32 to index
        %swap3A_41 = arith.constant 0 : index
        %swap3A_42 = tpu.vector_load %arg10[%swap3A, %swap3A_41] {strides = array<i32>} : memref<128x128xf32, #tpu.memory_space<vmem>>, vector<1x16xf32>,
        %swap3A_43 = vector.shape_cast %swap3A_42 : vector<1x16xf32> to vector<16xf32>
        %swap3A_44 = vector.shape_cast %mul3A_40 : vector<16xf32> to vector<1x16xf32>
        tpu.vector_store %arg10[%swap3A, %swap3A_41], %swap3A_44 {strides = array<i32>} : memref<128x128xf32, #tpu.memory_space<vmem>>, vector<1x16xf32>,
        %get3A_45 = arith.index_cast %scan3A_32 : i32 to index
        %get3A_46 = arith.constant 16 : index
        %get3A_47 = tpu.vector_load %arg10[%get3A_45, %get3A_46] {strides = array<i32>} : memref<128x128xf32, #tpu.memory_space<vmem>>, vector<1x16xf32>,
        %get3A_48 = vector.shape_cast %get3A_47 : vector<1x16xf32> to vector<16xf32>
        %get3A_49 = arith.index_cast %scan3A_32 : i32 to index
        %get3A_50 = arith.constant 16 : index
        %get3A_51 = tpu.vector_load %arg11[%get3A_49, %get3A_50] {strides = array<i32>} : memref<128x128xf32, #tpu.memory_space<vmem>>, vector<1x16xf32>,
        %get3A_52 = vector.shape_cast %get3A_51 : vector<1x16xf32> to vector<16xf32>
        %mul3A_53 = arith.mulf %get3A_48, %get3A_52 : vector<16xf32>
        %swap3A_54 = arith.index_cast %scan3A_32 : i32 to index
        %swap3A_55 = arith.constant 16 : index
        %swap3A_56 = tpu.vector_load %arg10[%swap3A_54, %swap3A_55] {strides = array<i32>} : memref<128x128xf32, #tpu.memory_space<vmem>>, vector<1x16xf32>,
        %swap3A_57 = vector.shape_cast %swap3A_56 : vector<1x16xf32> to vector<16xf32>
        %swap3A_58 = vector.shape_cast %mul3A_53 : vector<16xf32> to vector<1x16xf32>
        tpu.vector_store %arg10[%swap3A_54, %swap3A_55], %swap3A_58 {strides = array<i32>} : memref<128x128xf32, #tpu.memory_space<vmem>>, vector<1x16xf32>,
        %get3A_59 = arith.index_cast %scan3A_32 : i32 to index
        %get3A_60 = arith.constant 32 : index
        %get3A_61 = tpu.vector_load %arg10[%get3A_59, %get3A_60] {strides = array<i32>} : memref<128x128xf32, #tpu.memory_space<vmem>>, vector<1x16xf32>,
        %get3A_62 = vector.shape_cast %get3A_61 : vector<1x16xf32> to vector<16xf32>
        %get3A_63 = arith.index_cast %scan3A_32 : i32 to index
        %get3A_64 = arith.constant 32 : index
        %get3A_65 = tpu.vector_load %arg11[%get3A_63, %get3A_64] {strides = array<i32>} : memref<128x128xf32, #tpu.memory_space<vmem>>, vector<1x16xf32>,
        %get3A_66 = vector.shape_cast %get3A_65 : vector<1x16xf32> to vector<16xf32>
        %mul3A_67 = arith.mulf %get3A_62, %get3A_66 : vector<16xf32>
        %swap3A_68 = arith.index_cast %scan3A_32 : i32 to index
        %swap3A_69 = arith.constant 32 : index
        %swap3A_70 = tpu.vector_load %arg10[%swap3A_68, %swap3A_69] {strides = array<i32>} : memref<128x128xf32, #tpu.memory_space<vmem>>, vector<1x16xf32>,
        %swap3A_71 = vector.shape_cast %swap3A_70 : vector<1x16xf32> to vector<16xf32>
        %swap3A_72 = vector.shape_cast %mul3A_67 : vector<16xf32> to vector<1x16xf32>
        tpu.vector_store %arg10[%swap3A_68, %swap3A_69], %swap3A_72 {strides = array<i32>} : memref<128x128xf32, #tpu.memory_space<vmem>>, vector<1x16xf32>,
        %get3A_73 = arith.index_cast %scan3A_32 : i32 to index
        %get3A_74 = arith.constant 48 : index
        %get3A_75 = tpu.vector_load %arg10[%get3A_73, %get3A_74] {strides = array<i32>} : memref<128x128xf32, #tpu.memory_space<vmem>>, vector<1x16xf32>,
        %get3A_76 = vector.shape_cast %get3A_75 : vector<1x16xf32> to vector<16xf32>
        %get3A_77 = arith.index_cast %scan3A_32 : i32 to index
        %get3A_78 = arith.constant 48 : index
        %get3A_79 = tpu.vector_load %arg11[%get3A_77, %get3A_78] {strides = array<i32>} : memref<128x128xf32, #tpu.memory_space<vmem>>, vector<1x16xf32>,
        %get3A_80 = vector.shape_cast %get3A_79 : vector<1x16xf32> to vector<16xf32>
        %mul3A_81 = arith.mulf %get3A_76, %get3A_80 : vector<16xf32>
        %swap3A_82 = arith.index_cast %scan3A_32 : i32 to index
        %swap3A_83 = arith.constant 48 : index
        %swap3A_84 = tpu.vector_load %arg10[%swap3A_82, %swap3A_83] {strides = array<i32>} : memref<128x128xf32, #tpu.memory_space<vmem>>, vector<1x16xf32>,
        %swap3A_85 = vector.shape_cast %swap3A_84 : vector<1x16xf32> to vector<16xf32>
        %swap3A_86 = vector.shape_cast %mul3A_81 : vector<16xf32> to vector<1x16xf32>
        tpu.vector_store %arg10[%swap3A_82, %swap3A_83], %swap3A_86 {strides = array<i32>} : memref<128x128xf32, #tpu.memory_space<vmem>>, vector<1x16xf32>,
        %get3A_87 = arith.index_cast %scan3A_32 : i32 to index
        %get3A_88 = arith.constant 64 : index
        %get3A_89 = tpu.vector_load %arg10[%get3A_87, %get3A_88] {strides = array<i32>} : memref<128x128xf32, #tpu.memory_space<vmem>>, vector<1x16xf32>,
        %get3A_90 = vector.shape_cast %get3A_89 : vector<1x16xf32> to vector<16xf32>
        %get3A_91 = arith.index_cast %scan3A_32 : i32 to index
        %get3A_92 = arith.constant 64 : index
        %get3A_93 = tpu.vector_load %arg11[%get3A_91, %get3A_92] {strides = array<i32>} : memref<128x128xf32, #tpu.memory_space<vmem>>, vector<1x16xf32>,
        %get3A_94 = vector.shape_cast %get3A_93 : vector<1x16xf32> to vector<16xf32>
        %mul3A_95 = arith.mulf %get3A_90, %get3A_94 : vector<16xf32>
        %swap3A_96 = arith.index_cast %scan3A_32 : i32 to index
        %swap3A_97 = arith.constant 64 : index
        %swap3A_98 = tpu.vector_load %arg10[%swap3A_96, %swap3A_97] {strides = array<i32>} : memref<128x128xf32, #tpu.memory_space<vmem>>, vector<1x16xf32>,
        %swap3A_99 = vector.shape_cast %swap3A_98 : vector<1x16xf32> to vector<16xf32>
        %swap3A_100 = vector.shape_cast %mul3A_95 : vector<16xf32> to vector<1x16xf32>
        tpu.vector_store %arg10[%swap3A_96, %swap3A_97], %swap3A_100 {strides = array<i32>} : memref<128x128xf32, #tpu.memory_space<vmem>>, vector<1x16xf32>,
        %get3A_101 = arith.index_cast %scan3A_32 : i32 to index
        %get3A_102 = arith.constant 80 : index
        %get3A_103 = tpu.vector_load %arg10[%get3A_101, %get3A_102] {strides = array<i32>} : memref<128x128xf32, #tpu.memory_space<vmem>>, vector<1x16xf32>,
        %get3A_104 = vector.shape_cast %get3A_103 : vector<1x16xf32> to vector<16xf32>
        %get3A_105 = arith.index_cast %scan3A_32 : i32 to index
        %get3A_106 = arith.constant 80 : index
        %get3A_107 = tpu.vector_load %arg11[%get3A_105, %get3A_106] {strides = array<i32>} : memref<128x128xf32, #tpu.memory_space<vmem>>, vector<1x16xf32>,
        %get3A_108 = vector.shape_cast %get3A_107 : vector<1x16xf32> to vector<16xf32>
        %mul3A_109 = arith.mulf %get3A_104, %get3A_108 : vector<16xf32>
        %swap3A_110 = arith.index_cast %scan3A_32 : i32 to index
        %swap3A_111 = arith.constant 80 : index
        %swap3A_112 = tpu.vector_load %arg10[%swap3A_110, %swap3A_111] {strides = array<i32>} : memref<128x128xf32, #tpu.memory_space<vmem>>, vector<1x16xf32>,
        %swap3A_113 = vector.shape_cast %swap3A_112 : vector<1x16xf32> to vector<16xf32>
        %swap3A_114 = vector.shape_cast %mul3A_109 : vector<16xf32> to vector<1x16xf32>
        tpu.vector_store %arg10[%swap3A_110, %swap3A_111], %swap3A_114 {strides = array<i32>} : memref<128x128xf32, #tpu.memory_space<vmem>>, vector<1x16xf32>,
        %get3A_115 = arith.index_cast %scan3A_32 : i32 to index
        %get3A_116 = arith.constant 96 : index
        %get3A_117 = tpu.vector_load %arg10[%get3A_115, %get3A_116] {strides = array<i32>} : memref<128x128xf32, #tpu.memory_space<vmem>>, vector<1x16xf32>,
        %get3A_118 = vector.shape_cast %get3A_117 : vector<1x16xf32> to vector<16xf32>
        %get3A_119 = arith.index_cast %scan3A_32 : i32 to index
        %get3A_120 = arith.constant 96 : index
        %get3A_121 = tpu.vector_load %arg11[%get3A_119, %get3A_120] {strides = array<i32>} : memref<128x128xf32, #tpu.memory_space<vmem>>, vector<1x16xf32>,
        %get3A_122 = vector.shape_cast %get3A_121 : vector<1x16xf32> to vector<16xf32>
        %mul3A_123 = arith.mulf %get3A_118, %get3A_122 : vector<16xf32>
        %swap3A_124 = arith.index_cast %scan3A_32 : i32 to index
        %swap3A_125 = arith.constant 96 : index
        %swap3A_126 = tpu.vector_load %arg10[%swap3A_124, %swap3A_125] {strides = array<i32>} : memref<128x128xf32, #tpu.memory_space<vmem>>, vector<1x16xf32>,
        %swap3A_127 = vector.shape_cast %swap3A_126 : vector<1x16xf32> to vector<16xf32>
        %swap3A_128 = vector.shape_cast %mul3A_123 : vector<16xf32> to vector<1x16xf32>
        tpu.vector_store %arg10[%swap3A_124, %swap3A_125], %swap3A_128 {strides = array<i32>} : memref<128x128xf32, #tpu.memory_space<vmem>>, vector<1x16xf32>,
        %get3A_129 = arith.index_cast %scan3A_32 : i32 to index
        %get3A_130 = arith.constant 112 : index
        %get3A_131 = tpu.vector_load %arg10[%get3A_129, %get3A_130] {strides = array<i32>} : memref<128x128xf32, #tpu.memory_space<vmem>>, vector<1x16xf32>,
        %get3A_132 = vector.shape_cast %get3A_131 : vector<1x16xf32> to vector<16xf32>
        %get3A_133 = arith.index_cast %scan3A_32 : i32 to index
        %get3A_134 = arith.constant 112 : index
        %get3A_135 = tpu.vector_load %arg11[%get3A_133, %get3A_134] {strides = array<i32>} : memref<128x128xf32, #tpu.memory_space<vmem>>, vector<1x16xf32>,
        %get3A_136 = vector.shape_cast %get3A_135 : vector<1x16xf32> to vector<16xf32>
        %mul3A_137 = arith.mulf %get3A_132, %get3A_136 : vector<16xf32>
        %swap3A_138 = arith.index_cast %scan3A_32 : i32 to index
        %swap3A_139 = arith.constant 112 : index
        %swap3A_140 = tpu.vector_load %arg10[%swap3A_138, %swap3A_139] {strides = array<i32>} : memref<128x128xf32, #tpu.memory_space<vmem>>, vector<1x16xf32>,
        %swap3A_141 = vector.shape_cast %swap3A_140 : vector<1x16xf32> to vector<16xf32>
        %swap3A_142 = vector.shape_cast %mul3A_137 : vector<16xf32> to vector<1x16xf32>
        tpu.vector_store %arg10[%swap3A_138, %swap3A_139], %swap3A_142 {strides = array<i32>} : memref<128x128xf32, #tpu.memory_space<vmem>>, vector<1x16xf32>,
      }
      %scan3A_31 = arith.constant 128 : i32
      "tpu.region"() ({
        %run_scoped3A = tpu.sem_alloc : memref<!tpu.dma_semaphore, #tpu.memory_space<semaphore_mem>>
        %dma_start3A_32 = arith.constant 0 : i32
        %dma_start3A_33 = arith.constant 0 : i32
        %dma_start3A_34 = tpu.memref_slice %arg12[%dma_start3A_32, %dma_start3A_33] : memref<10240x128xf32, #tpu.memory_space<vmem_shared>> -> memref<10240x128xf32, #tpu.memory_space<vmem_shared>>
        tpu.enqueue_indirect_dma source(%arg10 : memref<128x128xf32, #tpu.memory_space<vmem>>) target(%dma_start3A_34 : memref<10240x128xf32, #tpu.memory_space<vmem_shared>>) offsets(%arg9 : memref<128xi32, #tpu.memory_space<vmem>>) semaphore(%run_scoped3A : memref<!tpu.dma_semaphore, #tpu.memory_space<semaphore_mem>>) {add = true}
        %dma_wait3A_35 = arith.constant 0 : i32
        %dma_wait3A_36 = arith.constant 0 : i32
        %dma_wait3A_37 = tpu.memref_slice %arg12[%dma_wait3A_35, %dma_wait3A_36] : memref<10240x128xf32, #tpu.memory_space<vmem_shared>> -> memref<10240x128xf32, #tpu.memory_space<vmem_shared>>
        tpu.wait_indirect_dma semaphore(%run_scoped3A : memref<!tpu.dma_semaphore, #tpu.memory_space<semaphore_mem>>) src(%arg10 : memref<128x128xf32, #tpu.memory_space<vmem>>) dst(%dma_wait3A_37 : memref<10240x128xf32, #tpu.memory_space<vmem_shared>>)
        tpu.yield
      }) : () -> ()
    }
    %barrier3A_16 = arith.constant 0 : index
    tpu.barrier barrier_id(%barrier3A_16)
    "tpu.region"() ({
      %run_scoped3A = tpu.sem_alloc : memref<!tpu.dma_semaphore, #tpu.memory_space<semaphore_mem>>
      %dma_start3A = arith.constant 0 : i32
      %dma_start3A_17 = tpu.memref_slice %arg7[%arg0, %mul3A_2, %dma_start3A] : memref<2x10240x128xf32, #tpu.memory_space<hbm>> -> memref<1x640x128xf32, #tpu.memory_space<hbm>>
      %dma_start3A_18 = tpu.memref_squeeze %dma_start3A_17 : memref<1x640x128xf32, #tpu.memory_space<hbm>> -> memref<640x128xf32, #tpu.memory_space<hbm>>
      %dma_start3A_19 = arith.constant 0 : i32
      %dma_start3A_20 = tpu.memref_slice %arg12[%mul3A_2, %dma_start3A_19] : memref<10240x128xf32, #tpu.memory_space<vmem_shared>> -> memref<640x128xf32, #tpu.memory_space<vmem_shared>>
      tpu.enqueue_dma source(%dma_start3A_20 : memref<640x128xf32, #tpu.memory_space<vmem_shared>>) target(%dma_start3A_18 : memref<640x128xf32, #tpu.memory_space<hbm>>) target_semaphore(%run_scoped3A : memref<!tpu.dma_semaphore, #tpu.memory_space<semaphore_mem>>)
      %dma_wait3A = arith.constant 0 : i32
      %dma_wait3A_21 = tpu.memref_slice %arg7[%arg0, %mul3A_2, %dma_wait3A] : memref<2x10240x128xf32, #tpu.memory_space<hbm>> -> memref<1x640x128xf32, #tpu.memory_space<hbm>>
      %dma_wait3A_22 = tpu.memref_squeeze %dma_wait3A_21 : memref<1x640x128xf32, #tpu.memory_space<hbm>> -> memref<640x128xf32, #tpu.memory_space<hbm>>
      %dma_wait3A_23 = arith.constant 0 : i32
      %dma_wait3A_24 = tpu.memref_slice %arg12[%mul3A_2, %dma_wait3A_23] : memref<10240x128xf32, #tpu.memory_space<vmem_shared>> -> memref<640x128xf32, #tpu.memory_space<vmem_shared>>
      tpu.wait_dma2 semaphore(%run_scoped3A : memref<!tpu.dma_semaphore, #tpu.memory_space<semaphore_mem>>) src(%dma_wait3A_24 : memref<640x128xf32, #tpu.memory_space<vmem_shared>>) dst(%dma_wait3A_22 : memref<640x128xf32, #tpu.memory_space<hbm>>)
      tpu.yield
    }) : () -> ()
    return
  }
}

#map = affine_map<(d0, d1) -> (0)>
#map1 = affine_map<(d0, d1) -> (0, 0)>
#map2 = affine_map<(d0, d1) -> (0, 0, 0)>
module attributes {stable_mosaic.version = 14 : i64} {
  func.func @_sc_deg(%arg0: i32, %arg1: i32, %arg2: memref<320000xi32, #tpu.memory_space<hbm>>, %arg3: memref<10240x16xf32, #tpu.memory_space<hbm>>, %arg4: memref<2x10240x16xf32, #tpu.memory_space<hbm>>, %arg5: memref<128xi32, #tpu.memory_space<vmem>>, %arg6: memref<128x16xf32, #tpu.memory_space<vmem>>, %arg7: memref<10240x16xf32, #tpu.memory_space<vmem_shared>>) attributes {dimension_semantics = [#tpu.dimension_semantics<core_parallel>, #tpu.dimension_semantics<subcore_parallel>], iteration_bounds = array<i64: 2, 16>, scalar_prefetch = 0 : i64, scratch_operands = 3 : i64, tpu.core_type = #tpu.core_type<sc_vector_subcore>, window_params = [{transform_indices = #map}, {transform_indices = #map1}, {transform_indices = #map2}]} {
    %mul3A = arith.constant 2 : i32
    %mul3A_0 = arith.muli %arg1, %mul3A : i32
    %add3A = arith.addi %mul3A_0, %arg0 : i32
    %broadcast_in_dim3A = arith.constant 1.000000e+00 : f32
    %broadcast_in_dim3A_1 = vector.broadcast %broadcast_in_dim3A : f32 to vector<16xf32>
    %scan3A = arith.constant 0 : i32
    %scan3A_2 = arith.constant 0 : i32
    %scan3A_3 = arith.constant 128 : i32
    %scan3A_4 = arith.addi %scan3A_2, %scan3A_3 : i32
    %scan3A_5 = arith.constant 1 : i32
    scf.for %scan3A_23 = %scan3A_2 to %scan3A_4 step %scan3A_5  : i32 {
      %swap3A = arith.index_cast %scan3A_23 : i32 to index
      %swap3A_24 = arith.constant 0 : index
      %swap3A_25 = tpu.vector_load %arg6[%swap3A, %swap3A_24] {strides = array<i32>} : memref<128x16xf32, #tpu.memory_space<vmem>>, vector<1x16xf32>,
      %swap3A_26 = vector.shape_cast %swap3A_25 : vector<1x16xf32> to vector<16xf32>
      %swap3A_27 = vector.shape_cast %broadcast_in_dim3A_1 : vector<16xf32> to vector<1x16xf32>
      tpu.vector_store %arg6[%swap3A, %swap3A_24], %swap3A_27 {strides = array<i32>} : memref<128x16xf32, #tpu.memory_space<vmem>>, vector<1x16xf32>,
    }
    %scan3A_6 = arith.constant 128 : i32
    %mul3A_7 = arith.constant 640 : i32
    %mul3A_8 = arith.muli %arg1, %mul3A_7 : i32
    "tpu.region"() ({
      %run_scoped3A = tpu.sem_alloc : memref<!tpu.dma_semaphore, #tpu.memory_space<semaphore_mem>>
      %dma_start3A = arith.constant 0 : i32
      %dma_start3A_23 = tpu.memref_slice %arg7[%mul3A_8, %dma_start3A] : memref<10240x16xf32, #tpu.memory_space<vmem_shared>> -> memref<640x16xf32, #tpu.memory_space<vmem_shared>>
      %dma_start3A_24 = arith.constant 0 : i32
      %dma_start3A_25 = tpu.memref_slice %arg3[%mul3A_8, %dma_start3A_24] : memref<10240x16xf32, #tpu.memory_space<hbm>> -> memref<640x16xf32, #tpu.memory_space<hbm>>
      tpu.enqueue_dma source(%dma_start3A_25 : memref<640x16xf32, #tpu.memory_space<hbm>>) target(%dma_start3A_23 : memref<640x16xf32, #tpu.memory_space<vmem_shared>>) target_semaphore(%run_scoped3A : memref<!tpu.dma_semaphore, #tpu.memory_space<semaphore_mem>>)
      %dma_wait3A = arith.constant 0 : i32
      %dma_wait3A_26 = tpu.memref_slice %arg7[%mul3A_8, %dma_wait3A] : memref<10240x16xf32, #tpu.memory_space<vmem_shared>> -> memref<640x16xf32, #tpu.memory_space<vmem_shared>>
      %dma_wait3A_27 = arith.constant 0 : i32
      %dma_wait3A_28 = tpu.memref_slice %arg3[%mul3A_8, %dma_wait3A_27] : memref<10240x16xf32, #tpu.memory_space<hbm>> -> memref<640x16xf32, #tpu.memory_space<hbm>>
      tpu.wait_dma2 semaphore(%run_scoped3A : memref<!tpu.dma_semaphore, #tpu.memory_space<semaphore_mem>>) src(%dma_wait3A_28 : memref<640x16xf32, #tpu.memory_space<hbm>>) dst(%dma_wait3A_26 : memref<640x16xf32, #tpu.memory_space<vmem_shared>>)
      tpu.yield
    }) : () -> ()
    %barrier3A = arith.constant 0 : index
    tpu.barrier barrier_id(%barrier3A)
    %lt3A = arith.constant 4 : i32
    %lt3A_9 = arith.cmpi slt, %add3A, %lt3A : i32
    %jit3A = arith.constant 1 : i32
    %jit3A_10 = arith.constant 0 : i32
    %select_n3A = arith.select %lt3A_9, %jit3A, %jit3A_10 : i32
    %add3A_11 = arith.constant 78 : i32
    %add3A_12 = arith.addi %add3A_11, %select_n3A : i32
    %while3A = arith.constant 0 : i32
    %while3A_13 = arith.constant 0 : i32
    %while3A_14 = arith.subi %add3A_12, %while3A_13 : i32
    %while3A_15 = arith.addi %while3A_13, %while3A_14 : i32
    %while3A_16 = arith.constant 1 : i32
    %while3A_17 = arith.divsi %while3A_14, %while3A_16 : i32
    %while3A_18 = arith.muli %while3A_17, %while3A_16 : i32
    %while3A_19 = arith.addi %while3A_13, %while3A_18 : i32
    %while3A_20 = arith.constant 1 : i32
    scf.for %while3A_23 = %while3A_13 to %while3A_19 step %while3A_20  : i32 {
      %mul3A_24 = arith.constant 32 : i32
      %mul3A_25 = arith.muli %mul3A_24, %while3A_23 : i32
      %add3A_26 = arith.addi %add3A, %mul3A_25 : i32
      %mul3A_27 = arith.constant 128 : i32
      %mul3A_28 = arith.muli %add3A_26, %mul3A_27 : i32
      "tpu.region"() ({
        %run_scoped3A = tpu.sem_alloc : memref<!tpu.dma_semaphore, #tpu.memory_space<semaphore_mem>>
        %dma_start3A = tpu.memref_slice %arg2[%mul3A_28] : memref<320000xi32, #tpu.memory_space<hbm>> -> memref<128xi32, #tpu.memory_space<hbm>>
        %dma_start3A_29 = tpu.memref_slice %arg2[%mul3A_28] : memref<320000xi32, #tpu.memory_space<hbm>> -> memref<128xi32, #tpu.memory_space<hbm>>
        tpu.enqueue_dma source(%dma_start3A_29 : memref<128xi32, #tpu.memory_space<hbm>>) target(%arg5 : memref<128xi32, #tpu.memory_space<vmem>>) target_semaphore(%run_scoped3A : memref<!tpu.dma_semaphore, #tpu.memory_space<semaphore_mem>>)
        %dma_wait3A = tpu.memref_slice %arg2[%mul3A_28] : memref<320000xi32, #tpu.memory_space<hbm>> -> memref<128xi32, #tpu.memory_space<hbm>>
        %dma_wait3A_30 = tpu.memref_slice %arg2[%mul3A_28] : memref<320000xi32, #tpu.memory_space<hbm>> -> memref<128xi32, #tpu.memory_space<hbm>>
        tpu.wait_dma2 semaphore(%run_scoped3A : memref<!tpu.dma_semaphore, #tpu.memory_space<semaphore_mem>>) src(%dma_wait3A_30 : memref<128xi32, #tpu.memory_space<hbm>>) dst(%arg5 : memref<128xi32, #tpu.memory_space<vmem>>)
        tpu.yield
      }) : () -> ()
      "tpu.region"() ({
        %run_scoped3A = tpu.sem_alloc : memref<!tpu.dma_semaphore, #tpu.memory_space<semaphore_mem>>
        %dma_start3A = arith.constant 0 : i32
        %dma_start3A_29 = arith.constant 0 : i32
        %dma_start3A_30 = tpu.memref_slice %arg7[%dma_start3A, %dma_start3A_29] : memref<10240x16xf32, #tpu.memory_space<vmem_shared>> -> memref<10240x16xf32, #tpu.memory_space<vmem_shared>>
        tpu.enqueue_indirect_dma source(%arg6 : memref<128x16xf32, #tpu.memory_space<vmem>>) target(%dma_start3A_30 : memref<10240x16xf32, #tpu.memory_space<vmem_shared>>) offsets(%arg5 : memref<128xi32, #tpu.memory_space<vmem>>) semaphore(%run_scoped3A : memref<!tpu.dma_semaphore, #tpu.memory_space<semaphore_mem>>) {add = true}
        %dma_wait3A = arith.constant 0 : i32
        %dma_wait3A_31 = arith.constant 0 : i32
        %dma_wait3A_32 = tpu.memref_slice %arg7[%dma_wait3A, %dma_wait3A_31] : memref<10240x16xf32, #tpu.memory_space<vmem_shared>> -> memref<10240x16xf32, #tpu.memory_space<vmem_shared>>
        tpu.wait_indirect_dma semaphore(%run_scoped3A : memref<!tpu.dma_semaphore, #tpu.memory_space<semaphore_mem>>) src(%arg6 : memref<128x16xf32, #tpu.memory_space<vmem>>) dst(%dma_wait3A_32 : memref<10240x16xf32, #tpu.memory_space<vmem_shared>>)
        tpu.yield
      }) : () -> ()
    }
    %while3A_21 = arith.constant 1 : i32
    scf.for %while3A_23 = %while3A_19 to %while3A_15 step %while3A_21  : i32 {
      %mul3A_24 = arith.constant 32 : i32
      %mul3A_25 = arith.muli %mul3A_24, %while3A_23 : i32
      %add3A_26 = arith.addi %add3A, %mul3A_25 : i32
      %mul3A_27 = arith.constant 128 : i32
      %mul3A_28 = arith.muli %add3A_26, %mul3A_27 : i32
      "tpu.region"() ({
        %run_scoped3A = tpu.sem_alloc : memref<!tpu.dma_semaphore, #tpu.memory_space<semaphore_mem>>
        %dma_start3A = tpu.memref_slice %arg2[%mul3A_28] : memref<320000xi32, #tpu.memory_space<hbm>> -> memref<128xi32, #tpu.memory_space<hbm>>
        %dma_start3A_29 = tpu.memref_slice %arg2[%mul3A_28] : memref<320000xi32, #tpu.memory_space<hbm>> -> memref<128xi32, #tpu.memory_space<hbm>>
        tpu.enqueue_dma source(%dma_start3A_29 : memref<128xi32, #tpu.memory_space<hbm>>) target(%arg5 : memref<128xi32, #tpu.memory_space<vmem>>) target_semaphore(%run_scoped3A : memref<!tpu.dma_semaphore, #tpu.memory_space<semaphore_mem>>)
        %dma_wait3A = tpu.memref_slice %arg2[%mul3A_28] : memref<320000xi32, #tpu.memory_space<hbm>> -> memref<128xi32, #tpu.memory_space<hbm>>
        %dma_wait3A_30 = tpu.memref_slice %arg2[%mul3A_28] : memref<320000xi32, #tpu.memory_space<hbm>> -> memref<128xi32, #tpu.memory_space<hbm>>
        tpu.wait_dma2 semaphore(%run_scoped3A : memref<!tpu.dma_semaphore, #tpu.memory_space<semaphore_mem>>) src(%dma_wait3A_30 : memref<128xi32, #tpu.memory_space<hbm>>) dst(%arg5 : memref<128xi32, #tpu.memory_space<vmem>>)
        tpu.yield
      }) : () -> ()
      "tpu.region"() ({
        %run_scoped3A = tpu.sem_alloc : memref<!tpu.dma_semaphore, #tpu.memory_space<semaphore_mem>>
        %dma_start3A = arith.constant 0 : i32
        %dma_start3A_29 = arith.constant 0 : i32
        %dma_start3A_30 = tpu.memref_slice %arg7[%dma_start3A, %dma_start3A_29] : memref<10240x16xf32, #tpu.memory_space<vmem_shared>> -> memref<10240x16xf32, #tpu.memory_space<vmem_shared>>
        tpu.enqueue_indirect_dma source(%arg6 : memref<128x16xf32, #tpu.memory_space<vmem>>) target(%dma_start3A_30 : memref<10240x16xf32, #tpu.memory_space<vmem_shared>>) offsets(%arg5 : memref<128xi32, #tpu.memory_space<vmem>>) semaphore(%run_scoped3A : memref<!tpu.dma_semaphore, #tpu.memory_space<semaphore_mem>>) {add = true}
        %dma_wait3A = arith.constant 0 : i32
        %dma_wait3A_31 = arith.constant 0 : i32
        %dma_wait3A_32 = tpu.memref_slice %arg7[%dma_wait3A, %dma_wait3A_31] : memref<10240x16xf32, #tpu.memory_space<vmem_shared>> -> memref<10240x16xf32, #tpu.memory_space<vmem_shared>>
        tpu.wait_indirect_dma semaphore(%run_scoped3A : memref<!tpu.dma_semaphore, #tpu.memory_space<semaphore_mem>>) src(%arg6 : memref<128x16xf32, #tpu.memory_space<vmem>>) dst(%dma_wait3A_32 : memref<10240x16xf32, #tpu.memory_space<vmem_shared>>)
        tpu.yield
      }) : () -> ()
    }
    %barrier3A_22 = arith.constant 0 : index
    tpu.barrier barrier_id(%barrier3A_22)
    "tpu.region"() ({
      %run_scoped3A = tpu.sem_alloc : memref<!tpu.dma_semaphore, #tpu.memory_space<semaphore_mem>>
      %dma_start3A = arith.constant 0 : i32
      %dma_start3A_23 = tpu.memref_slice %arg4[%arg0, %mul3A_8, %dma_start3A] : memref<2x10240x16xf32, #tpu.memory_space<hbm>> -> memref<1x640x16xf32, #tpu.memory_space<hbm>>
      %dma_start3A_24 = tpu.memref_squeeze %dma_start3A_23 : memref<1x640x16xf32, #tpu.memory_space<hbm>> -> memref<640x16xf32, #tpu.memory_space<hbm>>
      %dma_start3A_25 = arith.constant 0 : i32
      %dma_start3A_26 = tpu.memref_slice %arg7[%mul3A_8, %dma_start3A_25] : memref<10240x16xf32, #tpu.memory_space<vmem_shared>> -> memref<640x16xf32, #tpu.memory_space<vmem_shared>>
      tpu.enqueue_dma source(%dma_start3A_26 : memref<640x16xf32, #tpu.memory_space<vmem_shared>>) target(%dma_start3A_24 : memref<640x16xf32, #tpu.memory_space<hbm>>) target_semaphore(%run_scoped3A : memref<!tpu.dma_semaphore, #tpu.memory_space<semaphore_mem>>)
      %dma_wait3A = arith.constant 0 : i32
      %dma_wait3A_27 = tpu.memref_slice %arg4[%arg0, %mul3A_8, %dma_wait3A] : memref<2x10240x16xf32, #tpu.memory_space<hbm>> -> memref<1x640x16xf32, #tpu.memory_space<hbm>>
      %dma_wait3A_28 = tpu.memref_squeeze %dma_wait3A_27 : memref<1x640x16xf32, #tpu.memory_space<hbm>> -> memref<640x16xf32, #tpu.memory_space<hbm>>
      %dma_wait3A_29 = arith.constant 0 : i32
      %dma_wait3A_30 = tpu.memref_slice %arg7[%mul3A_8, %dma_wait3A_29] : memref<10240x16xf32, #tpu.memory_space<vmem_shared>> -> memref<640x16xf32, #tpu.memory_space<vmem_shared>>
      tpu.wait_dma2 semaphore(%run_scoped3A : memref<!tpu.dma_semaphore, #tpu.memory_space<semaphore_mem>>) src(%dma_wait3A_30 : memref<640x16xf32, #tpu.memory_space<vmem_shared>>) dst(%dma_wait3A_28 : memref<640x16xf32, #tpu.memory_space<hbm>>)
      tpu.yield
    }) : () -> ()
    return
  }
}

#map = affine_map<(d0, d1) -> (0, 0)>
#map1 = affine_map<(d0, d1) -> (0)>
#map2 = affine_map<(d0, d1) -> (0, 0, 0)>
module attributes {stable_mosaic.version = 14 : i64} {
  func.func @_sc_agg(%arg0: i32, %arg1: i32, %arg2: memref<10000x128xf32, #tpu.memory_space<hbm>>, %arg3: memref<320000x128xf32, #tpu.memory_space<hbm>>, %arg4: memref<320000xi32, #tpu.memory_space<hbm>>, %arg5: memref<320000xi32, #tpu.memory_space<hbm>>, %arg6: memref<10240x128xf32, #tpu.memory_space<hbm>>, %arg7: memref<2x10240x128xf32, #tpu.memory_space<hbm>>, %arg8: memref<128xi32, #tpu.memory_space<vmem>>, %arg9: memref<128xi32, #tpu.memory_space<vmem>>, %arg10: memref<128x128xf32, #tpu.memory_space<vmem>>, %arg11: memref<128x128xf32, #tpu.memory_space<vmem>>, %arg12: memref<10240x128xf32, #tpu.memory_space<vmem_shared>>, %arg13: memref<!tpu.dma_semaphore, #tpu.memory_space<semaphore_mem>>) attributes {dimension_semantics = [#tpu.dimension_semantics<core_parallel>, #tpu.dimension_semantics<subcore_parallel>], iteration_bounds = array<i64: 2, 16>, scalar_prefetch = 0 : i64, scratch_operands = 6 : i64, tpu.core_type = #tpu.core_type<sc_vector_subcore>, window_params = [{transform_indices = #map}, {transform_indices = #map}, {transform_indices = #map1}, {transform_indices = #map1}, {transform_indices = #map}, {transform_indices = #map2}]} {
    %mul3A = arith.constant 2 : i32
    %mul3A_0 = arith.muli %arg1, %mul3A : i32
    %add3A = arith.addi %mul3A_0, %arg0 : i32
    %mul3A_1 = arith.constant 640 : i32
    %mul3A_2 = arith.muli %arg1, %mul3A_1 : i32
    "tpu.region"() ({
      %run_scoped3A = tpu.sem_alloc : memref<!tpu.dma_semaphore, #tpu.memory_space<semaphore_mem>>
      %dma_start3A = arith.constant 0 : i32
      %dma_start3A_17 = tpu.memref_slice %arg12[%mul3A_2, %dma_start3A] : memref<10240x128xf32, #tpu.memory_space<vmem_shared>> -> memref<640x128xf32, #tpu.memory_space<vmem_shared>>
      %dma_start3A_18 = arith.constant 0 : i32
      %dma_start3A_19 = tpu.memref_slice %arg6[%mul3A_2, %dma_start3A_18] : memref<10240x128xf32, #tpu.memory_space<hbm>> -> memref<640x128xf32, #tpu.memory_space<hbm>>
      tpu.enqueue_dma source(%dma_start3A_19 : memref<640x128xf32, #tpu.memory_space<hbm>>) target(%dma_start3A_17 : memref<640x128xf32, #tpu.memory_space<vmem_shared>>) target_semaphore(%run_scoped3A : memref<!tpu.dma_semaphore, #tpu.memory_space<semaphore_mem>>)
      %dma_wait3A = arith.constant 0 : i32
      %dma_wait3A_20 = tpu.memref_slice %arg12[%mul3A_2, %dma_wait3A] : memref<10240x128xf32, #tpu.memory_space<vmem_shared>> -> memref<640x128xf32, #tpu.memory_space<vmem_shared>>
      %dma_wait3A_21 = arith.constant 0 : i32
      %dma_wait3A_22 = tpu.memref_slice %arg6[%mul3A_2, %dma_wait3A_21] : memref<10240x128xf32, #tpu.memory_space<hbm>> -> memref<640x128xf32, #tpu.memory_space<hbm>>
      tpu.wait_dma2 semaphore(%run_scoped3A : memref<!tpu.dma_semaphore, #tpu.memory_space<semaphore_mem>>) src(%dma_wait3A_22 : memref<640x128xf32, #tpu.memory_space<hbm>>) dst(%dma_wait3A_20 : memref<640x128xf32, #tpu.memory_space<vmem_shared>>)
      tpu.yield
    }) : () -> ()
    %barrier3A = arith.constant 0 : index
    tpu.barrier barrier_id(%barrier3A)
    %lt3A = arith.constant 4 : i32
    %lt3A_3 = arith.cmpi slt, %add3A, %lt3A : i32
    %jit3A = arith.constant 1 : i32
    %jit3A_4 = arith.constant 0 : i32
    %select_n3A = arith.select %lt3A_3, %jit3A, %jit3A_4 : i32
    %add3A_5 = arith.constant 78 : i32
    %add3A_6 = arith.addi %add3A_5, %select_n3A : i32
    %while3A = arith.constant 0 : i32
    %while3A_7 = arith.constant 0 : i32
    %while3A_8 = arith.subi %add3A_6, %while3A_7 : i32
    %while3A_9 = arith.addi %while3A_7, %while3A_8 : i32
    %while3A_10 = arith.constant 1 : i32
    %while3A_11 = arith.divsi %while3A_8, %while3A_10 : i32
    %while3A_12 = arith.muli %while3A_11, %while3A_10 : i32
    %while3A_13 = arith.addi %while3A_7, %while3A_12 : i32
    %while3A_14 = arith.constant 1 : i32
    scf.for %while3A_17 = %while3A_7 to %while3A_13 step %while3A_14  : i32 {
      %mul3A_18 = arith.constant 32 : i32
      %mul3A_19 = arith.muli %mul3A_18, %while3A_17 : i32
      %add3A_20 = arith.addi %add3A, %mul3A_19 : i32
      %mul3A_21 = arith.constant 128 : i32
      %mul3A_22 = arith.muli %add3A_20, %mul3A_21 : i32
      "tpu.region"() ({
        %run_scoped3A = tpu.sem_alloc : memref<!tpu.dma_semaphore, #tpu.memory_space<semaphore_mem>>
        %dma_start3A_32 = tpu.memref_slice %arg4[%mul3A_22] : memref<320000xi32, #tpu.memory_space<hbm>> -> memref<128xi32, #tpu.memory_space<hbm>>
        %dma_start3A_33 = tpu.memref_slice %arg4[%mul3A_22] : memref<320000xi32, #tpu.memory_space<hbm>> -> memref<128xi32, #tpu.memory_space<hbm>>
        tpu.enqueue_dma source(%dma_start3A_33 : memref<128xi32, #tpu.memory_space<hbm>>) target(%arg8 : memref<128xi32, #tpu.memory_space<vmem>>) target_semaphore(%run_scoped3A : memref<!tpu.dma_semaphore, #tpu.memory_space<semaphore_mem>>)
        %dma_wait3A_34 = tpu.memref_slice %arg4[%mul3A_22] : memref<320000xi32, #tpu.memory_space<hbm>> -> memref<128xi32, #tpu.memory_space<hbm>>
        %dma_wait3A_35 = tpu.memref_slice %arg4[%mul3A_22] : memref<320000xi32, #tpu.memory_space<hbm>> -> memref<128xi32, #tpu.memory_space<hbm>>
        tpu.wait_dma2 semaphore(%run_scoped3A : memref<!tpu.dma_semaphore, #tpu.memory_space<semaphore_mem>>) src(%dma_wait3A_35 : memref<128xi32, #tpu.memory_space<hbm>>) dst(%arg8 : memref<128xi32, #tpu.memory_space<vmem>>)
        tpu.yield
      }) : () -> ()
      "tpu.region"() ({
        %run_scoped3A = tpu.sem_alloc : memref<!tpu.dma_semaphore, #tpu.memory_space<semaphore_mem>>
        %dma_start3A_32 = tpu.memref_slice %arg5[%mul3A_22] : memref<320000xi32, #tpu.memory_space<hbm>> -> memref<128xi32, #tpu.memory_space<hbm>>
        %dma_start3A_33 = tpu.memref_slice %arg5[%mul3A_22] : memref<320000xi32, #tpu.memory_space<hbm>> -> memref<128xi32, #tpu.memory_space<hbm>>
        tpu.enqueue_dma source(%dma_start3A_33 : memref<128xi32, #tpu.memory_space<hbm>>) target(%arg9 : memref<128xi32, #tpu.memory_space<vmem>>) target_semaphore(%run_scoped3A : memref<!tpu.dma_semaphore, #tpu.memory_space<semaphore_mem>>)
        %dma_wait3A_34 = tpu.memref_slice %arg5[%mul3A_22] : memref<320000xi32, #tpu.memory_space<hbm>> -> memref<128xi32, #tpu.memory_space<hbm>>
        %dma_wait3A_35 = tpu.memref_slice %arg5[%mul3A_22] : memref<320000xi32, #tpu.memory_space<hbm>> -> memref<128xi32, #tpu.memory_space<hbm>>
        tpu.wait_dma2 semaphore(%run_scoped3A : memref<!tpu.dma_semaphore, #tpu.memory_space<semaphore_mem>>) src(%dma_wait3A_35 : memref<128xi32, #tpu.memory_space<hbm>>) dst(%arg9 : memref<128xi32, #tpu.memory_space<vmem>>)
        tpu.yield
      }) : () -> ()
      "tpu.region"() ({
        %run_scoped3A = tpu.sem_alloc : memref<!tpu.dma_semaphore, #tpu.memory_space<semaphore_mem>>
        %dma_start3A_32 = arith.constant 0 : i32
        %dma_start3A_33 = tpu.memref_slice %arg3[%mul3A_22, %dma_start3A_32] : memref<320000x128xf32, #tpu.memory_space<hbm>> -> memref<128x128xf32, #tpu.memory_space<hbm>>
        %dma_start3A_34 = arith.constant 0 : i32
        %dma_start3A_35 = tpu.memref_slice %arg3[%mul3A_22, %dma_start3A_34] : memref<320000x128xf32, #tpu.memory_space<hbm>> -> memref<128x128xf32, #tpu.memory_space<hbm>>
        tpu.enqueue_dma source(%dma_start3A_35 : memref<128x128xf32, #tpu.memory_space<hbm>>) target(%arg11 : memref<128x128xf32, #tpu.memory_space<vmem>>) target_semaphore(%run_scoped3A : memref<!tpu.dma_semaphore, #tpu.memory_space<semaphore_mem>>)
        %dma_wait3A_36 = arith.constant 0 : i32
        %dma_wait3A_37 = tpu.memref_slice %arg3[%mul3A_22, %dma_wait3A_36] : memref<320000x128xf32, #tpu.memory_space<hbm>> -> memref<128x128xf32, #tpu.memory_space<hbm>>
        %dma_wait3A_38 = arith.constant 0 : i32
        %dma_wait3A_39 = tpu.memref_slice %arg3[%mul3A_22, %dma_wait3A_38] : memref<320000x128xf32, #tpu.memory_space<hbm>> -> memref<128x128xf32, #tpu.memory_space<hbm>>
        tpu.wait_dma2 semaphore(%run_scoped3A : memref<!tpu.dma_semaphore, #tpu.memory_space<semaphore_mem>>) src(%dma_wait3A_39 : memref<128x128xf32, #tpu.memory_space<hbm>>) dst(%arg11 : memref<128x128xf32, #tpu.memory_space<vmem>>)
        tpu.yield
      }) : () -> ()
      %dma_start3A = arith.constant 0 : i32
      %dma_start3A_23 = arith.constant 0 : i32
      %dma_start3A_24 = tpu.memref_slice %arg2[%dma_start3A, %dma_start3A_23] : memref<10000x128xf32, #tpu.memory_space<hbm>> -> memref<10000x128xf32, #tpu.memory_space<hbm>>
      tpu.enqueue_indirect_dma source(%dma_start3A_24 : memref<10000x128xf32, #tpu.memory_space<hbm>>) target(%arg10 : memref<128x128xf32, #tpu.memory_space<vmem>>) offsets(%arg8 : memref<128xi32, #tpu.memory_space<vmem>>) semaphore(%arg13 : memref<!tpu.dma_semaphore, #tpu.memory_space<semaphore_mem>>)
      %dma_wait3A = arith.constant 0 : i32
      %dma_wait3A_25 = arith.constant 0 : i32
      %dma_wait3A_26 = tpu.memref_slice %arg2[%dma_wait3A, %dma_wait3A_25] : memref<10000x128xf32, #tpu.memory_space<hbm>> -> memref<10000x128xf32, #tpu.memory_space<hbm>>
      tpu.wait_indirect_dma semaphore(%arg13 : memref<!tpu.dma_semaphore, #tpu.memory_space<semaphore_mem>>) src(%dma_wait3A_26 : memref<10000x128xf32, #tpu.memory_space<hbm>>) dst(%arg10 : memref<128x128xf32, #tpu.memory_space<vmem>>)
      %scan3A = arith.constant 0 : i32
      %scan3A_27 = arith.constant 0 : i32
      %scan3A_28 = arith.constant 128 : i32
      %scan3A_29 = arith.addi %scan3A_27, %scan3A_28 : i32
      %scan3A_30 = arith.constant 1 : i32
      scf.for %scan3A_32 = %scan3A_27 to %scan3A_29 step %scan3A_30  : i32 {
        %get3A = arith.index_cast %scan3A_32 : i32 to index
        %get3A_33 = arith.constant 0 : index
        %get3A_34 = tpu.vector_load %arg10[%get3A, %get3A_33] {strides = array<i32>} : memref<128x128xf32, #tpu.memory_space<vmem>>, vector<1x16xf32>,
        %get3A_35 = vector.shape_cast %get3A_34 : vector<1x16xf32> to vector<16xf32>
        %get3A_36 = arith.index_cast %scan3A_32 : i32 to index
        %get3A_37 = arith.constant 0 : index
        %get3A_38 = tpu.vector_load %arg11[%get3A_36, %get3A_37] {strides = array<i32>} : memref<128x128xf32, #tpu.memory_space<vmem>>, vector<1x16xf32>,
        %get3A_39 = vector.shape_cast %get3A_38 : vector<1x16xf32> to vector<16xf32>
        %mul3A_40 = arith.mulf %get3A_35, %get3A_39 : vector<16xf32>
        %swap3A = arith.index_cast %scan3A_32 : i32 to index
        %swap3A_41 = arith.constant 0 : index
        %swap3A_42 = tpu.vector_load %arg10[%swap3A, %swap3A_41] {strides = array<i32>} : memref<128x128xf32, #tpu.memory_space<vmem>>, vector<1x16xf32>,
        %swap3A_43 = vector.shape_cast %swap3A_42 : vector<1x16xf32> to vector<16xf32>
        %swap3A_44 = vector.shape_cast %mul3A_40 : vector<16xf32> to vector<1x16xf32>
        tpu.vector_store %arg10[%swap3A, %swap3A_41], %swap3A_44 {strides = array<i32>} : memref<128x128xf32, #tpu.memory_space<vmem>>, vector<1x16xf32>,
        %get3A_45 = arith.index_cast %scan3A_32 : i32 to index
        %get3A_46 = arith.constant 16 : index
        %get3A_47 = tpu.vector_load %arg10[%get3A_45, %get3A_46] {strides = array<i32>} : memref<128x128xf32, #tpu.memory_space<vmem>>, vector<1x16xf32>,
        %get3A_48 = vector.shape_cast %get3A_47 : vector<1x16xf32> to vector<16xf32>
        %get3A_49 = arith.index_cast %scan3A_32 : i32 to index
        %get3A_50 = arith.constant 16 : index
        %get3A_51 = tpu.vector_load %arg11[%get3A_49, %get3A_50] {strides = array<i32>} : memref<128x128xf32, #tpu.memory_space<vmem>>, vector<1x16xf32>,
        %get3A_52 = vector.shape_cast %get3A_51 : vector<1x16xf32> to vector<16xf32>
        %mul3A_53 = arith.mulf %get3A_48, %get3A_52 : vector<16xf32>
        %swap3A_54 = arith.index_cast %scan3A_32 : i32 to index
        %swap3A_55 = arith.constant 16 : index
        %swap3A_56 = tpu.vector_load %arg10[%swap3A_54, %swap3A_55] {strides = array<i32>} : memref<128x128xf32, #tpu.memory_space<vmem>>, vector<1x16xf32>,
        %swap3A_57 = vector.shape_cast %swap3A_56 : vector<1x16xf32> to vector<16xf32>
        %swap3A_58 = vector.shape_cast %mul3A_53 : vector<16xf32> to vector<1x16xf32>
        tpu.vector_store %arg10[%swap3A_54, %swap3A_55], %swap3A_58 {strides = array<i32>} : memref<128x128xf32, #tpu.memory_space<vmem>>, vector<1x16xf32>,
        %get3A_59 = arith.index_cast %scan3A_32 : i32 to index
        %get3A_60 = arith.constant 32 : index
        %get3A_61 = tpu.vector_load %arg10[%get3A_59, %get3A_60] {strides = array<i32>} : memref<128x128xf32, #tpu.memory_space<vmem>>, vector<1x16xf32>,
        %get3A_62 = vector.shape_cast %get3A_61 : vector<1x16xf32> to vector<16xf32>
        %get3A_63 = arith.index_cast %scan3A_32 : i32 to index
        %get3A_64 = arith.constant 32 : index
        %get3A_65 = tpu.vector_load %arg11[%get3A_63, %get3A_64] {strides = array<i32>} : memref<128x128xf32, #tpu.memory_space<vmem>>, vector<1x16xf32>,
        %get3A_66 = vector.shape_cast %get3A_65 : vector<1x16xf32> to vector<16xf32>
        %mul3A_67 = arith.mulf %get3A_62, %get3A_66 : vector<16xf32>
        %swap3A_68 = arith.index_cast %scan3A_32 : i32 to index
        %swap3A_69 = arith.constant 32 : index
        %swap3A_70 = tpu.vector_load %arg10[%swap3A_68, %swap3A_69] {strides = array<i32>} : memref<128x128xf32, #tpu.memory_space<vmem>>, vector<1x16xf32>,
        %swap3A_71 = vector.shape_cast %swap3A_70 : vector<1x16xf32> to vector<16xf32>
        %swap3A_72 = vector.shape_cast %mul3A_67 : vector<16xf32> to vector<1x16xf32>
        tpu.vector_store %arg10[%swap3A_68, %swap3A_69], %swap3A_72 {strides = array<i32>} : memref<128x128xf32, #tpu.memory_space<vmem>>, vector<1x16xf32>,
        %get3A_73 = arith.index_cast %scan3A_32 : i32 to index
        %get3A_74 = arith.constant 48 : index
        %get3A_75 = tpu.vector_load %arg10[%get3A_73, %get3A_74] {strides = array<i32>} : memref<128x128xf32, #tpu.memory_space<vmem>>, vector<1x16xf32>,
        %get3A_76 = vector.shape_cast %get3A_75 : vector<1x16xf32> to vector<16xf32>
        %get3A_77 = arith.index_cast %scan3A_32 : i32 to index
        %get3A_78 = arith.constant 48 : index
        %get3A_79 = tpu.vector_load %arg11[%get3A_77, %get3A_78] {strides = array<i32>} : memref<128x128xf32, #tpu.memory_space<vmem>>, vector<1x16xf32>,
        %get3A_80 = vector.shape_cast %get3A_79 : vector<1x16xf32> to vector<16xf32>
        %mul3A_81 = arith.mulf %get3A_76, %get3A_80 : vector<16xf32>
        %swap3A_82 = arith.index_cast %scan3A_32 : i32 to index
        %swap3A_83 = arith.constant 48 : index
        %swap3A_84 = tpu.vector_load %arg10[%swap3A_82, %swap3A_83] {strides = array<i32>} : memref<128x128xf32, #tpu.memory_space<vmem>>, vector<1x16xf32>,
        %swap3A_85 = vector.shape_cast %swap3A_84 : vector<1x16xf32> to vector<16xf32>
        %swap3A_86 = vector.shape_cast %mul3A_81 : vector<16xf32> to vector<1x16xf32>
        tpu.vector_store %arg10[%swap3A_82, %swap3A_83], %swap3A_86 {strides = array<i32>} : memref<128x128xf32, #tpu.memory_space<vmem>>, vector<1x16xf32>,
        %get3A_87 = arith.index_cast %scan3A_32 : i32 to index
        %get3A_88 = arith.constant 64 : index
        %get3A_89 = tpu.vector_load %arg10[%get3A_87, %get3A_88] {strides = array<i32>} : memref<128x128xf32, #tpu.memory_space<vmem>>, vector<1x16xf32>,
        %get3A_90 = vector.shape_cast %get3A_89 : vector<1x16xf32> to vector<16xf32>
        %get3A_91 = arith.index_cast %scan3A_32 : i32 to index
        %get3A_92 = arith.constant 64 : index
        %get3A_93 = tpu.vector_load %arg11[%get3A_91, %get3A_92] {strides = array<i32>} : memref<128x128xf32, #tpu.memory_space<vmem>>, vector<1x16xf32>,
        %get3A_94 = vector.shape_cast %get3A_93 : vector<1x16xf32> to vector<16xf32>
        %mul3A_95 = arith.mulf %get3A_90, %get3A_94 : vector<16xf32>
        %swap3A_96 = arith.index_cast %scan3A_32 : i32 to index
        %swap3A_97 = arith.constant 64 : index
        %swap3A_98 = tpu.vector_load %arg10[%swap3A_96, %swap3A_97] {strides = array<i32>} : memref<128x128xf32, #tpu.memory_space<vmem>>, vector<1x16xf32>,
        %swap3A_99 = vector.shape_cast %swap3A_98 : vector<1x16xf32> to vector<16xf32>
        %swap3A_100 = vector.shape_cast %mul3A_95 : vector<16xf32> to vector<1x16xf32>
        tpu.vector_store %arg10[%swap3A_96, %swap3A_97], %swap3A_100 {strides = array<i32>} : memref<128x128xf32, #tpu.memory_space<vmem>>, vector<1x16xf32>,
        %get3A_101 = arith.index_cast %scan3A_32 : i32 to index
        %get3A_102 = arith.constant 80 : index
        %get3A_103 = tpu.vector_load %arg10[%get3A_101, %get3A_102] {strides = array<i32>} : memref<128x128xf32, #tpu.memory_space<vmem>>, vector<1x16xf32>,
        %get3A_104 = vector.shape_cast %get3A_103 : vector<1x16xf32> to vector<16xf32>
        %get3A_105 = arith.index_cast %scan3A_32 : i32 to index
        %get3A_106 = arith.constant 80 : index
        %get3A_107 = tpu.vector_load %arg11[%get3A_105, %get3A_106] {strides = array<i32>} : memref<128x128xf32, #tpu.memory_space<vmem>>, vector<1x16xf32>,
        %get3A_108 = vector.shape_cast %get3A_107 : vector<1x16xf32> to vector<16xf32>
        %mul3A_109 = arith.mulf %get3A_104, %get3A_108 : vector<16xf32>
        %swap3A_110 = arith.index_cast %scan3A_32 : i32 to index
        %swap3A_111 = arith.constant 80 : index
        %swap3A_112 = tpu.vector_load %arg10[%swap3A_110, %swap3A_111] {strides = array<i32>} : memref<128x128xf32, #tpu.memory_space<vmem>>, vector<1x16xf32>,
        %swap3A_113 = vector.shape_cast %swap3A_112 : vector<1x16xf32> to vector<16xf32>
        %swap3A_114 = vector.shape_cast %mul3A_109 : vector<16xf32> to vector<1x16xf32>
        tpu.vector_store %arg10[%swap3A_110, %swap3A_111], %swap3A_114 {strides = array<i32>} : memref<128x128xf32, #tpu.memory_space<vmem>>, vector<1x16xf32>,
        %get3A_115 = arith.index_cast %scan3A_32 : i32 to index
        %get3A_116 = arith.constant 96 : index
        %get3A_117 = tpu.vector_load %arg10[%get3A_115, %get3A_116] {strides = array<i32>} : memref<128x128xf32, #tpu.memory_space<vmem>>, vector<1x16xf32>,
        %get3A_118 = vector.shape_cast %get3A_117 : vector<1x16xf32> to vector<16xf32>
        %get3A_119 = arith.index_cast %scan3A_32 : i32 to index
        %get3A_120 = arith.constant 96 : index
        %get3A_121 = tpu.vector_load %arg11[%get3A_119, %get3A_120] {strides = array<i32>} : memref<128x128xf32, #tpu.memory_space<vmem>>, vector<1x16xf32>,
        %get3A_122 = vector.shape_cast %get3A_121 : vector<1x16xf32> to vector<16xf32>
        %mul3A_123 = arith.mulf %get3A_118, %get3A_122 : vector<16xf32>
        %swap3A_124 = arith.index_cast %scan3A_32 : i32 to index
        %swap3A_125 = arith.constant 96 : index
        %swap3A_126 = tpu.vector_load %arg10[%swap3A_124, %swap3A_125] {strides = array<i32>} : memref<128x128xf32, #tpu.memory_space<vmem>>, vector<1x16xf32>,
        %swap3A_127 = vector.shape_cast %swap3A_126 : vector<1x16xf32> to vector<16xf32>
        %swap3A_128 = vector.shape_cast %mul3A_123 : vector<16xf32> to vector<1x16xf32>
        tpu.vector_store %arg10[%swap3A_124, %swap3A_125], %swap3A_128 {strides = array<i32>} : memref<128x128xf32, #tpu.memory_space<vmem>>, vector<1x16xf32>,
        %get3A_129 = arith.index_cast %scan3A_32 : i32 to index
        %get3A_130 = arith.constant 112 : index
        %get3A_131 = tpu.vector_load %arg10[%get3A_129, %get3A_130] {strides = array<i32>} : memref<128x128xf32, #tpu.memory_space<vmem>>, vector<1x16xf32>,
        %get3A_132 = vector.shape_cast %get3A_131 : vector<1x16xf32> to vector<16xf32>
        %get3A_133 = arith.index_cast %scan3A_32 : i32 to index
        %get3A_134 = arith.constant 112 : index
        %get3A_135 = tpu.vector_load %arg11[%get3A_133, %get3A_134] {strides = array<i32>} : memref<128x128xf32, #tpu.memory_space<vmem>>, vector<1x16xf32>,
        %get3A_136 = vector.shape_cast %get3A_135 : vector<1x16xf32> to vector<16xf32>
        %mul3A_137 = arith.mulf %get3A_132, %get3A_136 : vector<16xf32>
        %swap3A_138 = arith.index_cast %scan3A_32 : i32 to index
        %swap3A_139 = arith.constant 112 : index
        %swap3A_140 = tpu.vector_load %arg10[%swap3A_138, %swap3A_139] {strides = array<i32>} : memref<128x128xf32, #tpu.memory_space<vmem>>, vector<1x16xf32>,
        %swap3A_141 = vector.shape_cast %swap3A_140 : vector<1x16xf32> to vector<16xf32>
        %swap3A_142 = vector.shape_cast %mul3A_137 : vector<16xf32> to vector<1x16xf32>
        tpu.vector_store %arg10[%swap3A_138, %swap3A_139], %swap3A_142 {strides = array<i32>} : memref<128x128xf32, #tpu.memory_space<vmem>>, vector<1x16xf32>,
      }
      %scan3A_31 = arith.constant 128 : i32
      "tpu.region"() ({
        %run_scoped3A = tpu.sem_alloc : memref<!tpu.dma_semaphore, #tpu.memory_space<semaphore_mem>>
        %dma_start3A_32 = arith.constant 0 : i32
        %dma_start3A_33 = arith.constant 0 : i32
        %dma_start3A_34 = tpu.memref_slice %arg12[%dma_start3A_32, %dma_start3A_33] : memref<10240x128xf32, #tpu.memory_space<vmem_shared>> -> memref<10240x128xf32, #tpu.memory_space<vmem_shared>>
        tpu.enqueue_indirect_dma source(%arg10 : memref<128x128xf32, #tpu.memory_space<vmem>>) target(%dma_start3A_34 : memref<10240x128xf32, #tpu.memory_space<vmem_shared>>) offsets(%arg9 : memref<128xi32, #tpu.memory_space<vmem>>) semaphore(%run_scoped3A : memref<!tpu.dma_semaphore, #tpu.memory_space<semaphore_mem>>) {add = true}
        %dma_wait3A_35 = arith.constant 0 : i32
        %dma_wait3A_36 = arith.constant 0 : i32
        %dma_wait3A_37 = tpu.memref_slice %arg12[%dma_wait3A_35, %dma_wait3A_36] : memref<10240x128xf32, #tpu.memory_space<vmem_shared>> -> memref<10240x128xf32, #tpu.memory_space<vmem_shared>>
        tpu.wait_indirect_dma semaphore(%run_scoped3A : memref<!tpu.dma_semaphore, #tpu.memory_space<semaphore_mem>>) src(%arg10 : memref<128x128xf32, #tpu.memory_space<vmem>>) dst(%dma_wait3A_37 : memref<10240x128xf32, #tpu.memory_space<vmem_shared>>)
        tpu.yield
      }) : () -> ()
    }
    %while3A_15 = arith.constant 1 : i32
    scf.for %while3A_17 = %while3A_13 to %while3A_9 step %while3A_15  : i32 {
      %mul3A_18 = arith.constant 32 : i32
      %mul3A_19 = arith.muli %mul3A_18, %while3A_17 : i32
      %add3A_20 = arith.addi %add3A, %mul3A_19 : i32
      %mul3A_21 = arith.constant 128 : i32
      %mul3A_22 = arith.muli %add3A_20, %mul3A_21 : i32
      "tpu.region"() ({
        %run_scoped3A = tpu.sem_alloc : memref<!tpu.dma_semaphore, #tpu.memory_space<semaphore_mem>>
        %dma_start3A_32 = tpu.memref_slice %arg4[%mul3A_22] : memref<320000xi32, #tpu.memory_space<hbm>> -> memref<128xi32, #tpu.memory_space<hbm>>
        %dma_start3A_33 = tpu.memref_slice %arg4[%mul3A_22] : memref<320000xi32, #tpu.memory_space<hbm>> -> memref<128xi32, #tpu.memory_space<hbm>>
        tpu.enqueue_dma source(%dma_start3A_33 : memref<128xi32, #tpu.memory_space<hbm>>) target(%arg8 : memref<128xi32, #tpu.memory_space<vmem>>) target_semaphore(%run_scoped3A : memref<!tpu.dma_semaphore, #tpu.memory_space<semaphore_mem>>)
        %dma_wait3A_34 = tpu.memref_slice %arg4[%mul3A_22] : memref<320000xi32, #tpu.memory_space<hbm>> -> memref<128xi32, #tpu.memory_space<hbm>>
        %dma_wait3A_35 = tpu.memref_slice %arg4[%mul3A_22] : memref<320000xi32, #tpu.memory_space<hbm>> -> memref<128xi32, #tpu.memory_space<hbm>>
        tpu.wait_dma2 semaphore(%run_scoped3A : memref<!tpu.dma_semaphore, #tpu.memory_space<semaphore_mem>>) src(%dma_wait3A_35 : memref<128xi32, #tpu.memory_space<hbm>>) dst(%arg8 : memref<128xi32, #tpu.memory_space<vmem>>)
        tpu.yield
      }) : () -> ()
      "tpu.region"() ({
        %run_scoped3A = tpu.sem_alloc : memref<!tpu.dma_semaphore, #tpu.memory_space<semaphore_mem>>
        %dma_start3A_32 = tpu.memref_slice %arg5[%mul3A_22] : memref<320000xi32, #tpu.memory_space<hbm>> -> memref<128xi32, #tpu.memory_space<hbm>>
        %dma_start3A_33 = tpu.memref_slice %arg5[%mul3A_22] : memref<320000xi32, #tpu.memory_space<hbm>> -> memref<128xi32, #tpu.memory_space<hbm>>
        tpu.enqueue_dma source(%dma_start3A_33 : memref<128xi32, #tpu.memory_space<hbm>>) target(%arg9 : memref<128xi32, #tpu.memory_space<vmem>>) target_semaphore(%run_scoped3A : memref<!tpu.dma_semaphore, #tpu.memory_space<semaphore_mem>>)
        %dma_wait3A_34 = tpu.memref_slice %arg5[%mul3A_22] : memref<320000xi32, #tpu.memory_space<hbm>> -> memref<128xi32, #tpu.memory_space<hbm>>
        %dma_wait3A_35 = tpu.memref_slice %arg5[%mul3A_22] : memref<320000xi32, #tpu.memory_space<hbm>> -> memref<128xi32, #tpu.memory_space<hbm>>
        tpu.wait_dma2 semaphore(%run_scoped3A : memref<!tpu.dma_semaphore, #tpu.memory_space<semaphore_mem>>) src(%dma_wait3A_35 : memref<128xi32, #tpu.memory_space<hbm>>) dst(%arg9 : memref<128xi32, #tpu.memory_space<vmem>>)
        tpu.yield
      }) : () -> ()
      "tpu.region"() ({
        %run_scoped3A = tpu.sem_alloc : memref<!tpu.dma_semaphore, #tpu.memory_space<semaphore_mem>>
        %dma_start3A_32 = arith.constant 0 : i32
        %dma_start3A_33 = tpu.memref_slice %arg3[%mul3A_22, %dma_start3A_32] : memref<320000x128xf32, #tpu.memory_space<hbm>> -> memref<128x128xf32, #tpu.memory_space<hbm>>
        %dma_start3A_34 = arith.constant 0 : i32
        %dma_start3A_35 = tpu.memref_slice %arg3[%mul3A_22, %dma_start3A_34] : memref<320000x128xf32, #tpu.memory_space<hbm>> -> memref<128x128xf32, #tpu.memory_space<hbm>>
        tpu.enqueue_dma source(%dma_start3A_35 : memref<128x128xf32, #tpu.memory_space<hbm>>) target(%arg11 : memref<128x128xf32, #tpu.memory_space<vmem>>) target_semaphore(%run_scoped3A : memref<!tpu.dma_semaphore, #tpu.memory_space<semaphore_mem>>)
        %dma_wait3A_36 = arith.constant 0 : i32
        %dma_wait3A_37 = tpu.memref_slice %arg3[%mul3A_22, %dma_wait3A_36] : memref<320000x128xf32, #tpu.memory_space<hbm>> -> memref<128x128xf32, #tpu.memory_space<hbm>>
        %dma_wait3A_38 = arith.constant 0 : i32
        %dma_wait3A_39 = tpu.memref_slice %arg3[%mul3A_22, %dma_wait3A_38] : memref<320000x128xf32, #tpu.memory_space<hbm>> -> memref<128x128xf32, #tpu.memory_space<hbm>>
        tpu.wait_dma2 semaphore(%run_scoped3A : memref<!tpu.dma_semaphore, #tpu.memory_space<semaphore_mem>>) src(%dma_wait3A_39 : memref<128x128xf32, #tpu.memory_space<hbm>>) dst(%arg11 : memref<128x128xf32, #tpu.memory_space<vmem>>)
        tpu.yield
      }) : () -> ()
      %dma_start3A = arith.constant 0 : i32
      %dma_start3A_23 = arith.constant 0 : i32
      %dma_start3A_24 = tpu.memref_slice %arg2[%dma_start3A, %dma_start3A_23] : memref<10000x128xf32, #tpu.memory_space<hbm>> -> memref<10000x128xf32, #tpu.memory_space<hbm>>
      tpu.enqueue_indirect_dma source(%dma_start3A_24 : memref<10000x128xf32, #tpu.memory_space<hbm>>) target(%arg10 : memref<128x128xf32, #tpu.memory_space<vmem>>) offsets(%arg8 : memref<128xi32, #tpu.memory_space<vmem>>) semaphore(%arg13 : memref<!tpu.dma_semaphore, #tpu.memory_space<semaphore_mem>>)
      %dma_wait3A = arith.constant 0 : i32
      %dma_wait3A_25 = arith.constant 0 : i32
      %dma_wait3A_26 = tpu.memref_slice %arg2[%dma_wait3A, %dma_wait3A_25] : memref<10000x128xf32, #tpu.memory_space<hbm>> -> memref<10000x128xf32, #tpu.memory_space<hbm>>
      tpu.wait_indirect_dma semaphore(%arg13 : memref<!tpu.dma_semaphore, #tpu.memory_space<semaphore_mem>>) src(%dma_wait3A_26 : memref<10000x128xf32, #tpu.memory_space<hbm>>) dst(%arg10 : memref<128x128xf32, #tpu.memory_space<vmem>>)
      %scan3A = arith.constant 0 : i32
      %scan3A_27 = arith.constant 0 : i32
      %scan3A_28 = arith.constant 128 : i32
      %scan3A_29 = arith.addi %scan3A_27, %scan3A_28 : i32
      %scan3A_30 = arith.constant 1 : i32
      scf.for %scan3A_32 = %scan3A_27 to %scan3A_29 step %scan3A_30  : i32 {
        %get3A = arith.index_cast %scan3A_32 : i32 to index
        %get3A_33 = arith.constant 0 : index
        %get3A_34 = tpu.vector_load %arg10[%get3A, %get3A_33] {strides = array<i32>} : memref<128x128xf32, #tpu.memory_space<vmem>>, vector<1x16xf32>,
        %get3A_35 = vector.shape_cast %get3A_34 : vector<1x16xf32> to vector<16xf32>
        %get3A_36 = arith.index_cast %scan3A_32 : i32 to index
        %get3A_37 = arith.constant 0 : index
        %get3A_38 = tpu.vector_load %arg11[%get3A_36, %get3A_37] {strides = array<i32>} : memref<128x128xf32, #tpu.memory_space<vmem>>, vector<1x16xf32>,
        %get3A_39 = vector.shape_cast %get3A_38 : vector<1x16xf32> to vector<16xf32>
        %mul3A_40 = arith.mulf %get3A_35, %get3A_39 : vector<16xf32>
        %swap3A = arith.index_cast %scan3A_32 : i32 to index
        %swap3A_41 = arith.constant 0 : index
        %swap3A_42 = tpu.vector_load %arg10[%swap3A, %swap3A_41] {strides = array<i32>} : memref<128x128xf32, #tpu.memory_space<vmem>>, vector<1x16xf32>,
        %swap3A_43 = vector.shape_cast %swap3A_42 : vector<1x16xf32> to vector<16xf32>
        %swap3A_44 = vector.shape_cast %mul3A_40 : vector<16xf32> to vector<1x16xf32>
        tpu.vector_store %arg10[%swap3A, %swap3A_41], %swap3A_44 {strides = array<i32>} : memref<128x128xf32, #tpu.memory_space<vmem>>, vector<1x16xf32>,
        %get3A_45 = arith.index_cast %scan3A_32 : i32 to index
        %get3A_46 = arith.constant 16 : index
        %get3A_47 = tpu.vector_load %arg10[%get3A_45, %get3A_46] {strides = array<i32>} : memref<128x128xf32, #tpu.memory_space<vmem>>, vector<1x16xf32>,
        %get3A_48 = vector.shape_cast %get3A_47 : vector<1x16xf32> to vector<16xf32>
        %get3A_49 = arith.index_cast %scan3A_32 : i32 to index
        %get3A_50 = arith.constant 16 : index
        %get3A_51 = tpu.vector_load %arg11[%get3A_49, %get3A_50] {strides = array<i32>} : memref<128x128xf32, #tpu.memory_space<vmem>>, vector<1x16xf32>,
        %get3A_52 = vector.shape_cast %get3A_51 : vector<1x16xf32> to vector<16xf32>
        %mul3A_53 = arith.mulf %get3A_48, %get3A_52 : vector<16xf32>
        %swap3A_54 = arith.index_cast %scan3A_32 : i32 to index
        %swap3A_55 = arith.constant 16 : index
        %swap3A_56 = tpu.vector_load %arg10[%swap3A_54, %swap3A_55] {strides = array<i32>} : memref<128x128xf32, #tpu.memory_space<vmem>>, vector<1x16xf32>,
        %swap3A_57 = vector.shape_cast %swap3A_56 : vector<1x16xf32> to vector<16xf32>
        %swap3A_58 = vector.shape_cast %mul3A_53 : vector<16xf32> to vector<1x16xf32>
        tpu.vector_store %arg10[%swap3A_54, %swap3A_55], %swap3A_58 {strides = array<i32>} : memref<128x128xf32, #tpu.memory_space<vmem>>, vector<1x16xf32>,
        %get3A_59 = arith.index_cast %scan3A_32 : i32 to index
        %get3A_60 = arith.constant 32 : index
        %get3A_61 = tpu.vector_load %arg10[%get3A_59, %get3A_60] {strides = array<i32>} : memref<128x128xf32, #tpu.memory_space<vmem>>, vector<1x16xf32>,
        %get3A_62 = vector.shape_cast %get3A_61 : vector<1x16xf32> to vector<16xf32>
        %get3A_63 = arith.index_cast %scan3A_32 : i32 to index
        %get3A_64 = arith.constant 32 : index
        %get3A_65 = tpu.vector_load %arg11[%get3A_63, %get3A_64] {strides = array<i32>} : memref<128x128xf32, #tpu.memory_space<vmem>>, vector<1x16xf32>,
        %get3A_66 = vector.shape_cast %get3A_65 : vector<1x16xf32> to vector<16xf32>
        %mul3A_67 = arith.mulf %get3A_62, %get3A_66 : vector<16xf32>
        %swap3A_68 = arith.index_cast %scan3A_32 : i32 to index
        %swap3A_69 = arith.constant 32 : index
        %swap3A_70 = tpu.vector_load %arg10[%swap3A_68, %swap3A_69] {strides = array<i32>} : memref<128x128xf32, #tpu.memory_space<vmem>>, vector<1x16xf32>,
        %swap3A_71 = vector.shape_cast %swap3A_70 : vector<1x16xf32> to vector<16xf32>
        %swap3A_72 = vector.shape_cast %mul3A_67 : vector<16xf32> to vector<1x16xf32>
        tpu.vector_store %arg10[%swap3A_68, %swap3A_69], %swap3A_72 {strides = array<i32>} : memref<128x128xf32, #tpu.memory_space<vmem>>, vector<1x16xf32>,
        %get3A_73 = arith.index_cast %scan3A_32 : i32 to index
        %get3A_74 = arith.constant 48 : index
        %get3A_75 = tpu.vector_load %arg10[%get3A_73, %get3A_74] {strides = array<i32>} : memref<128x128xf32, #tpu.memory_space<vmem>>, vector<1x16xf32>,
        %get3A_76 = vector.shape_cast %get3A_75 : vector<1x16xf32> to vector<16xf32>
        %get3A_77 = arith.index_cast %scan3A_32 : i32 to index
        %get3A_78 = arith.constant 48 : index
        %get3A_79 = tpu.vector_load %arg11[%get3A_77, %get3A_78] {strides = array<i32>} : memref<128x128xf32, #tpu.memory_space<vmem>>, vector<1x16xf32>,
        %get3A_80 = vector.shape_cast %get3A_79 : vector<1x16xf32> to vector<16xf32>
        %mul3A_81 = arith.mulf %get3A_76, %get3A_80 : vector<16xf32>
        %swap3A_82 = arith.index_cast %scan3A_32 : i32 to index
        %swap3A_83 = arith.constant 48 : index
        %swap3A_84 = tpu.vector_load %arg10[%swap3A_82, %swap3A_83] {strides = array<i32>} : memref<128x128xf32, #tpu.memory_space<vmem>>, vector<1x16xf32>,
        %swap3A_85 = vector.shape_cast %swap3A_84 : vector<1x16xf32> to vector<16xf32>
        %swap3A_86 = vector.shape_cast %mul3A_81 : vector<16xf32> to vector<1x16xf32>
        tpu.vector_store %arg10[%swap3A_82, %swap3A_83], %swap3A_86 {strides = array<i32>} : memref<128x128xf32, #tpu.memory_space<vmem>>, vector<1x16xf32>,
        %get3A_87 = arith.index_cast %scan3A_32 : i32 to index
        %get3A_88 = arith.constant 64 : index
        %get3A_89 = tpu.vector_load %arg10[%get3A_87, %get3A_88] {strides = array<i32>} : memref<128x128xf32, #tpu.memory_space<vmem>>, vector<1x16xf32>,
        %get3A_90 = vector.shape_cast %get3A_89 : vector<1x16xf32> to vector<16xf32>
        %get3A_91 = arith.index_cast %scan3A_32 : i32 to index
        %get3A_92 = arith.constant 64 : index
        %get3A_93 = tpu.vector_load %arg11[%get3A_91, %get3A_92] {strides = array<i32>} : memref<128x128xf32, #tpu.memory_space<vmem>>, vector<1x16xf32>,
        %get3A_94 = vector.shape_cast %get3A_93 : vector<1x16xf32> to vector<16xf32>
        %mul3A_95 = arith.mulf %get3A_90, %get3A_94 : vector<16xf32>
        %swap3A_96 = arith.index_cast %scan3A_32 : i32 to index
        %swap3A_97 = arith.constant 64 : index
        %swap3A_98 = tpu.vector_load %arg10[%swap3A_96, %swap3A_97] {strides = array<i32>} : memref<128x128xf32, #tpu.memory_space<vmem>>, vector<1x16xf32>,
        %swap3A_99 = vector.shape_cast %swap3A_98 : vector<1x16xf32> to vector<16xf32>
        %swap3A_100 = vector.shape_cast %mul3A_95 : vector<16xf32> to vector<1x16xf32>
        tpu.vector_store %arg10[%swap3A_96, %swap3A_97], %swap3A_100 {strides = array<i32>} : memref<128x128xf32, #tpu.memory_space<vmem>>, vector<1x16xf32>,
        %get3A_101 = arith.index_cast %scan3A_32 : i32 to index
        %get3A_102 = arith.constant 80 : index
        %get3A_103 = tpu.vector_load %arg10[%get3A_101, %get3A_102] {strides = array<i32>} : memref<128x128xf32, #tpu.memory_space<vmem>>, vector<1x16xf32>,
        %get3A_104 = vector.shape_cast %get3A_103 : vector<1x16xf32> to vector<16xf32>
        %get3A_105 = arith.index_cast %scan3A_32 : i32 to index
        %get3A_106 = arith.constant 80 : index
        %get3A_107 = tpu.vector_load %arg11[%get3A_105, %get3A_106] {strides = array<i32>} : memref<128x128xf32, #tpu.memory_space<vmem>>, vector<1x16xf32>,
        %get3A_108 = vector.shape_cast %get3A_107 : vector<1x16xf32> to vector<16xf32>
        %mul3A_109 = arith.mulf %get3A_104, %get3A_108 : vector<16xf32>
        %swap3A_110 = arith.index_cast %scan3A_32 : i32 to index
        %swap3A_111 = arith.constant 80 : index
        %swap3A_112 = tpu.vector_load %arg10[%swap3A_110, %swap3A_111] {strides = array<i32>} : memref<128x128xf32, #tpu.memory_space<vmem>>, vector<1x16xf32>,
        %swap3A_113 = vector.shape_cast %swap3A_112 : vector<1x16xf32> to vector<16xf32>
        %swap3A_114 = vector.shape_cast %mul3A_109 : vector<16xf32> to vector<1x16xf32>
        tpu.vector_store %arg10[%swap3A_110, %swap3A_111], %swap3A_114 {strides = array<i32>} : memref<128x128xf32, #tpu.memory_space<vmem>>, vector<1x16xf32>,
        %get3A_115 = arith.index_cast %scan3A_32 : i32 to index
        %get3A_116 = arith.constant 96 : index
        %get3A_117 = tpu.vector_load %arg10[%get3A_115, %get3A_116] {strides = array<i32>} : memref<128x128xf32, #tpu.memory_space<vmem>>, vector<1x16xf32>,
        %get3A_118 = vector.shape_cast %get3A_117 : vector<1x16xf32> to vector<16xf32>
        %get3A_119 = arith.index_cast %scan3A_32 : i32 to index
        %get3A_120 = arith.constant 96 : index
        %get3A_121 = tpu.vector_load %arg11[%get3A_119, %get3A_120] {strides = array<i32>} : memref<128x128xf32, #tpu.memory_space<vmem>>, vector<1x16xf32>,
        %get3A_122 = vector.shape_cast %get3A_121 : vector<1x16xf32> to vector<16xf32>
        %mul3A_123 = arith.mulf %get3A_118, %get3A_122 : vector<16xf32>
        %swap3A_124 = arith.index_cast %scan3A_32 : i32 to index
        %swap3A_125 = arith.constant 96 : index
        %swap3A_126 = tpu.vector_load %arg10[%swap3A_124, %swap3A_125] {strides = array<i32>} : memref<128x128xf32, #tpu.memory_space<vmem>>, vector<1x16xf32>,
        %swap3A_127 = vector.shape_cast %swap3A_126 : vector<1x16xf32> to vector<16xf32>
        %swap3A_128 = vector.shape_cast %mul3A_123 : vector<16xf32> to vector<1x16xf32>
        tpu.vector_store %arg10[%swap3A_124, %swap3A_125], %swap3A_128 {strides = array<i32>} : memref<128x128xf32, #tpu.memory_space<vmem>>, vector<1x16xf32>,
        %get3A_129 = arith.index_cast %scan3A_32 : i32 to index
        %get3A_130 = arith.constant 112 : index
        %get3A_131 = tpu.vector_load %arg10[%get3A_129, %get3A_130] {strides = array<i32>} : memref<128x128xf32, #tpu.memory_space<vmem>>, vector<1x16xf32>,
        %get3A_132 = vector.shape_cast %get3A_131 : vector<1x16xf32> to vector<16xf32>
        %get3A_133 = arith.index_cast %scan3A_32 : i32 to index
        %get3A_134 = arith.constant 112 : index
        %get3A_135 = tpu.vector_load %arg11[%get3A_133, %get3A_134] {strides = array<i32>} : memref<128x128xf32, #tpu.memory_space<vmem>>, vector<1x16xf32>,
        %get3A_136 = vector.shape_cast %get3A_135 : vector<1x16xf32> to vector<16xf32>
        %mul3A_137 = arith.mulf %get3A_132, %get3A_136 : vector<16xf32>
        %swap3A_138 = arith.index_cast %scan3A_32 : i32 to index
        %swap3A_139 = arith.constant 112 : index
        %swap3A_140 = tpu.vector_load %arg10[%swap3A_138, %swap3A_139] {strides = array<i32>} : memref<128x128xf32, #tpu.memory_space<vmem>>, vector<1x16xf32>,
        %swap3A_141 = vector.shape_cast %swap3A_140 : vector<1x16xf32> to vector<16xf32>
        %swap3A_142 = vector.shape_cast %mul3A_137 : vector<16xf32> to vector<1x16xf32>
        tpu.vector_store %arg10[%swap3A_138, %swap3A_139], %swap3A_142 {strides = array<i32>} : memref<128x128xf32, #tpu.memory_space<vmem>>, vector<1x16xf32>,
      }
      %scan3A_31 = arith.constant 128 : i32
      "tpu.region"() ({
        %run_scoped3A = tpu.sem_alloc : memref<!tpu.dma_semaphore, #tpu.memory_space<semaphore_mem>>
        %dma_start3A_32 = arith.constant 0 : i32
        %dma_start3A_33 = arith.constant 0 : i32
        %dma_start3A_34 = tpu.memref_slice %arg12[%dma_start3A_32, %dma_start3A_33] : memref<10240x128xf32, #tpu.memory_space<vmem_shared>> -> memref<10240x128xf32, #tpu.memory_space<vmem_shared>>
        tpu.enqueue_indirect_dma source(%arg10 : memref<128x128xf32, #tpu.memory_space<vmem>>) target(%dma_start3A_34 : memref<10240x128xf32, #tpu.memory_space<vmem_shared>>) offsets(%arg9 : memref<128xi32, #tpu.memory_space<vmem>>) semaphore(%run_scoped3A : memref<!tpu.dma_semaphore, #tpu.memory_space<semaphore_mem>>) {add = true}
        %dma_wait3A_35 = arith.constant 0 : i32
        %dma_wait3A_36 = arith.constant 0 : i32
        %dma_wait3A_37 = tpu.memref_slice %arg12[%dma_wait3A_35, %dma_wait3A_36] : memref<10240x128xf32, #tpu.memory_space<vmem_shared>> -> memref<10240x128xf32, #tpu.memory_space<vmem_shared>>
        tpu.wait_indirect_dma semaphore(%run_scoped3A : memref<!tpu.dma_semaphore, #tpu.memory_space<semaphore_mem>>) src(%arg10 : memref<128x128xf32, #tpu.memory_space<vmem>>) dst(%dma_wait3A_37 : memref<10240x128xf32, #tpu.memory_space<vmem_shared>>)
        tpu.yield
      }) : () -> ()
    }
    %barrier3A_16 = arith.constant 0 : index
    tpu.barrier barrier_id(%barrier3A_16)
    "tpu.region"() ({
      %run_scoped3A = tpu.sem_alloc : memref<!tpu.dma_semaphore, #tpu.memory_space<semaphore_mem>>
      %dma_start3A = arith.constant 0 : i32
      %dma_start3A_17 = tpu.memref_slice %arg7[%arg0, %mul3A_2, %dma_start3A] : memref<2x10240x128xf32, #tpu.memory_space<hbm>> -> memref<1x640x128xf32, #tpu.memory_space<hbm>>
      %dma_start3A_18 = tpu.memref_squeeze %dma_start3A_17 : memref<1x640x128xf32, #tpu.memory_space<hbm>> -> memref<640x128xf32, #tpu.memory_space<hbm>>
      %dma_start3A_19 = arith.constant 0 : i32
      %dma_start3A_20 = tpu.memref_slice %arg12[%mul3A_2, %dma_start3A_19] : memref<10240x128xf32, #tpu.memory_space<vmem_shared>> -> memref<640x128xf32, #tpu.memory_space<vmem_shared>>
      tpu.enqueue_dma source(%dma_start3A_20 : memref<640x128xf32, #tpu.memory_space<vmem_shared>>) target(%dma_start3A_18 : memref<640x128xf32, #tpu.memory_space<hbm>>) target_semaphore(%run_scoped3A : memref<!tpu.dma_semaphore, #tpu.memory_space<semaphore_mem>>)
      %dma_wait3A = arith.constant 0 : i32
      %dma_wait3A_21 = tpu.memref_slice %arg7[%arg0, %mul3A_2, %dma_wait3A] : memref<2x10240x128xf32, #tpu.memory_space<hbm>> -> memref<1x640x128xf32, #tpu.memory_space<hbm>>
      %dma_wait3A_22 = tpu.memref_squeeze %dma_wait3A_21 : memref<1x640x128xf32, #tpu.memory_space<hbm>> -> memref<640x128xf32, #tpu.memory_space<hbm>>
      %dma_wait3A_23 = arith.constant 0 : i32
      %dma_wait3A_24 = tpu.memref_slice %arg12[%mul3A_2, %dma_wait3A_23] : memref<10240x128xf32, #tpu.memory_space<vmem_shared>> -> memref<640x128xf32, #tpu.memory_space<vmem_shared>>
      tpu.wait_dma2 semaphore(%run_scoped3A : memref<!tpu.dma_semaphore, #tpu.memory_space<semaphore_mem>>) src(%dma_wait3A_24 : memref<640x128xf32, #tpu.memory_space<vmem_shared>>) dst(%dma_wait3A_22 : memref<640x128xf32, #tpu.memory_space<hbm>>)
      tpu.yield
    }) : () -> ()
    return
  }
}

module attributes {stable_mosaic.version = 14 : i64} {
  func.func @_sig_body(%arg0: i32, %arg1: memref<3200x16xf32, #tpu.memory_space<vmem>>, %arg2: memref<16x128xf32, #tpu.memory_space<vmem>>, %arg3: memref<1x128xf32, #tpu.memory_space<vmem>>, %arg4: memref<3200x128xf32, #tpu.memory_space<vmem>>) attributes {dimension_semantics = [#tpu.dimension_semantics<arbitrary>], iteration_bounds = array<i64: 100>, scalar_prefetch = 0 : i64, scratch_operands = 0 : i64, tpu.core_type = #tpu.core_type<tc>, window_params = [{transform_indices = @transform_0, window_bounds = array<i64: 3200, 16>}, {pipeline_mode = #tpu.pipeline_mode<synchronous>, transform_indices = @transform_1, window_bounds = array<i64: 16, 128>}, {pipeline_mode = #tpu.pipeline_mode<synchronous>, transform_indices = @transform_2, window_bounds = array<i64: 1, 128>}, {transform_indices = @transform_3, window_bounds = array<i64: 3200, 128>}]} {
    %get3A = arith.constant 0 : index
    %get3A_0 = arith.constant 0 : index
    %get3A_1 = vector.load %arg1[%get3A, %get3A_0] : memref<3200x16xf32, #tpu.memory_space<vmem>>, vector<3200x16xf32>
    %get3A_2 = arith.constant 0 : index
    %get3A_3 = arith.constant 0 : index
    %get3A_4 = vector.load %arg2[%get3A_2, %get3A_3] : memref<16x128xf32, #tpu.memory_space<vmem>>, vector<16x128xf32>
    %dot_general3A = arith.constant dense<0.000000e+00> : vector<3200x128xf32>
    %dot_general3A_5 = tpu.matmul %get3A_1, %get3A_4, %dot_general3A {dimension_numbers = #tpu.dot_dimension_numbers<[1], [0], [0], [1], [0, 0, 1, 1], [], []>, transpose_lhs_hint = false} : vector<3200x16xf32>, vector<16x128xf32>, vector<3200x128xf32> -> vector<3200x128xf32>
    %get3A_6 = arith.constant 0 : index
    %get3A_7 = arith.constant 0 : index
    %get3A_8 = vector.load %arg3[%get3A_6, %get3A_7] : memref<1x128xf32, #tpu.memory_space<vmem>>, vector<1x128xf32>
    %add3A = vector.broadcast %get3A_8 : vector<1x128xf32> to vector<3200x128xf32>
    %add3A_9 = arith.addf %dot_general3A_5, %add3A : vector<3200x128xf32>
    %neg3A = arith.constant 0.000000e+00 : f32
    %neg3A_10 = vector.broadcast %neg3A : f32 to vector<3200x128xf32>
    %neg3A_11 = arith.subf %neg3A_10, %add3A_9 : vector<3200x128xf32>
    %exp3A = math.exp %neg3A_11 : vector<3200x128xf32>
    %add3A_12 = arith.constant 1.000000e+00 : f32
    %add3A_13 = vector.broadcast %add3A_12 : f32 to vector<3200x128xf32>
    %add3A_14 = arith.addf %add3A_13, %exp3A : vector<3200x128xf32>
    %div3A = arith.constant 1.000000e+00 : f32
    %div3A_15 = vector.broadcast %div3A : f32 to vector<3200x128xf32>
    %div3A_16 = arith.divf %div3A_15, %add3A_14 : vector<3200x128xf32>
    %swap3A = arith.constant 0 : index
    %swap3A_17 = arith.constant 0 : index
    %swap3A_18 = vector.load %arg4[%swap3A, %swap3A_17] : memref<3200x128xf32, #tpu.memory_space<vmem>>, vector<3200x128xf32>
    tpu.vector_store %arg4[%swap3A, %swap3A_17], %div3A_16 {strides = array<i32>} : memref<3200x128xf32, #tpu.memory_space<vmem>>, vector<3200x128xf32>,
    return
  }
  func.func @transform_0(%arg0: i32) -> (i32, i32) {
    %c0_i32 = arith.constant 0 : i32
    %c0_i32_0 = arith.constant 0 : i32
    return %arg0, %c0_i32 : i32, i32
  }
  func.func @transform_1(%arg0: i32) -> (i32, i32) {
    %c0_i32 = arith.constant 0 : i32
    %c0_i32_0 = arith.constant 0 : i32
    %c0_i32_1 = arith.constant 0 : i32
    return %c0_i32, %c0_i32_0 : i32, i32
  }
  func.func @transform_2(%arg0: i32) -> (i32, i32) {
    %c0_i32 = arith.constant 0 : i32
    %c0_i32_0 = arith.constant 0 : i32
    %c0_i32_1 = arith.constant 0 : i32
    return %c0_i32, %c0_i32_0 : i32, i32
  }
  func.func @transform_3(%arg0: i32) -> (i32, i32) {
    %c0_i32 = arith.constant 0 : i32
    %c0_i32_0 = arith.constant 0 : i32
    return %arg0, %c0_i32 : i32, i32
  }
}

module attributes {stable_mosaic.version = 14 : i64} {
  func.func @_h0_body(%arg0: memref<10000x128xf32, #tpu.memory_space<vmem>>, %arg1: memref<128x128xf32, #tpu.memory_space<vmem>>, %arg2: memref<1x128xf32, #tpu.memory_space<vmem>>, %arg3: memref<10000x128xf32, #tpu.memory_space<vmem>>) attributes {dimension_semantics = [], scalar_prefetch = 0 : i64, scratch_operands = 0 : i64, tpu.core_type = #tpu.core_type<tc>} {
    %get3A = arith.constant 0 : index
    %get3A_0 = arith.constant 0 : index
    %get3A_1 = vector.load %arg0[%get3A, %get3A_0] : memref<10000x128xf32, #tpu.memory_space<vmem>>, vector<10000x128xf32>
    %get3A_2 = arith.constant 0 : index
    %get3A_3 = arith.constant 0 : index
    %get3A_4 = vector.load %arg1[%get3A_2, %get3A_3] : memref<128x128xf32, #tpu.memory_space<vmem>>, vector<128x128xf32>
    %dot_general3A = arith.constant dense<0.000000e+00> : vector<10000x128xf32>
    %dot_general3A_5 = tpu.matmul %get3A_1, %get3A_4, %dot_general3A {dimension_numbers = #tpu.dot_dimension_numbers<[1], [0], [0], [1], [0, 0, 1, 1], [], []>, transpose_lhs_hint = false} : vector<10000x128xf32>, vector<128x128xf32>, vector<10000x128xf32> -> vector<10000x128xf32>
    %get3A_6 = arith.constant 0 : index
    %get3A_7 = arith.constant 0 : index
    %get3A_8 = vector.load %arg2[%get3A_6, %get3A_7] : memref<1x128xf32, #tpu.memory_space<vmem>>, vector<1x128xf32>
    %add3A = vector.broadcast %get3A_8 : vector<1x128xf32> to vector<10000x128xf32>
    %add3A_9 = arith.addf %dot_general3A_5, %add3A : vector<10000x128xf32>
    %swap3A = arith.constant 0 : index
    %swap3A_10 = arith.constant 0 : index
    %swap3A_11 = vector.load %arg3[%swap3A, %swap3A_10] : memref<10000x128xf32, #tpu.memory_space<vmem>>, vector<10000x128xf32>
    tpu.vector_store %arg3[%swap3A, %swap3A_10], %add3A_9 {strides = array<i32>} : memref<10000x128xf32, #tpu.memory_space<vmem>>, vector<10000x128xf32>,
    return
  }
}

module attributes {stable_mosaic.version = 14 : i64} {
  func.func @_layer_body(%arg0: memref<10000x128xf32, #tpu.memory_space<vmem>>, %arg1: memref<2x10000x128xf32, #tpu.memory_space<vmem>>, %arg2: memref<10000x1xf32, #tpu.memory_space<vmem>>, %arg3: memref<128x128xf32, #tpu.memory_space<vmem>>, %arg4: memref<128x128xf32, #tpu.memory_space<vmem>>, %arg5: memref<1x128xf32, #tpu.memory_space<vmem>>, %arg6: memref<1x128xf32, #tpu.memory_space<vmem>>, %arg7: memref<1x128xf32, #tpu.memory_space<vmem>>, %arg8: memref<10000x128xf32, #tpu.memory_space<vmem>>) attributes {dimension_semantics = [], scalar_prefetch = 0 : i64, scratch_operands = 0 : i64, tpu.core_type = #tpu.core_type<tc>} {
    %get3A = arith.constant 0 : index
    %get3A_0 = arith.constant 0 : index
    %get3A_1 = vector.load %arg0[%get3A, %get3A_0] : memref<10000x128xf32, #tpu.memory_space<vmem>>, vector<10000x128xf32>
    %get3A_2 = arith.constant 0 : index
    %get3A_3 = arith.constant 0 : index
    %get3A_4 = arith.constant 0 : index
    %get3A_5 = vector.load %arg1[%get3A_2, %get3A_3, %get3A_4] : memref<2x10000x128xf32, #tpu.memory_space<vmem>>, vector<1x10000x128xf32>
    %get3A_6 = vector.shape_cast %get3A_5 : vector<1x10000x128xf32> to vector<10000x128xf32>
    %get3A_7 = arith.constant 1 : index
    %get3A_8 = arith.constant 0 : index
    %get3A_9 = arith.constant 0 : index
    %get3A_10 = vector.load %arg1[%get3A_7, %get3A_8, %get3A_9] : memref<2x10000x128xf32, #tpu.memory_space<vmem>>, vector<1x10000x128xf32>
    %get3A_11 = vector.shape_cast %get3A_10 : vector<1x10000x128xf32> to vector<10000x128xf32>
    %get3A_12 = arith.constant 0 : index
    %get3A_13 = arith.constant 0 : index
    %get3A_14 = vector.load %arg2[%get3A_12, %get3A_13] : memref<10000x1xf32, #tpu.memory_space<vmem>>, vector<10000x1xf32>
    %get3A_15 = arith.constant 0 : index
    %get3A_16 = arith.constant 0 : index
    %get3A_17 = vector.load %arg3[%get3A_15, %get3A_16] : memref<128x128xf32, #tpu.memory_space<vmem>>, vector<128x128xf32>
    %get3A_18 = arith.constant 0 : index
    %get3A_19 = arith.constant 0 : index
    %get3A_20 = vector.load %arg4[%get3A_18, %get3A_19] : memref<128x128xf32, #tpu.memory_space<vmem>>, vector<128x128xf32>
    %get3A_21 = arith.constant 0 : index
    %get3A_22 = arith.constant 0 : index
    %get3A_23 = vector.load %arg5[%get3A_21, %get3A_22] : memref<1x128xf32, #tpu.memory_space<vmem>>, vector<1x128xf32>
    %get3A_24 = arith.constant 0 : index
    %get3A_25 = arith.constant 0 : index
    %get3A_26 = vector.load %arg6[%get3A_24, %get3A_25] : memref<1x128xf32, #tpu.memory_space<vmem>>, vector<1x128xf32>
    %get3A_27 = arith.constant 0 : index
    %get3A_28 = arith.constant 0 : index
    %get3A_29 = vector.load %arg7[%get3A_27, %get3A_28] : memref<1x128xf32, #tpu.memory_space<vmem>>, vector<1x128xf32>
    %add3A = arith.addf %get3A_6, %get3A_11 : vector<10000x128xf32>
    %mul3A = vector.broadcast %get3A_14 : vector<10000x1xf32> to vector<10000x128xf32>
    %mul3A_30 = arith.mulf %add3A, %mul3A : vector<10000x128xf32>
    %dot_general3A = arith.constant dense<0.000000e+00> : vector<10000x128xf32>
    %dot_general3A_31 = tpu.matmul %get3A_1, %get3A_17, %dot_general3A {dimension_numbers = #tpu.dot_dimension_numbers<[1], [0], [0], [1], [0, 0, 1, 1], [], []>, transpose_lhs_hint = false} : vector<10000x128xf32>, vector<128x128xf32>, vector<10000x128xf32> -> vector<10000x128xf32>
    %dot_general3A_32 = arith.constant dense<0.000000e+00> : vector<10000x128xf32>
    %dot_general3A_33 = tpu.matmul %mul3A_30, %get3A_20, %dot_general3A_32 {dimension_numbers = #tpu.dot_dimension_numbers<[1], [0], [0], [1], [0, 0, 1, 1], [], []>, transpose_lhs_hint = false} : vector<10000x128xf32>, vector<128x128xf32>, vector<10000x128xf32> -> vector<10000x128xf32>
    %add3A_34 = arith.addf %dot_general3A_31, %dot_general3A_33 : vector<10000x128xf32>
    %add3A_35 = vector.broadcast %get3A_23 : vector<1x128xf32> to vector<10000x128xf32>
    %add3A_36 = arith.addf %add3A_34, %add3A_35 : vector<10000x128xf32>
    %mul3A_37 = arith.mulf %add3A_36, %add3A_36 : vector<10000x128xf32>
    %reduce_sum3A = arith.constant dense<0.000000e+00> : vector<10000xf32>
    %reduce_sum3A_38 = vector.multi_reduction <add>, %mul3A_37, %reduce_sum3A [1] : vector<10000x128xf32> to vector<10000xf32>
    %broadcast_in_dim3A = vector.shape_cast %reduce_sum3A_38 : vector<10000xf32> to vector<10000x1xf32>
    %sqrt3A = math.sqrt %broadcast_in_dim3A : vector<10000x1xf32>
    %add3A_39 = arith.constant 9.99999996E-13 : f32
    %add3A_40 = vector.broadcast %add3A_39 : f32 to vector<10000x1xf32>
    %add3A_41 = arith.addf %sqrt3A, %add3A_40 : vector<10000x1xf32>
    %div3A = vector.broadcast %add3A_41 : vector<10000x1xf32> to vector<10000x128xf32>
    %div3A_42 = arith.divf %add3A_36, %div3A : vector<10000x128xf32>
    %max3A = arith.constant 0.000000e+00 : f32
    %max3A_43 = vector.broadcast %max3A : f32 to vector<10000x128xf32>
    %max3A_44 = arith.maximumf %div3A_42, %max3A_43 : vector<10000x128xf32>
    %reduce_sum3A_45 = arith.constant dense<0.000000e+00> : vector<128xf32>
    %reduce_sum3A_46 = vector.multi_reduction <add>, %max3A_44, %reduce_sum3A_45 [0] : vector<10000x128xf32> to vector<128xf32>
    %broadcast_in_dim3A_47 = vector.shape_cast %reduce_sum3A_46 : vector<128xf32> to vector<1x128xf32>
    %div3A_48 = arith.constant 1.000000e+04 : f32
    %div3A_49 = vector.broadcast %div3A_48 : f32 to vector<1x128xf32>
    %div3A_50 = arith.divf %broadcast_in_dim3A_47, %div3A_49 : vector<1x128xf32>
    %sub3A = vector.broadcast %div3A_50 : vector<1x128xf32> to vector<10000x128xf32>
    %sub3A_51 = arith.subf %max3A_44, %sub3A : vector<10000x128xf32>
    %mul3A_52 = arith.mulf %sub3A_51, %sub3A_51 : vector<10000x128xf32>
    %reduce_sum3A_53 = arith.constant dense<0.000000e+00> : vector<128xf32>
    %reduce_sum3A_54 = vector.multi_reduction <add>, %mul3A_52, %reduce_sum3A_53 [0] : vector<10000x128xf32> to vector<128xf32>
    %broadcast_in_dim3A_55 = vector.shape_cast %reduce_sum3A_54 : vector<128xf32> to vector<1x128xf32>
    %div3A_56 = arith.constant 1.000000e+04 : f32
    %div3A_57 = vector.broadcast %div3A_56 : f32 to vector<1x128xf32>
    %div3A_58 = arith.divf %broadcast_in_dim3A_55, %div3A_57 : vector<1x128xf32>
    %mul3A_59 = vector.broadcast %get3A_26 : vector<1x128xf32> to vector<10000x128xf32>
    %mul3A_60 = arith.mulf %mul3A_59, %sub3A_51 : vector<10000x128xf32>
    %add3A_61 = arith.constant 9.99999974E-6 : f32
    %add3A_62 = vector.broadcast %add3A_61 : f32 to vector<1x128xf32>
    %add3A_63 = arith.addf %div3A_58, %add3A_62 : vector<1x128xf32>
    %rsqrt3A = math.rsqrt %add3A_63 : vector<1x128xf32>
    %mul3A_64 = vector.broadcast %rsqrt3A : vector<1x128xf32> to vector<10000x128xf32>
    %mul3A_65 = arith.mulf %mul3A_60, %mul3A_64 : vector<10000x128xf32>
    %add3A_66 = vector.broadcast %get3A_29 : vector<1x128xf32> to vector<10000x128xf32>
    %add3A_67 = arith.addf %mul3A_65, %add3A_66 : vector<10000x128xf32>
    %add3A_68 = arith.addf %get3A_1, %add3A_67 : vector<10000x128xf32>
    %swap3A = arith.constant 0 : index
    %swap3A_69 = arith.constant 0 : index
    %swap3A_70 = vector.load %arg8[%swap3A, %swap3A_69] : memref<10000x128xf32, #tpu.memory_space<vmem>>, vector<10000x128xf32>
    tpu.vector_store %arg8[%swap3A, %swap3A_69], %add3A_68 {strides = array<i32>} : memref<10000x128xf32, #tpu.memory_space<vmem>>, vector<10000x128xf32>,
    return
  }
}

module attributes {stable_mosaic.version = 14 : i64} {
  func.func @_last_body(%arg0: memref<10000x128xf32, #tpu.memory_space<vmem>>, %arg1: memref<2x10000x128xf32, #tpu.memory_space<vmem>>, %arg2: memref<10000x1xf32, #tpu.memory_space<vmem>>, %arg3: memref<128x128xf32, #tpu.memory_space<vmem>>, %arg4: memref<128x128xf32, #tpu.memory_space<vmem>>, %arg5: memref<1x128xf32, #tpu.memory_space<vmem>>, %arg6: memref<1x128xf32, #tpu.memory_space<vmem>>, %arg7: memref<1x128xf32, #tpu.memory_space<vmem>>, %arg8: memref<128x64xf32, #tpu.memory_space<vmem>>, %arg9: memref<1x64xf32, #tpu.memory_space<vmem>>, %arg10: memref<64x32xf32, #tpu.memory_space<vmem>>, %arg11: memref<1x32xf32, #tpu.memory_space<vmem>>, %arg12: memref<32x10xf32, #tpu.memory_space<vmem>>, %arg13: memref<1x10xf32, #tpu.memory_space<vmem>>, %arg14: memref<1x10xf32, #tpu.memory_space<vmem>>) attributes {dimension_semantics = [], scalar_prefetch = 0 : i64, scratch_operands = 0 : i64, tpu.core_type = #tpu.core_type<tc>} {
    %get3A = arith.constant 0 : index
    %get3A_0 = arith.constant 0 : index
    %get3A_1 = vector.load %arg0[%get3A, %get3A_0] : memref<10000x128xf32, #tpu.memory_space<vmem>>, vector<10000x128xf32>
    %get3A_2 = arith.constant 0 : index
    %get3A_3 = arith.constant 0 : index
    %get3A_4 = arith.constant 0 : index
    %get3A_5 = vector.load %arg1[%get3A_2, %get3A_3, %get3A_4] : memref<2x10000x128xf32, #tpu.memory_space<vmem>>, vector<1x10000x128xf32>
    %get3A_6 = vector.shape_cast %get3A_5 : vector<1x10000x128xf32> to vector<10000x128xf32>
    %get3A_7 = arith.constant 1 : index
    %get3A_8 = arith.constant 0 : index
    %get3A_9 = arith.constant 0 : index
    %get3A_10 = vector.load %arg1[%get3A_7, %get3A_8, %get3A_9] : memref<2x10000x128xf32, #tpu.memory_space<vmem>>, vector<1x10000x128xf32>
    %get3A_11 = vector.shape_cast %get3A_10 : vector<1x10000x128xf32> to vector<10000x128xf32>
    %get3A_12 = arith.constant 0 : index
    %get3A_13 = arith.constant 0 : index
    %get3A_14 = vector.load %arg2[%get3A_12, %get3A_13] : memref<10000x1xf32, #tpu.memory_space<vmem>>, vector<10000x1xf32>
    %get3A_15 = arith.constant 0 : index
    %get3A_16 = arith.constant 0 : index
    %get3A_17 = vector.load %arg3[%get3A_15, %get3A_16] : memref<128x128xf32, #tpu.memory_space<vmem>>, vector<128x128xf32>
    %get3A_18 = arith.constant 0 : index
    %get3A_19 = arith.constant 0 : index
    %get3A_20 = vector.load %arg4[%get3A_18, %get3A_19] : memref<128x128xf32, #tpu.memory_space<vmem>>, vector<128x128xf32>
    %get3A_21 = arith.constant 0 : index
    %get3A_22 = arith.constant 0 : index
    %get3A_23 = vector.load %arg5[%get3A_21, %get3A_22] : memref<1x128xf32, #tpu.memory_space<vmem>>, vector<1x128xf32>
    %get3A_24 = arith.constant 0 : index
    %get3A_25 = arith.constant 0 : index
    %get3A_26 = vector.load %arg6[%get3A_24, %get3A_25] : memref<1x128xf32, #tpu.memory_space<vmem>>, vector<1x128xf32>
    %get3A_27 = arith.constant 0 : index
    %get3A_28 = arith.constant 0 : index
    %get3A_29 = vector.load %arg7[%get3A_27, %get3A_28] : memref<1x128xf32, #tpu.memory_space<vmem>>, vector<1x128xf32>
    %add3A = arith.addf %get3A_6, %get3A_11 : vector<10000x128xf32>
    %mul3A = vector.broadcast %get3A_14 : vector<10000x1xf32> to vector<10000x128xf32>
    %mul3A_30 = arith.mulf %add3A, %mul3A : vector<10000x128xf32>
    %dot_general3A = arith.constant dense<0.000000e+00> : vector<10000x128xf32>
    %dot_general3A_31 = tpu.matmul %get3A_1, %get3A_17, %dot_general3A {dimension_numbers = #tpu.dot_dimension_numbers<[1], [0], [0], [1], [0, 0, 1, 1], [], []>, transpose_lhs_hint = false} : vector<10000x128xf32>, vector<128x128xf32>, vector<10000x128xf32> -> vector<10000x128xf32>
    %dot_general3A_32 = arith.constant dense<0.000000e+00> : vector<10000x128xf32>
    %dot_general3A_33 = tpu.matmul %mul3A_30, %get3A_20, %dot_general3A_32 {dimension_numbers = #tpu.dot_dimension_numbers<[1], [0], [0], [1], [0, 0, 1, 1], [], []>, transpose_lhs_hint = false} : vector<10000x128xf32>, vector<128x128xf32>, vector<10000x128xf32> -> vector<10000x128xf32>
    %add3A_34 = arith.addf %dot_general3A_31, %dot_general3A_33 : vector<10000x128xf32>
    %add3A_35 = vector.broadcast %get3A_23 : vector<1x128xf32> to vector<10000x128xf32>
    %add3A_36 = arith.addf %add3A_34, %add3A_35 : vector<10000x128xf32>
    %mul3A_37 = arith.mulf %add3A_36, %add3A_36 : vector<10000x128xf32>
    %reduce_sum3A = arith.constant dense<0.000000e+00> : vector<10000xf32>
    %reduce_sum3A_38 = vector.multi_reduction <add>, %mul3A_37, %reduce_sum3A [1] : vector<10000x128xf32> to vector<10000xf32>
    %broadcast_in_dim3A = vector.shape_cast %reduce_sum3A_38 : vector<10000xf32> to vector<10000x1xf32>
    %sqrt3A = math.sqrt %broadcast_in_dim3A : vector<10000x1xf32>
    %add3A_39 = arith.constant 9.99999996E-13 : f32
    %add3A_40 = vector.broadcast %add3A_39 : f32 to vector<10000x1xf32>
    %add3A_41 = arith.addf %sqrt3A, %add3A_40 : vector<10000x1xf32>
    %div3A = vector.broadcast %add3A_41 : vector<10000x1xf32> to vector<10000x128xf32>
    %div3A_42 = arith.divf %add3A_36, %div3A : vector<10000x128xf32>
    %max3A = arith.constant 0.000000e+00 : f32
    %max3A_43 = vector.broadcast %max3A : f32 to vector<10000x128xf32>
    %max3A_44 = arith.maximumf %div3A_42, %max3A_43 : vector<10000x128xf32>
    %reduce_sum3A_45 = arith.constant dense<0.000000e+00> : vector<128xf32>
    %reduce_sum3A_46 = vector.multi_reduction <add>, %max3A_44, %reduce_sum3A_45 [0] : vector<10000x128xf32> to vector<128xf32>
    %broadcast_in_dim3A_47 = vector.shape_cast %reduce_sum3A_46 : vector<128xf32> to vector<1x128xf32>
    %div3A_48 = arith.constant 1.000000e+04 : f32
    %div3A_49 = vector.broadcast %div3A_48 : f32 to vector<1x128xf32>
    %div3A_50 = arith.divf %broadcast_in_dim3A_47, %div3A_49 : vector<1x128xf32>
    %sub3A = vector.broadcast %div3A_50 : vector<1x128xf32> to vector<10000x128xf32>
    %sub3A_51 = arith.subf %max3A_44, %sub3A : vector<10000x128xf32>
    %mul3A_52 = arith.mulf %sub3A_51, %sub3A_51 : vector<10000x128xf32>
    %reduce_sum3A_53 = arith.constant dense<0.000000e+00> : vector<128xf32>
    %reduce_sum3A_54 = vector.multi_reduction <add>, %mul3A_52, %reduce_sum3A_53 [0] : vector<10000x128xf32> to vector<128xf32>
    %broadcast_in_dim3A_55 = vector.shape_cast %reduce_sum3A_54 : vector<128xf32> to vector<1x128xf32>
    %div3A_56 = arith.constant 1.000000e+04 : f32
    %div3A_57 = vector.broadcast %div3A_56 : f32 to vector<1x128xf32>
    %div3A_58 = arith.divf %broadcast_in_dim3A_55, %div3A_57 : vector<1x128xf32>
    %mul3A_59 = vector.broadcast %get3A_26 : vector<1x128xf32> to vector<10000x128xf32>
    %mul3A_60 = arith.mulf %mul3A_59, %sub3A_51 : vector<10000x128xf32>
    %add3A_61 = arith.constant 9.99999974E-6 : f32
    %add3A_62 = vector.broadcast %add3A_61 : f32 to vector<1x128xf32>
    %add3A_63 = arith.addf %div3A_58, %add3A_62 : vector<1x128xf32>
    %rsqrt3A = math.rsqrt %add3A_63 : vector<1x128xf32>
    %mul3A_64 = vector.broadcast %rsqrt3A : vector<1x128xf32> to vector<10000x128xf32>
    %mul3A_65 = arith.mulf %mul3A_60, %mul3A_64 : vector<10000x128xf32>
    %add3A_66 = vector.broadcast %get3A_29 : vector<1x128xf32> to vector<10000x128xf32>
    %add3A_67 = arith.addf %mul3A_65, %add3A_66 : vector<10000x128xf32>
    %add3A_68 = arith.addf %get3A_1, %add3A_67 : vector<10000x128xf32>
    %reduce_sum3A_69 = arith.constant dense<0.000000e+00> : vector<128xf32>
    %reduce_sum3A_70 = vector.multi_reduction <add>, %add3A_68, %reduce_sum3A_69 [0] : vector<10000x128xf32> to vector<128xf32>
    %broadcast_in_dim3A_71 = vector.shape_cast %reduce_sum3A_70 : vector<128xf32> to vector<1x128xf32>
    %div3A_72 = arith.constant 1.000000e+04 : f32
    %div3A_73 = vector.broadcast %div3A_72 : f32 to vector<1x128xf32>
    %div3A_74 = arith.divf %broadcast_in_dim3A_71, %div3A_73 : vector<1x128xf32>
    %get3A_75 = arith.constant 0 : index
    %get3A_76 = arith.constant 0 : index
    %get3A_77 = vector.load %arg8[%get3A_75, %get3A_76] : memref<128x64xf32, #tpu.memory_space<vmem>>, vector<128x64xf32>
    %dot_general3A_78 = arith.constant dense<0.000000e+00> : vector<1x64xf32>
    %dot_general3A_79 = tpu.matmul %div3A_74, %get3A_77, %dot_general3A_78 {dimension_numbers = #tpu.dot_dimension_numbers<[1], [0], [0], [1], [0, 0, 1, 1], [], []>, transpose_lhs_hint = false} : vector<1x128xf32>, vector<128x64xf32>, vector<1x64xf32> -> vector<1x64xf32>
    %get3A_80 = arith.constant 0 : index
    %get3A_81 = arith.constant 0 : index
    %get3A_82 = vector.load %arg9[%get3A_80, %get3A_81] : memref<1x64xf32, #tpu.memory_space<vmem>>, vector<1x64xf32>
    %add3A_83 = arith.addf %dot_general3A_79, %get3A_82 : vector<1x64xf32>
    %max3A_84 = arith.constant 0.000000e+00 : f32
    %max3A_85 = vector.broadcast %max3A_84 : f32 to vector<1x64xf32>
    %max3A_86 = arith.maximumf %add3A_83, %max3A_85 : vector<1x64xf32>
    %get3A_87 = arith.constant 0 : index
    %get3A_88 = arith.constant 0 : index
    %get3A_89 = vector.load %arg10[%get3A_87, %get3A_88] : memref<64x32xf32, #tpu.memory_space<vmem>>, vector<64x32xf32>
    %dot_general3A_90 = arith.constant dense<0.000000e+00> : vector<1x32xf32>
    %dot_general3A_91 = tpu.matmul %max3A_86, %get3A_89, %dot_general3A_90 {dimension_numbers = #tpu.dot_dimension_numbers<[1], [0], [0], [1], [0, 0, 1, 1], [], []>, transpose_lhs_hint = false} : vector<1x64xf32>, vector<64x32xf32>, vector<1x32xf32> -> vector<1x32xf32>
    %get3A_92 = arith.constant 0 : index
    %get3A_93 = arith.constant 0 : index
    %get3A_94 = vector.load %arg11[%get3A_92, %get3A_93] : memref<1x32xf32, #tpu.memory_space<vmem>>, vector<1x32xf32>
    %add3A_95 = arith.addf %dot_general3A_91, %get3A_94 : vector<1x32xf32>
    %max3A_96 = arith.constant 0.000000e+00 : f32
    %max3A_97 = vector.broadcast %max3A_96 : f32 to vector<1x32xf32>
    %max3A_98 = arith.maximumf %add3A_95, %max3A_97 : vector<1x32xf32>
    %get3A_99 = arith.constant 0 : index
    %get3A_100 = arith.constant 0 : index
    %get3A_101 = vector.load %arg12[%get3A_99, %get3A_100] : memref<32x10xf32, #tpu.memory_space<vmem>>, vector<32x10xf32>
    %dot_general3A_102 = arith.constant dense<0.000000e+00> : vector<1x10xf32>
    %dot_general3A_103 = tpu.matmul %max3A_98, %get3A_101, %dot_general3A_102 {dimension_numbers = #tpu.dot_dimension_numbers<[1], [0], [0], [1], [0, 0, 1, 1], [], []>, transpose_lhs_hint = false} : vector<1x32xf32>, vector<32x10xf32>, vector<1x10xf32> -> vector<1x10xf32>
    %get3A_104 = arith.constant 0 : index
    %get3A_105 = arith.constant 0 : index
    %get3A_106 = vector.load %arg13[%get3A_104, %get3A_105] : memref<1x10xf32, #tpu.memory_space<vmem>>, vector<1x10xf32>
    %add3A_107 = arith.addf %dot_general3A_103, %get3A_106 : vector<1x10xf32>
    %swap3A = arith.constant 0 : index
    %swap3A_108 = arith.constant 0 : index
    %swap3A_109 = vector.load %arg14[%swap3A, %swap3A_108] : memref<1x10xf32, #tpu.memory_space<vmem>>, vector<1x10xf32>
    tpu.vector_store %arg14[%swap3A, %swap3A_108], %add3A_107 {strides = array<i32>} : memref<1x10xf32, #tpu.memory_space<vmem>>, vector<1x10xf32>,
    return
  }
}

</mosaic_0001>

<sc_bundles>
// kernel: kernel.13.cloned.1.call-start
scs
__scs_entry_jumppad:
0x0: {  	(pc) =	sbr.rel $0x88, $3  }
0x1: {  	(tag) =	ssettag $0x0;
	lr =	simm.s32 $0x1  }
0x2: {  	[smem:$0x3F90] =	sst lr;
	_ =	strace $0xD0000000  }
0x3: {  	_ = 	snop  }
0x4: {  	_ = 	snop  }
0x5: {  	_ = 	snop  }
0x6: {  	_ = 	snop  }
0x7: {  	_ = 	snop  }
__scs_overlays_trampoline_lowered:
0x8: {  	[smem:$0x3F9F] =	sst s0  }
0x9: {  	[smem:$0x3FA0] =	sst s1  }
0xa: {  	[smem:$0x3FA1] =	sst s2  }
0xb: {  	[smem:$0x3FA2] =	sst s3  }
0xc: {  	[smem:$0x3FA3] =	sst s4  }
0xd: {  	[smem:$0x3FA4] =	sst s5  }
0xe: {  	[smem:$0x3FA5] =	sst s6  }
0xf: {  	[smem:$0x3FA6] =	sst s7  }
0x10: {  	[smem:$0x3FA7] =	sst s8  }
0x11: {  	[smem:$0x3FA8] =	sst s9;
	s0 =	simm.s32 @!p0 $0x0  }
0x12: {  	s1 =	sld [smem:$0x3F8E];
	s0 =	simm.s32 @p0 $0x1  }
0x13: {  	[smem:$0x3FA9] =	sst s0;
	s0 =	simm.s32 @!p1 $0x0  }
0x14: {  	s2 =	sld [smem:$0x3F8D];
	s0 =	simm.s32 @p1 $0x1  }
0x15: {  	[smem:$0x3FAA] =	sst s0;
	s0 =	simm.s32 @!p2 $0x0  }
0x16: {  	s3 =	sld [smem:$0x3FDB];
	s0 =	simm.s32 @p2 $0x1  }
0x17: {  	s4 =	simm.s32 $0x1BF5;
	[smem:$0x3FAC] =	sst s0  }
0x18: {  	s0 =	sld [smem:$0x3F8F];
	_ =	swait.ge [sflag:s4], $0x0  }
0x19: {  	s7 =	sld [smem:$0x3F90]  }
0x1a: {  	s8 =	sadd.s32 $0xFFFFE003, lr  }
0x1b: {  	s9 =	sadd.s32 $0xFFFFFEF7, lr;
	s5 =	simm.s32 $0xFFFFFFFF;
	p2 =	slt.u32 s8, $0xFFFFF086  }
0x1c: {  	p1 =	slt.u32 s9, $0xF7A;
	s5 =	simm.s32 @!p2 $0x0  }
0x1d: {  	s5 =	simm.s32 @p1 $0x1;
	p0 =	seq.s32 s7, s2  }
0x1e: {  	s7 =	smul.u32 @!p0 $0xF7A, s2;
	p2 =	seq.s32 @!p0 s5, $0x0  }
0x1f: {  	s9 =	smul.u32 $0xF7A, s1;
	s8 =	simm.s32 @!p0 $0x1BF5;
	p2 =	por !p2, p0  }
0x20: {  	[sflag:s8] =	ssyncset.s32 @!p0 $0xFFFFF086;
	s6 =	sadd.s32 @!p0 s3, s7;
	s7 =	simm.s32 @!p0 $0x108  }
0x21: {  	s3 =	sadd.s32 s3, s9;
	s6 =	sadd.s32 @!p0 $0x88, s6;
	s7 =	simm.s32 @p2 $0x1082  }
0x22: {  	[simem:s7], [sflag:s8] =	dma.local @!p0 [hbm:s6], $0xF7A  }
0x23: {  	s9 =	sor.u32 $0xD0000000, s2;
	s6 =	simm.s32 $0x108;
	_ =	swait.ge @!p0 [sflag:s8], $0x0  }
0x24: {  	s3 =	sadd.s32 $0x88, s3;
	s6 =	simm.s32 @!p1 $0x1082;
	[sflag:s4] =	ssyncset.s32 $0xFFFFF086  }
0x25: {  	[simem:s6], [sflag:s4] =	dma.local [hbm:s3], $0xF7A  }
0x26: {  	[smem:$0x3F90] =	sst s1;
	(tag) =	ssettag s2;
	_ =	strace s9  }
0x27: {  	s1 =	sld [smem:$0x3FA0]  }
0x28: {  	s2 =	sld [smem:$0x3FA1]  }
0x29: {  	s4 =	sld [smem:$0x3FA3]  }
0x2a: {  	p0 =	seq.s32 s5, $0x0;
	s5 =	sld [smem:$0x3FA4]  }
0x2b: {  	s6 =	sld [smem:$0x3FA5]  }
0x2c: {  	s7 =	sld [smem:$0x3FA6]  }
0x2d: {  	s3 =	simm.s32 $0x108;
	s8 =	sld [smem:$0x3FA7]  }
0x2e: {  	s3 =	simm.s32 @!p0 $0x1082;
	s9 =	sld [smem:$0x3FA8]  }
0x2f: {  	lr =	sadd.s32 s0, s3;
	s0 =	sld [smem:$0x3F9F]  }
0x30: {  	s3 =	sld [smem:$0x3FA2]  }
0x31: {  	[smem:$0x3FAB] =	sst s10  }
0x32: {  	s10 =	sld [smem:$0x3FA9];
	_ =	sdelay $0x3  }
0x33: {  	p0 =	seq.s32 s10, $0x1;
	s10 =	sld [smem:$0x3FAB];
	_ =	sdelay $0x3  }
0x34: {  	[smem:$0x3FAB] =	sst s10  }
0x35: {  	s10 =	sld [smem:$0x3FAA];
	_ =	sdelay $0x3  }
0x36: {  	p1 =	seq.s32 s10, $0x1;
	s10 =	sld [smem:$0x3FAB];
	_ =	sdelay $0x3  }
0x37: {  	[smem:$0x3FAB] =	sst s10  }
0x38: {  	s10 =	sld [smem:$0x3FAC]  }
0x39: {  	_ = 	snop;
	(pc) =	sbr.ind lr, $3  }
0x3a: {  	_ = 	snop  }
0x3b: {  	_ = 	snop  }
0x3c: {  	p2 =	seq.s32 s10, $0x1;
	s10 =	sld [smem:$0x3FAB]  }
0x3d: {  	_ =	shalt  }
0x3e: {  	_ =	shalt  }
0x3f: {  	_ =	shalt  }
0x40: {  	_ =	shalt  }
0x41: {  	_ =	shalt  }
0x42: {  	_ =	shalt  }
0x43: {  	_ =	shalt  }
0x44: {  	_ =	shalt  }
0x45: {  	_ =	shalt  }
0x46: {  	_ =	shalt  }
0x47: {  	_ =	shalt  }
0x48: {  	_ =	shalt  }
0x49: {  	_ =	shalt  }
0x4a: {  	_ =	shalt  }
0x4b: {  	_ =	shalt  }
0x4c: {  	_ =	shalt  }
0x4d: {  	_ =	shalt  }
0x4e: {  	_ =	shalt  }
0x4f: {  	_ =	shalt  }
0x50: {  	_ =	shalt  }
0x51: {  	_ =	shalt  }
0x52: {  	_ =	shalt  }
0x53: {  	_ =	shalt  }
0x54: {  	_ =	shalt  }
0x55: {  	_ =	shalt  }
0x56: {  	_ =	shalt  }
0x57: {  	_ =	shalt  }
0x58: {  	_ =	shalt  }
0x59: {  	_ =	shalt  }
0x5a: {  	_ =	shalt  }
0x5b: {  	_ =	shalt  }
0x5c: {  	_ =	shalt  }
0x5d: {  	_ =	shalt  }
0x5e: {  	_ =	shalt  }
0x5f: {  	_ =	shalt  }
0x60: {  	_ =	shalt  }
0x61: {  	_ =	shalt  }
0x62: {  	_ =	shalt  }
0x63: {  	_ =	shalt  }
0x64: {  	_ =	shalt  }
0x65: {  	_ =	shalt  }
0x66: {  	_ =	shalt  }
0x67: {  	_ =	shalt  }
0x68: {  	_ =	shalt  }
0x69: {  	_ =	shalt  }
0x6a: {  	_ =	shalt  }
0x6b: {  	_ =	shalt  }
0x6c: {  	_ =	shalt  }
0x6d: {  	_ =	shalt  }
0x6e: {  	_ =	shalt  }
0x6f: {  	_ =	shalt  }
0x70: {  	_ =	shalt  }
0x71: {  	_ =	shalt  }
0x72: {  	_ =	shalt  }
0x73: {  	_ =	shalt  }
0x74: {  	_ =	shalt  }
0x75: {  	_ =	shalt  }
0x76: {  	_ =	shalt  }
0x77: {  	_ =	shalt  }
0x78: {  	_ =	shalt  }
0x79: {  	_ =	shalt  }
0x7a: {  	_ =	shalt  }
0x7b: {  	_ =	shalt  }
0x7c: {  	_ =	shalt  }
0x7d: {  	_ =	shalt  }
0x7e: {  	_ =	shalt  }
0x7f: {  	_ =	shalt  }
0x80: {  	_ =	shalt  }
0x81: {  	_ =	shalt  }
0x82: {  	_ =	shalt  }
0x83: {  	_ =	shalt  }
0x84: {  	_ =	shalt  }
0x85: {  	_ =	shalt  }
0x86: {  	_ =	shalt  }
0x87: {  	_ =	shalt  }
.Lfunc_end0:
.L_simem_size_0:
called_computation_lowered:
.L_overlay_start_0:
0x88: {  	s2 =	sld [smem:$0x3FD9]  }
0x89: {  	s3 =	sld [smem:$0x3FFE];
	_ =	sdelay $0x1  }
0x8a: {  	s1 =	srdreg.scid  }
0x8b: {  	s0 =	sand.u32 $0x1, s1  }
0x8c: {  	s17 =	sshll.u32 s0, $0xA;
	s2 =	sadd.s32 s3, s2  }
0x8d: {  	s2 =	sadd.s32 s2, s17  }
0x8e: {  	[smem:$0x3FB7] =	sst s2  }
0x8f: {  	_ = 	snop  }
0x90: {  	(tm) =	ssettm $0x1  }
0x91: {  	s18 =	sld [smem:$0x3FFB];
	_ =	sdelay $0x3  }
0x92: {  	_ =	strace s18  }
0x93: {  	s2 =	sld [smem:$0x3FFC];
	_ =	sdelay $0x3  }
0x94: {  	_ =	strace s2  }
0x95: {  	s2 =	sld [smem:$0x3FFD];
	_ =	sdelay $0x3  }
0x96: {  	_ =	strace s2  }
0x97: {  	_ =	strace $0x8FFFFFFF  }
0x98: {  	s19 =	sld [smem:$0x3FDB];
	_ =	sdelay $0x1  }
0x99: {  	s20 =	simm.s32 $_scs_section_size  }
0x9a: {  	s4 =	simm.s32 $_size__tile_overlayer_lowered;
	s5 =	simm.s32 $_tile_overlayer_lowered  }
0x9b: {  	s6 =	simm.s32 $0x1BFF;
	s21 =	sshll.u32 s5, $0x1;
	s3 =	sadd.s32 s20, s19  }
0x9c: {  	s22 =	simm.s32 $0x0;
	s4 =	sshll.u32 s4, $0x1;
	s5 =	sadd.s32 s21, s3  }
0x9d: {  	[timem:s22], [sflag:s6] =	dma.local [hbm:s5], s4  }
0x9e: {  	_ =	swait.ge [sflag:s6], s4  }
0x9f: {  	s4 =	ssub.s32 $0x0, s4;
	[sflag:s6] =	ssyncset.done $0x0  }
0xa0: {  	[sflag:s6] =	ssyncadd.s32 s4;
	_ =	sdelay $0x1  }
0xa1: {  	s23 =	simm.s32 $0x1B8B  }
0xa2: {  	_ =	swait.ge [sflag:s23], $0x1  }
0xa3: {  	[sflag:s23] =	ssyncset.done $0x0  }
0xa4: {  	[sflag:s23] =	ssyncadd.s32 $0xFFFFFFFF  }
0xa5: {  	s4 =	sld [smem:$0x0]  }
0xa6: {  	s5 =	sand.u32 $0xFFFFFFFE, s1  }
0xa7: {  	p0 =	sne.s32 s1, s5  }
0xa8: {  	s5 =	sshll.u32 @p0 s5, $0xE  }
0xa9: {  	s5 =	sadd.s32 @p0 $0x11B8D, s5;
	s6 =	sshll.u32 @p0 s4, $0x11  }
0xaa: {  	s5 =	sor.u32 @p0 s6, s5  }
0xab: {  	[sflag:s5] =	ssyncadd.remote.s32 @p0 $0x1;
	_ =	sdelay $0x1  }
0xac: {  	s5 =	simm.s32 @p0 $0x1B8D  }
0xad: {  	_ =	swait.eq @p0 [sflag:s5], $0x1  }
0xae: {  	[sflag:s5] =	ssyncadd.s32 @p0 $0xFFFFFFFF  }
0xaf: {  	s6 =	sshll.u32 @!p0 s1, $0xE  }
0xb0: {  	s6 =	sor.u32 @!p0 $0x4000, s6;
	s5 =	simm.s32 @!p0 $0x1B8D  }
0xb1: {  	s4 =	sshll.u32 @!p0 s4, $0x11;
	s6 =	sadd.s32 @!p0 $0x11B8D, s6;
	_ =	swait.eq @!p0 [sflag:s5], $0x1  }
0xb2: {  	s4 =	sor.u32 @!p0 s4, s6;
	[sflag:s5] =	ssyncadd.s32 @!p0 $0xFFFFFFFF  }
0xb3: {  	s25 =	simm.s32 $0x1B8E;
	s24 =	sld [smem:$0x3FFE];
	[sflag:s4] =	ssyncadd.remote.s32 @!p0 $0x1  }
0xb4: {  	s26 =	simm.s32 $execute0_lowered;
	[smem:$0x3FD2] =	sst s25  }
0xb5: {  	s5 =	sshll.u32 s26, $0x1;
	_ =	strace $0x80000049;
	[dreg:$0x1] =	wrdreg $0xFFFFFFFF  }
0xb6: {  	s28 =	simm.s32 $_size_execute0_lowered;
	s3 =	sadd.s32 s3, s5;
	[dreg:$0x0] =	wrdreg $0x0  }
0xb7: {  	s5 =	sshll.u32 s28, $0x1;
	[dreg:$0x2] =	wrdreg s3  }
0xb8: {  	[dreg:$0x3] =	wrdreg s5  }
0xb9: {  	[dreg:$0x4] =	wrdreg $0xC0  }
0xba: {  	_ =	task [dreg:s22], $0x5FFFF  }
0xbb: {  	[dreg:$0x1] =	wrdreg $0xFFFFFFFF  }
0xbc: {  	[dreg:$0x0] =	wrdreg $0x60  }
0xbd: {  	[dreg:$0x2] =	wrdreg s24  }
0xbe: {  	[dreg:$0x3] =	wrdreg $0x40800  }
0xbf: {  	[dreg:$0x4] =	wrdreg $0x9  }
0xc0: {  	_ =	task.clear_ibuf [dreg:s22], $0x5FFFF;
	_ =	strace $0x90000049  }
0xc1: {  	s29 =	simm.s32 $0x9;
	_ =	strace $0x8000004B  }
0xc2: {  	_ =	swait.ge [sflag:s29], $0x1  }
0xc3: {  	[sflag:s29] =	ssyncadd.s32 $0xFFFFFFFF  }
0xc4: {  	_ =	strace $0x9000004B  }
0xc5: {  	_ =	sfence  }
0xc6: {  	s30 =	sld [smem:$0x0];
	_ =	sdelay $0x2  }
0xc7: {  	s31 =	sshll.u32 s1, $0xD;
	s1 =	sshrl.u32 s1, $0x2  }
0xc8: {  	s4 =	sand.u32 $0x4000, s31;
	s1 =	sadd.s32 s1, s30  }
0xc9: {  	s0 =	sor.u32 s4, s0;
	s1 =	sshll.u32 s1, $0x11  }
0xca: {  	s0 =	sor.u32 s1, s0  }
0xcb: {  	s0 =	sadd.s32 $0x8F2B, s0  }
0xcc: {  	[sflag:s0] =	ssyncadd.remote.s32 $0x1  }
0xcd: {  	_ =	sfence.sel $0xFFFF  }
0xce: {  	[dreg:$0x0] =	wrdreg $0xFFFFFFFF;
	(pc) =	sbr.abs _section_cstart, $3  }
0xcf: {  	[dreg:$0x1] =	wrdreg $0xFFFFFFFF  }
0xd0: {  	_ =	task.clear_ibuf [dreg:s22], $0x2FFFF;
	_ =	strace $0x9FFFFFFF  }
0xd1: {  	(tm) =	ssettm $0x7FFFFFFF  }
tec
execute0_lowered:
.L_overlay_start_1:
0x0: {  	(tag) =	ssettag $0x1  }
0x1: {  	s4 =	rddreg [dreg:$0x0];
	s0 =	srdreg.scid  }
0x2: {  	s2 =	rddreg [dreg:$0x1];
	s1 =	stileid.u32  }
0x3: {  	s3 =	simm.s32 $0x0;
	s12 =	simm.s32 $0x80;
	s13 =	simm.s32 $0x0  }
0x4: {  	s5 =	sand.u32 $0x1, s0;
	s0 =	rddreg [dreg:$0x2];
	s26 =	smul.u32 $0x14000, s1  }
0x5: {  	s6 =	sshll.u32 s1, $0x8;
	[smem:$0x7FF] =	sst s3;
	s29 =	smul.u32 $0x50000, s1  }
0x6: {  	s31 =	sshll.u32 s1, $0x6;
	p0 =	slt.u32 s1, $0x2;
	s7 =	sshll.u32 s5, $0x7  }
0x7: {  	s8 =	smul.u32 $0x140000, s5;
	_ =	strace $0x8000004A;
	s5 =	ssub.s32 $0x2, s5  }
0x8: {  	s6 =	sor.u32 s7, s6;
	s28 =	sshrl.u32 s26, $0x3;
	s30 =	sshrl.u32 s5, $0x1  }
0x9: {  	s6 =	sshrl.u32 s6, $0x3;
	s7 =	sadd.s32 s26, s8;
	s8 =	sshrl.u32 s29, $0x2  }
0xa: {  	s10 =	ssub.s32 s5, s30;
	s5 =	simm.s32 $0x4F;
	s9 =	sadd.s32 s6, s4  }
0xb: {  	s6 =	sadd.s32 s28, s4;
	s7 =	sshrl.u32 s7, $0x3;
	s11 =	sadd.s32 s8, s2  }
0xc: {  	s5 =	simm.s32 @!p0 $0x4E;
	s8 =	smax.u32 s10, $0x1;
	s7 =	sadd.s32 s7, s4  }
0xd: {  	s4 =	sadd.s32 $0xBC400, s6;
	s6 =	sor.u32 $0x1C01, s31;
	s9 =	sadd.s32 $0x9600, s9  }
0xe: {  	v0 =	vimm.f32 $1.000000000e+00;
	s10 =	sshrl.u32 s11, $0x3;
	s11 =	simm.s32 $0x1;
	s7 =	sadd.s32 $0xE4400, s7  }
.LBB2_1:
0xf: {  	s14 =	simm.s32 $0x200;
	s15 =	simm.s32 $0x0  }
.LBB2_2:
0x10: {  	p0 =	sne.s32 s14, $0xFE00;
	[tilespmem:s15+$0x80] =	vst v0;
	s15 =	smov.u32 s14;
	s14 =	sadd.s32 $0x200, s14  }
.Ltmp0:
0x11: {  	(pc) =	sbr.rel @p0 .LBB2_2-.Ltmp0, $2  }
0x12: {  	_ =	sdelay $0x2  }
0x13: {  	s15 =	sshra.s32 s15, $0x2  }
0x14: {  	[tilespmem:s15+$0x80] =	vst v0  }
0x15: {  	[spmem:s10], [sflag:s6] =	dma.local [hbm:s4], $0x2800  }
0x16: {  	_ =	swait.ge [sflag:s11], $0x2800  }
0x17: {  	[sflag:s11] =	ssyncset.done $0x0  }
0x18: {  	[sflag:s11] =	ssyncadd.s32 $0xFFFFD800  }
0x19: {  	[bflag:$0x0] =	sbarrier.arrive $0xFFFF  }
0x1a: {  	[tilespmem:s3], [sflag:$0x1] =	stream.linear.gather [hbm4b:s9+s3], $0x80, $0x38;
	[tilespmem:$0x6880] =	vst v63  }
0x1b: {  	p0 =	sne.s32 s5, $0x1;
	_ =	swait.ge [sflag:s11], $0x80  }
.Ltmp1:
0x1c: {  	[sflag:s11] =	ssyncset.done $0x0;
	(pc) =	sbr.rel @!p0 .LBB2_5-.Ltmp1, $4  }
0x1d: {  	[sflag:s11] =	ssyncadd.s32 $0xFFFFFF80  }
0x1e: {  	[spmem:s2] =	stream.indirect.scatter.add.f32 [tilespmem:s12], [sflag:$0x1], $0x10, s3, s12, $0xb8;
	[tilespmem:$0x6880] =	vst v63  }
0x1f: {  	_ =	swait.ge [sflag:s11], $0x800  }
0x20: {  	s14 =	sadd.s32 $0xFFFFFFFF, s5;
	s15 =	smov.u32 s9;
	[sflag:s11] =	ssyncset.done $0x0  }
.LBB2_4:
0x21: {  	p0 =	sne.s32 s14, $0x1;
	[sflag:s11] =	ssyncadd.s32 $0xFFFFF800;
	s15 =	sadd.s32 $0x200, s15  }
0x22: {  	[tilespmem:s3], [sflag:$0x1] =	stream.linear.gather [hbm4b:s15+s3], $0x80, $0x38;
	[tilespmem:$0x6880] =	vst v63  }
0x23: {  	s14 =	sadd.s32 $0xFFFFFFFF, s14;
	_ =	swait.ge [sflag:s11], $0x80  }
.Ltmp2:
0x24: {  	[sflag:s11] =	ssyncset.done $0x0;
	(pc) =	sbr.rel @p0 .LBB2_4-.Ltmp2, $4  }
0x25: {  	[sflag:s11] =	ssyncadd.s32 $0xFFFFFF80  }
0x26: {  	[spmem:s2] =	stream.indirect.scatter.add.f32 [tilespmem:s12], [sflag:$0x1], $0x10, s3, s12, $0xb8;
	[tilespmem:$0x6880] =	vst v63  }
0x27: {  	_ =	swait.ge [sflag:s11], $0x800  }
0x28: {  	[sflag:s11] =	ssyncset.done $0x0  }
.LBB2_5:
0x29: {  	s13 =	sadd.s32 $0x1, s13  }
0x2a: {  	[sflag:s11] =	ssyncadd.s32 $0xFFFFF800;
	p0 =	sne.s32 s13, s8  }
.Ltmp3:
0x2b: {  	[bflag:$0x0] =	sbarrier.arrive $0xFFFF;
	(pc) =	sbr.rel @p0 .LBB2_1-.Ltmp3, $4  }
0x2c: {  	[hbm:s7], [sflag:s6] =	dma.local [spmem:s10], $0x2800  }
0x2d: {  	_ =	swait.ge [sflag:s11], $0x2800  }
0x2e: {  	[sflag:s11] =	ssyncset.done $0x0  }
0x2f: {  	[sflag:s11] =	ssyncadd.s32 $0xFFFFD800  }
0x30: {  	_ =	sfence.sel $0x180000  }
0x31: {  	[bflag:$0x0] =	sbarrier.arrive $0xFFFF  }
0x32: {  	p0 =	sne.s32 s1, $0x0;
	_ =	strace $0x9000004A  }
0x33: {  	s0 =	sadd.s32 @!p0 $0x100000, s0;
	[bflag:$0x2] =	sbarrier.arrive $0xFFFF  }
0x34: {  	[sflag:s0] =	ssyncadd.tile.s32 @!p0 $0x1;
	_ =	shalt  }
.Lfunc_end2:
_tile_overlayer_lowered:
.L_overlay_start_2:
0x35: {  	(tag) =	ssettag $0x2  }
0x36: {  	s0 =	rddreg [dreg:$0x0];
	s2 =	stileid.u32  }
0x37: {  	s1 =	rddreg [dreg:$0x1];
	p0 =	sne.s32 s2, $0x0  }
0x38: {  	s3 =	rddreg [dreg:$0x2];
	[bflag:$0x3] =	sbarrier.arrive $0xFFFF;
	s2 =	simm.s32 @!p0 $0x1C01  }
0x39: {  	[timem:s3], [sflag:s2] =	dma.local @!p0 [hbm:s0], s1  }
0x3a: {  	s0 =	simm.s32 @!p0 $0x1  }
0x3b: {  	_ =	swait.ge @!p0 [sflag:s0], s1  }
0x3c: {  	s1 =	ssub.s32 @!p0 $0x0, s1;
	[sflag:s0] =	ssyncset.done @!p0 $0x0  }
0x3d: {  	[sflag:s0] =	ssyncadd.s32 @!p0 s1  }
0x3e: {  	[bflag:$0x3] =	sbarrier.arrive $0xFFFF  }
0x3f: {  	_ =	shalt  }

// kernel: kernel.16.cloned.1.call-start
scs
__scs_entry_jumppad:
0x0: {  	(pc) =	sbr.rel $0x88, $3  }
0x1: {  	(tag) =	ssettag $0x0;
	lr =	simm.s32 $0x1  }
0x2: {  	[smem:$0x3F90] =	sst lr;
	_ =	strace $0xD0000000  }
0x3: {  	_ = 	snop  }
0x4: {  	_ = 	snop  }
0x5: {  	_ = 	snop  }
0x6: {  	_ = 	snop  }
0x7: {  	_ = 	snop  }
__scs_overlays_trampoline_lowered:
0x8: {  	[smem:$0x3F9F] =	sst s0  }
0x9: {  	[smem:$0x3FA0] =	sst s1  }
0xa: {  	[smem:$0x3FA1] =	sst s2  }
0xb: {  	[smem:$0x3FA2] =	sst s3  }
0xc: {  	[smem:$0x3FA3] =	sst s4  }
0xd: {  	[smem:$0x3FA4] =	sst s5  }
0xe: {  	[smem:$0x3FA5] =	sst s6  }
0xf: {  	[smem:$0x3FA6] =	sst s7  }
0x10: {  	[smem:$0x3FA7] =	sst s8  }
0x11: {  	[smem:$0x3FA8] =	sst s9;
	s0 =	simm.s32 @!p0 $0x0  }
0x12: {  	s1 =	sld [smem:$0x3F8E];
	s0 =	simm.s32 @p0 $0x1  }
0x13: {  	[smem:$0x3FA9] =	sst s0;
	s0 =	simm.s32 @!p1 $0x0  }
0x14: {  	s2 =	sld [smem:$0x3F8D];
	s0 =	simm.s32 @p1 $0x1  }
0x15: {  	[smem:$0x3FAA] =	sst s0;
	s0 =	simm.s32 @!p2 $0x0  }
0x16: {  	s3 =	sld [smem:$0x3FDB];
	s0 =	simm.s32 @p2 $0x1  }
0x17: {  	s4 =	simm.s32 $0x1BF5;
	[smem:$0x3FAC] =	sst s0  }
0x18: {  	s0 =	sld [smem:$0x3F8F];
	_ =	swait.ge [sflag:s4], $0x0  }
0x19: {  	s7 =	sld [smem:$0x3F90]  }
0x1a: {  	s8 =	sadd.s32 $0xFFFFE003, lr  }
0x1b: {  	s9 =	sadd.s32 $0xFFFFFEF7, lr;
	s5 =	simm.s32 $0xFFFFFFFF;
	p2 =	slt.u32 s8, $0xFFFFF086  }
0x1c: {  	p1 =	slt.u32 s9, $0xF7A;
	s5 =	simm.s32 @!p2 $0x0  }
0x1d: {  	s5 =	simm.s32 @p1 $0x1;
	p0 =	seq.s32 s7, s2  }
0x1e: {  	s7 =	smul.u32 @!p0 $0xF7A, s2;
	p2 =	seq.s32 @!p0 s5, $0x0  }
0x1f: {  	s9 =	smul.u32 $0xF7A, s1;
	s8 =	simm.s32 @!p0 $0x1BF5;
	p2 =	por !p2, p0  }
0x20: {  	[sflag:s8] =	ssyncset.s32 @!p0 $0xFFFFF086;
	s6 =	sadd.s32 @!p0 s3, s7;
	s7 =	simm.s32 @!p0 $0x108  }
0x21: {  	s3 =	sadd.s32 s3, s9;
	s6 =	sadd.s32 @!p0 $0x88, s6;
	s7 =	simm.s32 @p2 $0x1082  }
0x22: {  	[simem:s7], [sflag:s8] =	dma.local @!p0 [hbm:s6], $0xF7A  }
0x23: {  	s9 =	sor.u32 $0xD0000000, s2;
	s6 =	simm.s32 $0x108;
	_ =	swait.ge @!p0 [sflag:s8], $0x0  }
0x24: {  	s3 =	sadd.s32 $0x88, s3;
	s6 =	simm.s32 @!p1 $0x1082;
	[sflag:s4] =	ssyncset.s32 $0xFFFFF086  }
0x25: {  	[simem:s6], [sflag:s4] =	dma.local [hbm:s3], $0xF7A  }
0x26: {  	[smem:$0x3F90] =	sst s1;
	(tag) =	ssettag s2;
	_ =	strace s9  }
0x27: {  	s1 =	sld [smem:$0x3FA0]  }
0x28: {  	s2 =	sld [smem:$0x3FA1]  }
0x29: {  	s4 =	sld [smem:$0x3FA3]  }
0x2a: {  	p0 =	seq.s32 s5, $0x0;
	s5 =	sld [smem:$0x3FA4]  }
0x2b: {  	s6 =	sld [smem:$0x3FA5]  }
0x2c: {  	s7 =	sld [smem:$0x3FA6]  }
0x2d: {  	s3 =	simm.s32 $0x108;
	s8 =	sld [smem:$0x3FA7]  }
0x2e: {  	s3 =	simm.s32 @!p0 $0x1082;
	s9 =	sld [smem:$0x3FA8]  }
0x2f: {  	lr =	sadd.s32 s0, s3;
	s0 =	sld [smem:$0x3F9F]  }
0x30: {  	s3 =	sld [smem:$0x3FA2]  }
0x31: {  	[smem:$0x3FAB] =	sst s10  }
0x32: {  	s10 =	sld [smem:$0x3FA9];
	_ =	sdelay $0x3  }
0x33: {  	p0 =	seq.s32 s10, $0x1;
	s10 =	sld [smem:$0x3FAB];
	_ =	sdelay $0x3  }
0x34: {  	[smem:$0x3FAB] =	sst s10  }
0x35: {  	s10 =	sld [smem:$0x3FAA];
	_ =	sdelay $0x3  }
0x36: {  	p1 =	seq.s32 s10, $0x1;
	s10 =	sld [smem:$0x3FAB];
	_ =	sdelay $0x3  }
0x37: {  	[smem:$0x3FAB] =	sst s10  }
0x38: {  	s10 =	sld [smem:$0x3FAC]  }
0x39: {  	_ = 	snop;
	(pc) =	sbr.ind lr, $3  }
0x3a: {  	_ = 	snop  }
0x3b: {  	_ = 	snop  }
0x3c: {  	p2 =	seq.s32 s10, $0x1;
	s10 =	sld [smem:$0x3FAB]  }
0x3d: {  	_ =	shalt  }
0x3e: {  	_ =	shalt  }
0x3f: {  	_ =	shalt  }
0x40: {  	_ =	shalt  }
0x41: {  	_ =	shalt  }
0x42: {  	_ =	shalt  }
0x43: {  	_ =	shalt  }
0x44: {  	_ =	shalt  }
0x45: {  	_ =	shalt  }
0x46: {  	_ =	shalt  }
0x47: {  	_ =	shalt  }
0x48: {  	_ =	shalt  }
0x49: {  	_ =	shalt  }
0x4a: {  	_ =	shalt  }
0x4b: {  	_ =	shalt  }
0x4c: {  	_ =	shalt  }
0x4d: {  	_ =	shalt  }
0x4e: {  	_ =	shalt  }
0x4f: {  	_ =	shalt  }
0x50: {  	_ =	shalt  }
0x51: {  	_ =	shalt  }
0x52: {  	_ =	shalt  }
0x53: {  	_ =	shalt  }
0x54: {  	_ =	shalt  }
0x55: {  	_ =	shalt  }
0x56: {  	_ =	shalt  }
0x57: {  	_ =	shalt  }
0x58: {  	_ =	shalt  }
0x59: {  	_ =	shalt  }
0x5a: {  	_ =	shalt  }
0x5b: {  	_ =	shalt  }
0x5c: {  	_ =	shalt  }
0x5d: {  	_ =	shalt  }
0x5e: {  	_ =	shalt  }
0x5f: {  	_ =	shalt  }
0x60: {  	_ =	shalt  }
0x61: {  	_ =	shalt  }
0x62: {  	_ =	shalt  }
0x63: {  	_ =	shalt  }
0x64: {  	_ =	shalt  }
0x65: {  	_ =	shalt  }
0x66: {  	_ =	shalt  }
0x67: {  	_ =	shalt  }
0x68: {  	_ =	shalt  }
0x69: {  	_ =	shalt  }
0x6a: {  	_ =	shalt  }
0x6b: {  	_ =	shalt  }
0x6c: {  	_ =	shalt  }
0x6d: {  	_ =	shalt  }
0x6e: {  	_ =	shalt  }
0x6f: {  	_ =	shalt  }
0x70: {  	_ =	shalt  }
0x71: {  	_ =	shalt  }
0x72: {  	_ =	shalt  }
0x73: {  	_ =	shalt  }
0x74: {  	_ =	shalt  }
0x75: {  	_ =	shalt  }
0x76: {  	_ =	shalt  }
0x77: {  	_ =	shalt  }
0x78: {  	_ =	shalt  }
0x79: {  	_ =	shalt  }
0x7a: {  	_ =	shalt  }
0x7b: {  	_ =	shalt  }
0x7c: {  	_ =	shalt  }
0x7d: {  	_ =	shalt  }
0x7e: {  	_ =	shalt  }
0x7f: {  	_ =	shalt  }
0x80: {  	_ =	shalt  }
0x81: {  	_ =	shalt  }
0x82: {  	_ =	shalt  }
0x83: {  	_ =	shalt  }
0x84: {  	_ =	shalt  }
0x85: {  	_ =	shalt  }
0x86: {  	_ =	shalt  }
0x87: {  	_ =	shalt  }
.Lfunc_end0:
.L_simem_size_0:
called_computation.1_lowered:
.L_overlay_start_0:
0x88: {  	s2 =	sld [smem:$0x3FD9]  }
0x89: {  	s3 =	sld [smem:$0x3FFE];
	_ =	sdelay $0x1  }
0x8a: {  	s1 =	srdreg.scid  }
0x8b: {  	s0 =	sand.u32 $0x1, s1  }
0x8c: {  	s16 =	sshll.u32 s0, $0xA;
	s2 =	sadd.s32 s3, s2  }
0x8d: {  	s2 =	sadd.s32 s2, s16  }
0x8e: {  	[smem:$0x3FB7] =	sst s2  }
0x8f: {  	_ = 	snop  }
0x90: {  	(tm) =	ssettm $0x1  }
0x91: {  	s17 =	sld [smem:$0x3FFB];
	_ =	sdelay $0x3  }
0x92: {  	_ =	strace s17  }
0x93: {  	s2 =	sld [smem:$0x3FFC];
	_ =	sdelay $0x3  }
0x94: {  	_ =	strace s2  }
0x95: {  	s2 =	sld [smem:$0x3FFD];
	_ =	sdelay $0x3  }
0x96: {  	_ =	strace s2  }
0x97: {  	_ =	strace $0x8FFFFFFF  }
0x98: {  	s18 =	sld [smem:$0x3FDB];
	_ =	sdelay $0x1  }
0x99: {  	s19 =	simm.s32 $_scs_section_size  }
0x9a: {  	s4 =	simm.s32 $_size__tile_overlayer_lowered;
	s5 =	simm.s32 $_tile_overlayer_lowered  }
0x9b: {  	s22 =	simm.s32 $0x1BFF;
	s21 =	sshll.u32 s5, $0x1;
	s2 =	sadd.s32 s19, s18  }
0x9c: {  	s6 =	simm.s32 $0x0;
	s20 =	sshll.u32 s4, $0x1;
	s4 =	sadd.s32 s21, s2  }
0x9d: {  	[timem:s6], [sflag:s22] =	dma.local [hbm:s4], s20  }
0x9e: {  	_ =	swait.ge [sflag:s22], s20  }
0x9f: {  	s3 =	ssub.s32 $0x0, s20;
	[sflag:s22] =	ssyncset.done $0x0  }
0xa0: {  	[sflag:s22] =	ssyncadd.s32 s3;
	_ =	sdelay $0x1  }
0xa1: {  	s23 =	simm.s32 $0x1B8B  }
0xa2: {  	_ =	swait.ge [sflag:s23], $0x1  }
0xa3: {  	[sflag:s23] =	ssyncset.done $0x0  }
0xa4: {  	s25 =	simm.s32 $0x1B8E;
	s24 =	sld [smem:$0x3FFE];
	[sflag:s23] =	ssyncadd.s32 $0xFFFFFFFF  }
0xa5: {  	s26 =	simm.s32 $execute0_lowered;
	[smem:$0x3FD2] =	sst s25  }
0xa6: {  	s4 =	sshll.u32 s26, $0x1;
	_ =	strace $0x80000046;
	[dreg:$0x1] =	wrdreg $0xFFFFFFFF  }
0xa7: {  	s28 =	simm.s32 $_size_execute0_lowered;
	s2 =	sadd.s32 s2, s4;
	[dreg:$0x0] =	wrdreg $0x0  }
0xa8: {  	s4 =	sshll.u32 s28, $0x1;
	[dreg:$0x2] =	wrdreg s2  }
0xa9: {  	[dreg:$0x3] =	wrdreg s4  }
0xaa: {  	[dreg:$0x4] =	wrdreg $0xC0  }
0xab: {  	_ =	task [dreg:s6], $0x5FFFF  }
0xac: {  	[dreg:$0x1] =	wrdreg $0xFFFFFFFF  }
0xad: {  	[dreg:$0x0] =	wrdreg $0x60  }
0xae: {  	[dreg:$0x2] =	wrdreg s24  }
0xaf: {  	[dreg:$0x3] =	wrdreg $0x81000  }
0xb0: {  	[dreg:$0x4] =	wrdreg $0xA  }
0xb1: {  	_ =	task.clear_ibuf [dreg:s6], $0x5FFFF;
	_ =	strace $0x90000046  }
0xb2: {  	s29 =	simm.s32 $0xA;
	_ =	strace $0x80000048  }
0xb3: {  	_ =	swait.ge [sflag:s29], $0x1  }
0xb4: {  	[sflag:s29] =	ssyncadd.s32 $0xFFFFFFFF  }
0xb5: {  	_ =	strace $0x90000048  }
0xb6: {  	_ =	sfence  }
0xb7: {  	s30 =	sld [smem:$0x0];
	_ =	sdelay $0x2  }
0xb8: {  	s31 =	sshll.u32 s1, $0xD;
	s1 =	sshrl.u32 s1, $0x2  }
0xb9: {  	s3 =	sand.u32 $0x4000, s31;
	s1 =	sadd.s32 s1, s30  }
0xba: {  	s0 =	sor.u32 s3, s0;
	s1 =	sshll.u32 s1, $0x11  }
0xbb: {  	s0 =	sor.u32 s1, s0  }
0xbc: {  	s0 =	sadd.s32 $0x8F2B, s0  }
0xbd: {  	[sflag:s0] =	ssyncadd.remote.s32 $0x1  }
0xbe: {  	_ =	sfence.sel $0xFFFF  }
0xbf: {  	[dreg:$0x0] =	wrdreg $0xFFFFFFFF;
	(pc) =	sbr.abs _section_cstart, $3  }
0xc0: {  	[dreg:$0x1] =	wrdreg $0xFFFFFFFF  }
0xc1: {  	_ =	task.clear_ibuf [dreg:s6], $0x2FFFF;
	_ =	strace $0x9FFFFFFF  }
0xc2: {  	(tm) =	ssettm $0x7FFFFFFF  }
0xc3: {  	_ =	shalt  }
tec
execute0_lowered:
.L_overlay_start_1:
0x0: {  	(tag) =	ssettag $0x1  }
0x1: {  	s8 =	rddreg [dreg:$0x0]  }
0x2: {  	s2 =	rddreg [dreg:$0x1]  }
0x3: {  	s0 =	rddreg [dreg:$0x2];
	s3 =	simm.s32 $0x0;
	s1 =	stileid.u32  }
0x4: {  	s4 =	srdreg.scid;
	s17 =	simm.s32 $0x4100;
	s18 =	simm.s32 $0x100  }
0x5: {  	s19 =	simm.s32 $0x1;
	s24 =	simm.s32 $0x0;
	[smem:$0x7FF] =	sst s3  }
0x6: {  	s9 =	smul.u32 $0x14000, s1;
	s11 =	sand.u32 $0x1, s4;
	s4 =	sadd.s32 $0x1D200, s8  }
0x7: {  	s5 =	sadd.s32 $0x4FF200, s8;
	s6 =	sadd.s32 $0x13400, s8;
	s7 =	sadd.s32 $0x9600, s8  }
0x8: {  	s13 =	smul.u32 $0x50000, s1;
	s30 =	sshll.u32 s1, $0x6;
	p0 =	slt.u32 s1, $0x2  }
0x9: {  	s31 =	sshll.u32 s1, $0x8;
	_ =	strace $0x80000047;
	s10 =	smul.u32 $0x140000, s11  }
0xa: {  	s28 =	ssub.s32 $0x2, s11;
	s11 =	sshll.u32 s11, $0x7;
	s12 =	sshrl.u32 s9, $0x3  }
0xb: {  	s14 =	sshrl.u32 s28, $0x1;
	s29 =	sshrl.u32 s13, $0x2;
	s11 =	sor.u32 s11, s31  }
0xc: {  	s9 =	sadd.s32 s9, s10;
	s12 =	sadd.s32 s12, s8;
	s14 =	ssub.s32 s28, s14  }
0xd: {  	s16 =	sadd.s32 s29, s2;
	s10 =	simm.s32 $0x4F;
	s9 =	sshrl.u32 s9, $0x3  }
0xe: {  	s10 =	simm.s32 @!p0 $0x4E;
	s13 =	smax.u32 s14, $0x1;
	s14 =	sshrl.u32 s16, $0x3  }
0xf: {  	s16 =	simm.s32 $0x80;
	s15 =	sadd.s32 s9, s8;
	s8 =	sadd.s32 $0x44400, s12  }
0x10: {  	s9 =	sor.u32 $0x1C02, s30;
	s12 =	sadd.s32 $0x6C400, s15;
	s15 =	simm.s32 $0x2  }
.LBB2_1:
0x11: {  	[spmem:s14], [sflag:s9] =	dma.local [hbm:s8], $0x2800  }
0x12: {  	_ =	swait.ge [sflag:s15], $0x2800  }
0x13: {  	[sflag:s15] =	ssyncset.done $0x0  }
0x14: {  	[sflag:s15] =	ssyncadd.s32 $0xFFFFD800  }
0x15: {  	s20 =	simm.s32 $0x0;
	[bflag:$0x0] =	sbarrier.arrive $0xFFFF  }
.LBB2_2:
0x16: {  	s21 =	sshll.u32 s20, $0xC  }
0x17: {  	s21 =	sor.u32 s11, s21  }
0x18: {  	s22 =	sshrl.u32 s21, $0x3  }
0x19: {  	s23 =	sadd.s32 s6, s22  }
0x1a: {  	[tilespmem:s24], [sflag:$0x2] =	stream.linear.gather [hbm4b:s23+s24], $0x80, $0x38;
	[tilespmem:$0x1C100] =	vst v63  }
0x1b: {  	_ =	swait.ge [sflag:s15], $0x80  }
0x1c: {  	[sflag:s15] =	ssyncset.done $0x0  }
0x1d: {  	s22 =	sadd.s32 s7, s22;
	[sflag:s15] =	ssyncadd.s32 $0xFFFFFF80  }
0x1e: {  	[tilespmem:s16], [sflag:$0x2] =	stream.linear.gather [hbm4b:s22+s24], $0x80, $0x38;
	[tilespmem:$0x1C100] =	vst v63  }
0x1f: {  	_ =	swait.ge [sflag:s15], $0x80  }
0x20: {  	s21 =	sshll.u32 s21, $0x4;
	[sflag:s15] =	ssyncset.done $0x0  }
0x21: {  	s21 =	sadd.s32 s5, s21;
	[sflag:s15] =	ssyncadd.s32 $0xFFFFFF80  }
0x22: {  	[tilespmem:s17], [sflag:$0x2] =	stream.linear.gather [hbm4b:s21+s24], $0x4000, $0x38;
	[tilespmem:$0x1C100] =	vst v63  }
0x23: {  	_ =	swait.ge [sflag:s15], $0x4000  }
0x24: {  	[sflag:s15] =	ssyncset.done $0x0  }
0x25: {  	[sflag:s15] =	ssyncadd.s32 $0xFFFFC000  }
0x26: {  	[tilespmem:s18], [sflag:$0x1] =	stream.indirect.gather [hbm4b:s4+s16], $0x80, s24, s16, $0xb8;
	[tilespmem:$0x1C100] =	vst v63  }
0x27: {  	_ =	swait.ge [sflag:s19], $0x4000  }
0x28: {  	[sflag:s19] =	ssyncset.done $0x0  }
0x29: {  	s21 =	simm.s32 $0x0;
	[sflag:s19] =	ssyncadd.s32 $0xFFFFC000  }
0x2a: {  	v7 =	vld [tilespmem:s21+$0x4100]  }
0x2b: {  	v11 =	vld [tilespmem:s21+$0x4110]  }
0x2c: {  	v5 =	vld [tilespmem:s21+$0x4120]  }
0x2d: {  	v4 =	vld [tilespmem:s21+$0x4130]  }
0x2e: {  	v3 =	vld [tilespmem:s21+$0x4140]  }
0x2f: {  	v2 =	vld [tilespmem:s21+$0x4150]  }
0x30: {  	v1 =	vld [tilespmem:s21+$0x4160]  }
0x31: {  	v0 =	vld [tilespmem:s21+$0x4170]  }
0x32: {  	v12 =	vld [tilespmem:s21+$0x100]  }
0x33: {  	v13 =	vld [tilespmem:s21+$0x110]  }
0x34: {  	v10 =	vld [tilespmem:s21+$0x120]  }
0x35: {  	v9 =	vld [tilespmem:s21+$0x130]  }
0x36: {  	v8 =	vld [tilespmem:s21+$0x140]  }
0x37: {  	v6 =	vld [tilespmem:s21+$0x150];
	v12 =	vmul.f32 v7, v12  }
0x38: {  	s22 =	simm.s32 $0x200;
	v11 =	vmul.f32 v11, v13;
	v7 =	vld [tilespmem:s21+$0x160]  }
.LBB2_3:
0x39: {  	s23 =	sshra.s32 s22, $0x2;
	p0 =	sne.s32 s22, $0xFE00;
	[tilespmem:s21+$0x100] =	vst v12;
	v5 =	vmul.f32 v5, v10;
	v10 =	vld [tilespmem:s21+$0x170]  }
0x3a: {  	v12 =	vld [tilespmem:s23+$0x4100];
	[tilespmem:s21+$0x110] =	vst v11;
	v4 =	vmul.f32 v4, v9  }
0x3b: {  	v11 =	vld [tilespmem:s23+$0x4110];
	[tilespmem:s21+$0x120] =	vst v5;
	v3 =	vmul.f32 v3, v8  }
0x3c: {  	v5 =	vld [tilespmem:s23+$0x4120];
	[tilespmem:s21+$0x130] =	vst v4;
	v2 =	vmul.f32 v2, v6  }
0x3d: {  	v4 =	vld [tilespmem:s23+$0x4130];
	[tilespmem:s21+$0x140] =	vst v3;
	v1 =	vmul.f32 v1, v7  }
0x3e: {  	v3 =	vld [tilespmem:s23+$0x4140];
	[tilespmem:s21+$0x150] =	vst v2;
	v0 =	vmul.f32 v0, v10  }
0x3f: {  	v2 =	vld [tilespmem:s23+$0x4150];
	[tilespmem:s21+$0x160] =	vst v1  }
0x40: {  	v1 =	vld [tilespmem:s23+$0x4160];
	[tilespmem:s21+$0x170] =	vst v0;
	s21 =	smov.u32 s23  }
0x41: {  	v0 =	vld [tilespmem:s21+$0x4170]  }
0x42: {  	v6 =	vld [tilespmem:s21+$0x100]  }
0x43: {  	v7 =	vld [tilespmem:s21+$0x110]  }
.Ltmp0:
0x44: {  	v10 =	vld [tilespmem:s21+$0x120];
	(pc) =	sbr.rel @p0 .LBB2_3-.Ltmp0, $4  }
0x45: {  	v9 =	vld [tilespmem:s21+$0x130]  }
0x46: {  	v8 =	vld [tilespmem:s21+$0x140]  }
0x47: {  	v12 =	vmul.f32 v12, v6;
	v6 =	vld [tilespmem:s21+$0x150]  }
0x48: {  	s22 =	sadd.s32 $0x200, s22;
	v11 =	vmul.f32 v11, v7;
	v7 =	vld [tilespmem:s21+$0x160]  }
0x49: {  	[tilespmem:s21+$0x100] =	vst v12;
	v5 =	vmul.f32 v5, v10;
	v63 =	vld [tilespmem:s21+$0x170]  }
0x4a: {  	[tilespmem:s21+$0x110] =	vst v11;
	v4 =	vmul.f32 v4, v9  }
0x4b: {  	[tilespmem:s21+$0x120] =	vst v5;
	v3 =	vmul.f32 v3, v8  }
0x4c: {  	[tilespmem:s21+$0x130] =	vst v4;
	v2 =	vmul.f32 v2, v6  }
0x4d: {  	[tilespmem:s21+$0x140] =	vst v3;
	v1 =	vmul.f32 v1, v7  }
0x4e: {  	s20 =	sadd.s32 $0x1, s20;
	[tilespmem:s21+$0x150] =	vst v2;
	v0 =	vmul.f32 v0, v63  }
0x4f: {  	p0 =	sne.s32 s20, s10;
	[tilespmem:s21+$0x160] =	vst v1  }
.Ltmp1:
0x50: {  	[tilespmem:s21+$0x170] =	vst v0;
	(pc) =	sbr.rel @p0 .LBB2_2-.Ltmp1, $4  }
0x51: {  	[spmem:s2] =	stream.indirect.scatter.add.f32 [tilespmem:s18], [sflag:$0x2], $0x80, s16, s16, $0xb8;
	[tilespmem:$0x1C100] =	vst v63  }
0x52: {  	_ =	swait.ge [sflag:s15], $0x4000  }
0x53: {  	[sflag:s15] =	ssyncset.done $0x0  }
0x54: {  	[sflag:s15] =	ssyncadd.s32 $0xFFFFC000  }
0x55: {  	s3 =	sadd.s32 $0x1, s3  }
0x56: {  	p0 =	sne.s32 s3, s13  }
.Ltmp2:
0x57: {  	[bflag:$0x0] =	sbarrier.arrive $0xFFFF;
	(pc) =	sbr.rel @p0 .LBB2_1-.Ltmp2, $4  }
0x58: {  	[hbm:s12], [sflag:s9] =	dma.local [spmem:s14], $0x2800  }
0x59: {  	_ =	swait.ge [sflag:s15], $0x2800  }
0x5a: {  	[sflag:s15] =	ssyncset.done $0x0  }
0x5b: {  	[sflag:s15] =	ssyncadd.s32 $0xFFFFD800  }
0x5c: {  	_ =	sfence.sel $0x180000  }
0x5d: {  	[bflag:$0x0] =	sbarrier.arrive $0xFFFF  }
0x5e: {  	p0 =	sne.s32 s1, $0x0;
	_ =	strace $0x90000047  }
0x5f: {  	s0 =	sadd.s32 @!p0 $0x100000, s0;
	[bflag:$0x2] =	sbarrier.arrive $0xFFFF  }
0x60: {  	[sflag:s0] =	ssyncadd.tile.s32 @!p0 $0x1;
	_ =	shalt  }
.Lfunc_end2:
_tile_overlayer_lowered:
.L_overlay_start_2:
0x61: {  	(tag) =	ssettag $0x2  }
0x62: {  	s0 =	rddreg [dreg:$0x0];
	s2 =	stileid.u32  }
0x63: {  	s1 =	rddreg [dreg:$0x1];
	p0 =	sne.s32 s2, $0x0  }
0x64: {  	s3 =	rddreg [dreg:$0x2];
	[bflag:$0x3] =	sbarrier.arrive $0xFFFF;
	s2 =	simm.s32 @!p0 $0x1C02  }
0x65: {  	[timem:s3], [sflag:s2] =	dma.local @!p0 [hbm:s0], s1  }
0x66: {  	s0 =	simm.s32 @!p0 $0x2  }
0x67: {  	_ =	swait.ge @!p0 [sflag:s0], s1  }
0x68: {  	s1 =	ssub.s32 @!p0 $0x0, s1;
	[sflag:s0] =	ssyncset.done @!p0 $0x0  }
0x69: {  	[sflag:s0] =	ssyncadd.s32 @!p0 s1  }
0x6a: {  	[bflag:$0x3] =	sbarrier.arrive $0xFFFF  }
0x6b: {  	_ =	shalt  }

// kernel: kernel.19.cloned.1.call-start
scs
__scs_entry_jumppad:
0x0: {  	(pc) =	sbr.rel $0x88, $3  }
0x1: {  	(tag) =	ssettag $0x0;
	lr =	simm.s32 $0x1  }
0x2: {  	[smem:$0x3F90] =	sst lr;
	_ =	strace $0xD0000000  }
0x3: {  	_ = 	snop  }
0x4: {  	_ = 	snop  }
0x5: {  	_ = 	snop  }
0x6: {  	_ = 	snop  }
0x7: {  	_ = 	snop  }
__scs_overlays_trampoline_lowered:
0x8: {  	[smem:$0x3F9F] =	sst s0  }
0x9: {  	[smem:$0x3FA0] =	sst s1  }
0xa: {  	[smem:$0x3FA1] =	sst s2  }
0xb: {  	[smem:$0x3FA2] =	sst s3  }
0xc: {  	[smem:$0x3FA3] =	sst s4  }
0xd: {  	[smem:$0x3FA4] =	sst s5  }
0xe: {  	[smem:$0x3FA5] =	sst s6  }
0xf: {  	[smem:$0x3FA6] =	sst s7  }
0x10: {  	[smem:$0x3FA7] =	sst s8  }
0x11: {  	[smem:$0x3FA8] =	sst s9;
	s0 =	simm.s32 @!p0 $0x0  }
0x12: {  	s1 =	sld [smem:$0x3F8E];
	s0 =	simm.s32 @p0 $0x1  }
0x13: {  	[smem:$0x3FA9] =	sst s0;
	s0 =	simm.s32 @!p1 $0x0  }
0x14: {  	s2 =	sld [smem:$0x3F8D];
	s0 =	simm.s32 @p1 $0x1  }
0x15: {  	[smem:$0x3FAA] =	sst s0;
	s0 =	simm.s32 @!p2 $0x0  }
0x16: {  	s3 =	sld [smem:$0x3FDB];
	s0 =	simm.s32 @p2 $0x1  }
0x17: {  	s4 =	simm.s32 $0x1BF5;
	[smem:$0x3FAC] =	sst s0  }
0x18: {  	s0 =	sld [smem:$0x3F8F];
	_ =	swait.ge [sflag:s4], $0x0  }
0x19: {  	s7 =	sld [smem:$0x3F90]  }
0x1a: {  	s8 =	sadd.s32 $0xFFFFE003, lr  }
0x1b: {  	s9 =	sadd.s32 $0xFFFFFEF7, lr;
	s5 =	simm.s32 $0xFFFFFFFF;
	p2 =	slt.u32 s8, $0xFFFFF086  }
0x1c: {  	p1 =	slt.u32 s9, $0xF7A;
	s5 =	simm.s32 @!p2 $0x0  }
0x1d: {  	s5 =	simm.s32 @p1 $0x1;
	p0 =	seq.s32 s7, s2  }
0x1e: {  	s7 =	smul.u32 @!p0 $0xF7A, s2;
	p2 =	seq.s32 @!p0 s5, $0x0  }
0x1f: {  	s9 =	smul.u32 $0xF7A, s1;
	s8 =	simm.s32 @!p0 $0x1BF5;
	p2 =	por !p2, p0  }
0x20: {  	[sflag:s8] =	ssyncset.s32 @!p0 $0xFFFFF086;
	s6 =	sadd.s32 @!p0 s3, s7;
	s7 =	simm.s32 @!p0 $0x108  }
0x21: {  	s3 =	sadd.s32 s3, s9;
	s6 =	sadd.s32 @!p0 $0x88, s6;
	s7 =	simm.s32 @p2 $0x1082  }
0x22: {  	[simem:s7], [sflag:s8] =	dma.local @!p0 [hbm:s6], $0xF7A  }
0x23: {  	s9 =	sor.u32 $0xD0000000, s2;
	s6 =	simm.s32 $0x108;
	_ =	swait.ge @!p0 [sflag:s8], $0x0  }
0x24: {  	s3 =	sadd.s32 $0x88, s3;
	s6 =	simm.s32 @!p1 $0x1082;
	[sflag:s4] =	ssyncset.s32 $0xFFFFF086  }
0x25: {  	[simem:s6], [sflag:s4] =	dma.local [hbm:s3], $0xF7A  }
0x26: {  	[smem:$0x3F90] =	sst s1;
	(tag) =	ssettag s2;
	_ =	strace s9  }
0x27: {  	s1 =	sld [smem:$0x3FA0]  }
0x28: {  	s2 =	sld [smem:$0x3FA1]  }
0x29: {  	s4 =	sld [smem:$0x3FA3]  }
0x2a: {  	p0 =	seq.s32 s5, $0x0;
	s5 =	sld [smem:$0x3FA4]  }
0x2b: {  	s6 =	sld [smem:$0x3FA5]  }
0x2c: {  	s7 =	sld [smem:$0x3FA6]  }
0x2d: {  	s3 =	simm.s32 $0x108;
	s8 =	sld [smem:$0x3FA7]  }
0x2e: {  	s3 =	simm.s32 @!p0 $0x1082;
	s9 =	sld [smem:$0x3FA8]  }
0x2f: {  	lr =	sadd.s32 s0, s3;
	s0 =	sld [smem:$0x3F9F]  }
0x30: {  	s3 =	sld [smem:$0x3FA2]  }
0x31: {  	[smem:$0x3FAB] =	sst s10  }
0x32: {  	s10 =	sld [smem:$0x3FA9];
	_ =	sdelay $0x3  }
0x33: {  	p0 =	seq.s32 s10, $0x1;
	s10 =	sld [smem:$0x3FAB];
	_ =	sdelay $0x3  }
0x34: {  	[smem:$0x3FAB] =	sst s10  }
0x35: {  	s10 =	sld [smem:$0x3FAA];
	_ =	sdelay $0x3  }
0x36: {  	p1 =	seq.s32 s10, $0x1;
	s10 =	sld [smem:$0x3FAB];
	_ =	sdelay $0x3  }
0x37: {  	[smem:$0x3FAB] =	sst s10  }
0x38: {  	s10 =	sld [smem:$0x3FAC]  }
0x39: {  	_ = 	snop;
	(pc) =	sbr.ind lr, $3  }
0x3a: {  	_ = 	snop  }
0x3b: {  	_ = 	snop  }
0x3c: {  	p2 =	seq.s32 s10, $0x1;
	s10 =	sld [smem:$0x3FAB]  }
0x3d: {  	_ =	shalt  }
0x3e: {  	_ =	shalt  }
0x3f: {  	_ =	shalt  }
0x40: {  	_ =	shalt  }
0x41: {  	_ =	shalt  }
0x42: {  	_ =	shalt  }
0x43: {  	_ =	shalt  }
0x44: {  	_ =	shalt  }
0x45: {  	_ =	shalt  }
0x46: {  	_ =	shalt  }
0x47: {  	_ =	shalt  }
0x48: {  	_ =	shalt  }
0x49: {  	_ =	shalt  }
0x4a: {  	_ =	shalt  }
0x4b: {  	_ =	shalt  }
0x4c: {  	_ =	shalt  }
0x4d: {  	_ =	shalt  }
0x4e: {  	_ =	shalt  }
0x4f: {  	_ =	shalt  }
0x50: {  	_ =	shalt  }
0x51: {  	_ =	shalt  }
0x52: {  	_ =	shalt  }
0x53: {  	_ =	shalt  }
0x54: {  	_ =	shalt  }
0x55: {  	_ =	shalt  }
0x56: {  	_ =	shalt  }
0x57: {  	_ =	shalt  }
0x58: {  	_ =	shalt  }
0x59: {  	_ =	shalt  }
0x5a: {  	_ =	shalt  }
0x5b: {  	_ =	shalt  }
0x5c: {  	_ =	shalt  }
0x5d: {  	_ =	shalt  }
0x5e: {  	_ =	shalt  }
0x5f: {  	_ =	shalt  }
0x60: {  	_ =	shalt  }
0x61: {  	_ =	shalt  }
0x62: {  	_ =	shalt  }
0x63: {  	_ =	shalt  }
0x64: {  	_ =	shalt  }
0x65: {  	_ =	shalt  }
0x66: {  	_ =	shalt  }
0x67: {  	_ =	shalt  }
0x68: {  	_ =	shalt  }
0x69: {  	_ =	shalt  }
0x6a: {  	_ =	shalt  }
0x6b: {  	_ =	shalt  }
0x6c: {  	_ =	shalt  }
0x6d: {  	_ =	shalt  }
0x6e: {  	_ =	shalt  }
0x6f: {  	_ =	shalt  }
0x70: {  	_ =	shalt  }
0x71: {  	_ =	shalt  }
0x72: {  	_ =	shalt  }
0x73: {  	_ =	shalt  }
0x74: {  	_ =	shalt  }
0x75: {  	_ =	shalt  }
0x76: {  	_ =	shalt  }
0x77: {  	_ =	shalt  }
0x78: {  	_ =	shalt  }
0x79: {  	_ =	shalt  }
0x7a: {  	_ =	shalt  }
0x7b: {  	_ =	shalt  }
0x7c: {  	_ =	shalt  }
0x7d: {  	_ =	shalt  }
0x7e: {  	_ =	shalt  }
0x7f: {  	_ =	shalt  }
0x80: {  	_ =	shalt  }
0x81: {  	_ =	shalt  }
0x82: {  	_ =	shalt  }
0x83: {  	_ =	shalt  }
0x84: {  	_ =	shalt  }
0x85: {  	_ =	shalt  }
0x86: {  	_ =	shalt  }
0x87: {  	_ =	shalt  }
.Lfunc_end0:
.L_simem_size_0:
called_computation.2_lowered:
.L_overlay_start_0:
0x88: {  	s2 =	sld [smem:$0x3FD9]  }
0x89: {  	s3 =	sld [smem:$0x3FFE];
	_ =	sdelay $0x1  }
0x8a: {  	s1 =	srdreg.scid  }
0x8b: {  	s0 =	sand.u32 $0x1, s1  }
0x8c: {  	s16 =	sshll.u32 s0, $0xA;
	s2 =	sadd.s32 s3, s2  }
0x8d: {  	s2 =	sadd.s32 s2, s16  }
0x8e: {  	[smem:$0x3FB7] =	sst s2  }
0x8f: {  	_ = 	snop  }
0x90: {  	(tm) =	ssettm $0x1  }
0x91: {  	s17 =	sld [smem:$0x3FFB];
	_ =	sdelay $0x3  }
0x92: {  	_ =	strace s17  }
0x93: {  	s2 =	sld [smem:$0x3FFC];
	_ =	sdelay $0x3  }
0x94: {  	_ =	strace s2  }
0x95: {  	s2 =	sld [smem:$0x3FFD];
	_ =	sdelay $0x3  }
0x96: {  	_ =	strace s2  }
0x97: {  	_ =	strace $0x8FFFFFFF  }
0x98: {  	s18 =	sld [smem:$0x3FDB];
	_ =	sdelay $0x1  }
0x99: {  	s19 =	simm.s32 $_scs_section_size  }
0x9a: {  	s4 =	simm.s32 $_size__tile_overlayer_lowered;
	s5 =	simm.s32 $_tile_overlayer_lowered  }
0x9b: {  	s22 =	simm.s32 $0x1BFF;
	s21 =	sshll.u32 s5, $0x1;
	s2 =	sadd.s32 s19, s18  }
0x9c: {  	s6 =	simm.s32 $0x0;
	s20 =	sshll.u32 s4, $0x1;
	s4 =	sadd.s32 s21, s2  }
0x9d: {  	[timem:s6], [sflag:s22] =	dma.local [hbm:s4], s20  }
0x9e: {  	_ =	swait.ge [sflag:s22], s20  }
0x9f: {  	s3 =	ssub.s32 $0x0, s20;
	[sflag:s22] =	ssyncset.done $0x0  }
0xa0: {  	[sflag:s22] =	ssyncadd.s32 s3;
	_ =	sdelay $0x1  }
0xa1: {  	s23 =	simm.s32 $0x1B8B  }
0xa2: {  	_ =	swait.ge [sflag:s23], $0x1  }
0xa3: {  	[sflag:s23] =	ssyncset.done $0x0  }
0xa4: {  	s25 =	simm.s32 $0x1B8E;
	s24 =	sld [smem:$0x3FFE];
	[sflag:s23] =	ssyncadd.s32 $0xFFFFFFFF  }
0xa5: {  	s26 =	simm.s32 $execute0_lowered;
	[smem:$0x3FD2] =	sst s25  }
0xa6: {  	s4 =	sshll.u32 s26, $0x1;
	_ =	strace $0x8000004C;
	[dreg:$0x1] =	wrdreg $0xFFFFFFFF  }
0xa7: {  	s28 =	simm.s32 $_size_execute0_lowered;
	s2 =	sadd.s32 s2, s4;
	[dreg:$0x0] =	wrdreg $0x0  }
0xa8: {  	s4 =	sshll.u32 s28, $0x1;
	[dreg:$0x2] =	wrdreg s2  }
0xa9: {  	[dreg:$0x3] =	wrdreg s4  }
0xaa: {  	[dreg:$0x4] =	wrdreg $0xC0  }
0xab: {  	_ =	task [dreg:s6], $0x5FFFF  }
0xac: {  	[dreg:$0x1] =	wrdreg $0xFFFFFFFF  }
0xad: {  	[dreg:$0x0] =	wrdreg $0x60  }
0xae: {  	[dreg:$0x2] =	wrdreg s24  }
0xaf: {  	[dreg:$0x3] =	wrdreg $0x81000  }
0xb0: {  	[dreg:$0x4] =	wrdreg $0x9  }
0xb1: {  	_ =	task.clear_ibuf [dreg:s6], $0x5FFFF;
	_ =	strace $0x9000004C  }
0xb2: {  	s29 =	simm.s32 $0x9;
	_ =	strace $0x8000004E  }
0xb3: {  	_ =	swait.ge [sflag:s29], $0x1  }
0xb4: {  	[sflag:s29] =	ssyncadd.s32 $0xFFFFFFFF  }
0xb5: {  	_ =	strace $0x9000004E  }
0xb6: {  	_ =	sfence  }
0xb7: {  	s30 =	sld [smem:$0x0];
	_ =	sdelay $0x2  }
0xb8: {  	s31 =	sshll.u32 s1, $0xD;
	s1 =	sshrl.u32 s1, $0x2  }
0xb9: {  	s3 =	sand.u32 $0x4000, s31;
	s1 =	sadd.s32 s1, s30  }
0xba: {  	s0 =	sor.u32 s3, s0;
	s1 =	sshll.u32 s1, $0x11  }
0xbb: {  	s0 =	sor.u32 s1, s0  }
0xbc: {  	s0 =	sadd.s32 $0x8F2B, s0  }
0xbd: {  	[sflag:s0] =	ssyncadd.remote.s32 $0x1  }
0xbe: {  	_ =	sfence.sel $0xFFFF  }
0xbf: {  	[dreg:$0x0] =	wrdreg $0xFFFFFFFF;
	(pc) =	sbr.abs _section_cstart, $3  }
0xc0: {  	[dreg:$0x1] =	wrdreg $0xFFFFFFFF  }
0xc1: {  	_ =	task.clear_ibuf [dreg:s6], $0x2FFFF;
	_ =	strace $0x9FFFFFFF  }
0xc2: {  	(tm) =	ssettm $0x7FFFFFFF  }
0xc3: {  	_ =	shalt  }
tec
execute0_lowered:
.L_overlay_start_1:
0x0: {  	(tag) =	ssettag $0x1  }
0x1: {  	s8 =	rddreg [dreg:$0x0]  }
0x2: {  	s2 =	rddreg [dreg:$0x1]  }
0x3: {  	s0 =	rddreg [dreg:$0x2];
	s3 =	simm.s32 $0x0;
	s1 =	stileid.u32  }
0x4: {  	s4 =	srdreg.scid;
	s17 =	simm.s32 $0x4100;
	s18 =	simm.s32 $0x100  }
0x5: {  	s19 =	simm.s32 $0x1;
	s24 =	simm.s32 $0x0;
	[smem:$0x7FF] =	sst s3  }
0x6: {  	s9 =	smul.u32 $0x14000, s1;
	s11 =	sand.u32 $0x1, s4;
	s4 =	sadd.s32 $0x1D200, s8  }
0x7: {  	s5 =	sadd.s32 $0x4FF200, s8;
	s6 =	sadd.s32 $0x13400, s8;
	s7 =	sadd.s32 $0x9600, s8  }
0x8: {  	s13 =	smul.u32 $0x50000, s1;
	s30 =	sshll.u32 s1, $0x6;
	p0 =	slt.u32 s1, $0x2  }
0x9: {  	s31 =	sshll.u32 s1, $0x8;
	_ =	strace $0x8000004D;
	s10 =	smul.u32 $0x140000, s11  }
0xa: {  	s28 =	ssub.s32 $0x2, s11;
	s11 =	sshll.u32 s11, $0x7;
	s12 =	sshrl.u32 s9, $0x3  }
0xb: {  	s14 =	sshrl.u32 s28, $0x1;
	s29 =	sshrl.u32 s13, $0x2;
	s11 =	sor.u32 s11, s31  }
0xc: {  	s9 =	sadd.s32 s9, s10;
	s12 =	sadd.s32 s12, s8;
	s14 =	ssub.s32 s28, s14  }
0xd: {  	s16 =	sadd.s32 s29, s2;
	s10 =	simm.s32 $0x4F;
	s9 =	sshrl.u32 s9, $0x3  }
0xe: {  	s10 =	simm.s32 @!p0 $0x4E;
	s13 =	smax.u32 s14, $0x1;
	s14 =	sshrl.u32 s16, $0x3  }
0xf: {  	s16 =	simm.s32 $0x80;
	s15 =	sadd.s32 s9, s8;
	s8 =	sadd.s32 $0x44400, s12  }
0x10: {  	s9 =	sor.u32 $0x1C02, s30;
	s12 =	sadd.s32 $0x93600, s15;
	s15 =	simm.s32 $0x2  }
.LBB2_1:
0x11: {  	[spmem:s14], [sflag:s9] =	dma.local [hbm:s8], $0x2800  }
0x12: {  	_ =	swait.ge [sflag:s15], $0x2800  }
0x13: {  	[sflag:s15] =	ssyncset.done $0x0  }
0x14: {  	[sflag:s15] =	ssyncadd.s32 $0xFFFFD800  }
0x15: {  	s20 =	simm.s32 $0x0;
	[bflag:$0x0] =	sbarrier.arrive $0xFFFF  }
.LBB2_2:
0x16: {  	s21 =	sshll.u32 s20, $0xC  }
0x17: {  	s21 =	sor.u32 s11, s21  }
0x18: {  	s22 =	sshrl.u32 s21, $0x3  }
0x19: {  	s23 =	sadd.s32 s6, s22  }
0x1a: {  	[tilespmem:s24], [sflag:$0x2] =	stream.linear.gather [hbm4b:s23+s24], $0x80, $0x38;
	[tilespmem:$0x1C100] =	vst v63  }
0x1b: {  	_ =	swait.ge [sflag:s15], $0x80  }
0x1c: {  	[sflag:s15] =	ssyncset.done $0x0  }
0x1d: {  	s22 =	sadd.s32 s7, s22;
	[sflag:s15] =	ssyncadd.s32 $0xFFFFFF80  }
0x1e: {  	[tilespmem:s16], [sflag:$0x2] =	stream.linear.gather [hbm4b:s22+s24], $0x80, $0x38;
	[tilespmem:$0x1C100] =	vst v63  }
0x1f: {  	_ =	swait.ge [sflag:s15], $0x80  }
0x20: {  	s21 =	sshll.u32 s21, $0x4;
	[sflag:s15] =	ssyncset.done $0x0  }
0x21: {  	s21 =	sadd.s32 s5, s21;
	[sflag:s15] =	ssyncadd.s32 $0xFFFFFF80  }
0x22: {  	[tilespmem:s17], [sflag:$0x2] =	stream.linear.gather [hbm4b:s21+s24], $0x4000, $0x38;
	[tilespmem:$0x1C100] =	vst v63  }
0x23: {  	_ =	swait.ge [sflag:s15], $0x4000  }
0x24: {  	[sflag:s15] =	ssyncset.done $0x0  }
0x25: {  	[sflag:s15] =	ssyncadd.s32 $0xFFFFC000  }
0x26: {  	[tilespmem:s18], [sflag:$0x1] =	stream.indirect.gather [hbm4b:s4+s16], $0x80, s24, s16, $0xb8;
	[tilespmem:$0x1C100] =	vst v63  }
0x27: {  	_ =	swait.ge [sflag:s19], $0x4000  }
0x28: {  	[sflag:s19] =	ssyncset.done $0x0  }
0x29: {  	s21 =	simm.s32 $0x0;
	[sflag:s19] =	ssyncadd.s32 $0xFFFFC000  }
0x2a: {  	v7 =	vld [tilespmem:s21+$0x4100]  }
0x2b: {  	v11 =	vld [tilespmem:s21+$0x4110]  }
0x2c: {  	v5 =	vld [tilespmem:s21+$0x4120]  }
0x2d: {  	v4 =	vld [tilespmem:s21+$0x4130]  }
0x2e: {  	v3 =	vld [tilespmem:s21+$0x4140]  }
0x2f: {  	v2 =	vld [tilespmem:s21+$0x4150]  }
0x30: {  	v1 =	vld [tilespmem:s21+$0x4160]  }
0x31: {  	v0 =	vld [tilespmem:s21+$0x4170]  }
0x32: {  	v12 =	vld [tilespmem:s21+$0x100]  }
0x33: {  	v13 =	vld [tilespmem:s21+$0x110]  }
0x34: {  	v10 =	vld [tilespmem:s21+$0x120]  }
0x35: {  	v9 =	vld [tilespmem:s21+$0x130]  }
0x36: {  	v8 =	vld [tilespmem:s21+$0x140]  }
0x37: {  	v6 =	vld [tilespmem:s21+$0x150];
	v12 =	vmul.f32 v7, v12  }
0x38: {  	s22 =	simm.s32 $0x200;
	v11 =	vmul.f32 v11, v13;
	v7 =	vld [tilespmem:s21+$0x160]  }
.LBB2_3:
0x39: {  	s23 =	sshra.s32 s22, $0x2;
	p0 =	sne.s32 s22, $0xFE00;
	[tilespmem:s21+$0x100] =	vst v12;
	v5 =	vmul.f32 v5, v10;
	v10 =	vld [tilespmem:s21+$0x170]  }
0x3a: {  	v12 =	vld [tilespmem:s23+$0x4100];
	[tilespmem:s21+$0x110] =	vst v11;
	v4 =	vmul.f32 v4, v9  }
0x3b: {  	v11 =	vld [tilespmem:s23+$0x4110];
	[tilespmem:s21+$0x120] =	vst v5;
	v3 =	vmul.f32 v3, v8  }
0x3c: {  	v5 =	vld [tilespmem:s23+$0x4120];
	[tilespmem:s21+$0x130] =	vst v4;
	v2 =	vmul.f32 v2, v6  }
0x3d: {  	v4 =	vld [tilespmem:s23+$0x4130];
	[tilespmem:s21+$0x140] =	vst v3;
	v1 =	vmul.f32 v1, v7  }
0x3e: {  	v3 =	vld [tilespmem:s23+$0x4140];
	[tilespmem:s21+$0x150] =	vst v2;
	v0 =	vmul.f32 v0, v10  }
0x3f: {  	v2 =	vld [tilespmem:s23+$0x4150];
	[tilespmem:s21+$0x160] =	vst v1  }
0x40: {  	v1 =	vld [tilespmem:s23+$0x4160];
	[tilespmem:s21+$0x170] =	vst v0;
	s21 =	smov.u32 s23  }
0x41: {  	v0 =	vld [tilespmem:s21+$0x4170]  }
0x42: {  	v6 =	vld [tilespmem:s21+$0x100]  }
0x43: {  	v7 =	vld [tilespmem:s21+$0x110]  }
.Ltmp0:
0x44: {  	v10 =	vld [tilespmem:s21+$0x120];
	(pc) =	sbr.rel @p0 .LBB2_3-.Ltmp0, $4  }
0x45: {  	v9 =	vld [tilespmem:s21+$0x130]  }
0x46: {  	v8 =	vld [tilespmem:s21+$0x140]  }
0x47: {  	v12 =	vmul.f32 v12, v6;
	v6 =	vld [tilespmem:s21+$0x150]  }
0x48: {  	s22 =	sadd.s32 $0x200, s22;
	v11 =	vmul.f32 v11, v7;
	v7 =	vld [tilespmem:s21+$0x160]  }
0x49: {  	[tilespmem:s21+$0x100] =	vst v12;
	v5 =	vmul.f32 v5, v10;
	v63 =	vld [tilespmem:s21+$0x170]  }
0x4a: {  	[tilespmem:s21+$0x110] =	vst v11;
	v4 =	vmul.f32 v4, v9  }
0x4b: {  	[tilespmem:s21+$0x120] =	vst v5;
	v3 =	vmul.f32 v3, v8  }
0x4c: {  	[tilespmem:s21+$0x130] =	vst v4;
	v2 =	vmul.f32 v2, v6  }
0x4d: {  	[tilespmem:s21+$0x140] =	vst v3;
	v1 =	vmul.f32 v1, v7  }
0x4e: {  	s20 =	sadd.s32 $0x1, s20;
	[tilespmem:s21+$0x150] =	vst v2;
	v0 =	vmul.f32 v0, v63  }
0x4f: {  	p0 =	sne.s32 s20, s10;
	[tilespmem:s21+$0x160] =	vst v1  }
.Ltmp1:
0x50: {  	[tilespmem:s21+$0x170] =	vst v0;
	(pc) =	sbr.rel @p0 .LBB2_2-.Ltmp1, $4  }
0x51: {  	[spmem:s2] =	stream.indirect.scatter.add.f32 [tilespmem:s18], [sflag:$0x2], $0x80, s16, s16, $0xb8;
	[tilespmem:$0x1C100] =	vst v63  }
0x52: {  	_ =	swait.ge [sflag:s15], $0x4000  }
0x53: {  	[sflag:s15] =	ssyncset.done $0x0  }
0x54: {  	[sflag:s15] =	ssyncadd.s32 $0xFFFFC000  }
0x55: {  	s3 =	sadd.s32 $0x1, s3  }
0x56: {  	p0 =	sne.s32 s3, s13  }
.Ltmp2:
0x57: {  	[bflag:$0x0] =	sbarrier.arrive $0xFFFF;
	(pc) =	sbr.rel @p0 .LBB2_1-.Ltmp2, $4  }
0x58: {  	[hbm:s12], [sflag:s9] =	dma.local [spmem:s14], $0x2800  }
0x59: {  	_ =	swait.ge [sflag:s15], $0x2800  }
0x5a: {  	[sflag:s15] =	ssyncset.done $0x0  }
0x5b: {  	[sflag:s15] =	ssyncadd.s32 $0xFFFFD800  }
0x5c: {  	_ =	sfence.sel $0x180000  }
0x5d: {  	[bflag:$0x0] =	sbarrier.arrive $0xFFFF  }
0x5e: {  	p0 =	sne.s32 s1, $0x0;
	_ =	strace $0x9000004D  }
0x5f: {  	s0 =	sadd.s32 @!p0 $0x100000, s0;
	[bflag:$0x2] =	sbarrier.arrive $0xFFFF  }
0x60: {  	[sflag:s0] =	ssyncadd.tile.s32 @!p0 $0x1;
	_ =	shalt  }
.Lfunc_end2:
_tile_overlayer_lowered:
.L_overlay_start_2:
0x61: {  	(tag) =	ssettag $0x2  }
0x62: {  	s0 =	rddreg [dreg:$0x0];
	s2 =	stileid.u32  }
0x63: {  	s1 =	rddreg [dreg:$0x1];
	p0 =	sne.s32 s2, $0x0  }
0x64: {  	s3 =	rddreg [dreg:$0x2];
	[bflag:$0x3] =	sbarrier.arrive $0xFFFF;
	s2 =	simm.s32 @!p0 $0x1C02  }
0x65: {  	[timem:s3], [sflag:s2] =	dma.local @!p0 [hbm:s0], s1  }
0x66: {  	s0 =	simm.s32 @!p0 $0x2  }
0x67: {  	_ =	swait.ge @!p0 [sflag:s0], s1  }
0x68: {  	s1 =	ssub.s32 @!p0 $0x0, s1;
	[sflag:s0] =	ssyncset.done @!p0 $0x0  }
0x69: {  	[sflag:s0] =	ssyncadd.s32 @!p0 s1  }
0x6a: {  	[bflag:$0x3] =	sbarrier.arrive $0xFFFF  }
0x6b: {  	_ =	shalt  }

// kernel: kernel.22.cloned.1.call-start
scs
__scs_entry_jumppad:
0x0: {  	(pc) =	sbr.rel $0x88, $3  }
0x1: {  	(tag) =	ssettag $0x0;
	lr =	simm.s32 $0x1  }
0x2: {  	[smem:$0x3F90] =	sst lr;
	_ =	strace $0xD0000000  }
0x3: {  	_ = 	snop  }
0x4: {  	_ = 	snop  }
0x5: {  	_ = 	snop  }
0x6: {  	_ = 	snop  }
0x7: {  	_ = 	snop  }
__scs_overlays_trampoline_lowered:
0x8: {  	[smem:$0x3F9F] =	sst s0  }
0x9: {  	[smem:$0x3FA0] =	sst s1  }
0xa: {  	[smem:$0x3FA1] =	sst s2  }
0xb: {  	[smem:$0x3FA2] =	sst s3  }
0xc: {  	[smem:$0x3FA3] =	sst s4  }
0xd: {  	[smem:$0x3FA4] =	sst s5  }
0xe: {  	[smem:$0x3FA5] =	sst s6  }
0xf: {  	[smem:$0x3FA6] =	sst s7  }
0x10: {  	[smem:$0x3FA7] =	sst s8  }
0x11: {  	[smem:$0x3FA8] =	sst s9;
	s0 =	simm.s32 @!p0 $0x0  }
0x12: {  	s1 =	sld [smem:$0x3F8E];
	s0 =	simm.s32 @p0 $0x1  }
0x13: {  	[smem:$0x3FA9] =	sst s0;
	s0 =	simm.s32 @!p1 $0x0  }
0x14: {  	s2 =	sld [smem:$0x3F8D];
	s0 =	simm.s32 @p1 $0x1  }
0x15: {  	[smem:$0x3FAA] =	sst s0;
	s0 =	simm.s32 @!p2 $0x0  }
0x16: {  	s3 =	sld [smem:$0x3FDB];
	s0 =	simm.s32 @p2 $0x1  }
0x17: {  	s4 =	simm.s32 $0x1BF5;
	[smem:$0x3FAC] =	sst s0  }
0x18: {  	s0 =	sld [smem:$0x3F8F];
	_ =	swait.ge [sflag:s4], $0x0  }
0x19: {  	s7 =	sld [smem:$0x3F90]  }
0x1a: {  	s8 =	sadd.s32 $0xFFFFE003, lr  }
0x1b: {  	s9 =	sadd.s32 $0xFFFFFEF7, lr;
	s5 =	simm.s32 $0xFFFFFFFF;
	p2 =	slt.u32 s8, $0xFFFFF086  }
0x1c: {  	p1 =	slt.u32 s9, $0xF7A;
	s5 =	simm.s32 @!p2 $0x0  }
0x1d: {  	s5 =	simm.s32 @p1 $0x1;
	p0 =	seq.s32 s7, s2  }
0x1e: {  	s7 =	smul.u32 @!p0 $0xF7A, s2;
	p2 =	seq.s32 @!p0 s5, $0x0  }
0x1f: {  	s9 =	smul.u32 $0xF7A, s1;
	s8 =	simm.s32 @!p0 $0x1BF5;
	p2 =	por !p2, p0  }
0x20: {  	[sflag:s8] =	ssyncset.s32 @!p0 $0xFFFFF086;
	s6 =	sadd.s32 @!p0 s3, s7;
	s7 =	simm.s32 @!p0 $0x108  }
0x21: {  	s3 =	sadd.s32 s3, s9;
	s6 =	sadd.s32 @!p0 $0x88, s6;
	s7 =	simm.s32 @p2 $0x1082  }
0x22: {  	[simem:s7], [sflag:s8] =	dma.local @!p0 [hbm:s6], $0xF7A  }
0x23: {  	s9 =	sor.u32 $0xD0000000, s2;
	s6 =	simm.s32 $0x108;
	_ =	swait.ge @!p0 [sflag:s8], $0x0  }
0x24: {  	s3 =	sadd.s32 $0x88, s3;
	s6 =	simm.s32 @!p1 $0x1082;
	[sflag:s4] =	ssyncset.s32 $0xFFFFF086  }
0x25: {  	[simem:s6], [sflag:s4] =	dma.local [hbm:s3], $0xF7A  }
0x26: {  	[smem:$0x3F90] =	sst s1;
	(tag) =	ssettag s2;
	_ =	strace s9  }
0x27: {  	s1 =	sld [smem:$0x3FA0]  }
0x28: {  	s2 =	sld [smem:$0x3FA1]  }
0x29: {  	s4 =	sld [smem:$0x3FA3]  }
0x2a: {  	p0 =	seq.s32 s5, $0x0;
	s5 =	sld [smem:$0x3FA4]  }
0x2b: {  	s6 =	sld [smem:$0x3FA5]  }
0x2c: {  	s7 =	sld [smem:$0x3FA6]  }
0x2d: {  	s3 =	simm.s32 $0x108;
	s8 =	sld [smem:$0x3FA7]  }
0x2e: {  	s3 =	simm.s32 @!p0 $0x1082;
	s9 =	sld [smem:$0x3FA8]  }
0x2f: {  	lr =	sadd.s32 s0, s3;
	s0 =	sld [smem:$0x3F9F]  }
0x30: {  	s3 =	sld [smem:$0x3FA2]  }
0x31: {  	[smem:$0x3FAB] =	sst s10  }
0x32: {  	s10 =	sld [smem:$0x3FA9];
	_ =	sdelay $0x3  }
0x33: {  	p0 =	seq.s32 s10, $0x1;
	s10 =	sld [smem:$0x3FAB];
	_ =	sdelay $0x3  }
0x34: {  	[smem:$0x3FAB] =	sst s10  }
0x35: {  	s10 =	sld [smem:$0x3FAA];
	_ =	sdelay $0x3  }
0x36: {  	p1 =	seq.s32 s10, $0x1;
	s10 =	sld [smem:$0x3FAB];
	_ =	sdelay $0x3  }
0x37: {  	[smem:$0x3FAB] =	sst s10  }
0x38: {  	s10 =	sld [smem:$0x3FAC]  }
0x39: {  	_ = 	snop;
	(pc) =	sbr.ind lr, $3  }
0x3a: {  	_ = 	snop  }
0x3b: {  	_ = 	snop  }
0x3c: {  	p2 =	seq.s32 s10, $0x1;
	s10 =	sld [smem:$0x3FAB]  }
0x3d: {  	_ =	shalt  }
0x3e: {  	_ =	shalt  }
0x3f: {  	_ =	shalt  }
0x40: {  	_ =	shalt  }
0x41: {  	_ =	shalt  }
0x42: {  	_ =	shalt  }
0x43: {  	_ =	shalt  }
0x44: {  	_ =	shalt  }
0x45: {  	_ =	shalt  }
0x46: {  	_ =	shalt  }
0x47: {  	_ =	shalt  }
0x48: {  	_ =	shalt  }
0x49: {  	_ =	shalt  }
0x4a: {  	_ =	shalt  }
0x4b: {  	_ =	shalt  }
0x4c: {  	_ =	shalt  }
0x4d: {  	_ =	shalt  }
0x4e: {  	_ =	shalt  }
0x4f: {  	_ =	shalt  }
0x50: {  	_ =	shalt  }
0x51: {  	_ =	shalt  }
0x52: {  	_ =	shalt  }
0x53: {  	_ =	shalt  }
0x54: {  	_ =	shalt  }
0x55: {  	_ =	shalt  }
0x56: {  	_ =	shalt  }
0x57: {  	_ =	shalt  }
0x58: {  	_ =	shalt  }
0x59: {  	_ =	shalt  }
0x5a: {  	_ =	shalt  }
0x5b: {  	_ =	shalt  }
0x5c: {  	_ =	shalt  }
0x5d: {  	_ =	shalt  }
0x5e: {  	_ =	shalt  }
0x5f: {  	_ =	shalt  }
0x60: {  	_ =	shalt  }
0x61: {  	_ =	shalt  }
0x62: {  	_ =	shalt  }
0x63: {  	_ =	shalt  }
0x64: {  	_ =	shalt  }
0x65: {  	_ =	shalt  }
0x66: {  	_ =	shalt  }
0x67: {  	_ =	shalt  }
0x68: {  	_ =	shalt  }
0x69: {  	_ =	shalt  }
0x6a: {  	_ =	shalt  }
0x6b: {  	_ =	shalt  }
0x6c: {  	_ =	shalt  }
0x6d: {  	_ =	shalt  }
0x6e: {  	_ =	shalt  }
0x6f: {  	_ =	shalt  }
0x70: {  	_ =	shalt  }
0x71: {  	_ =	shalt  }
0x72: {  	_ =	shalt  }
0x73: {  	_ =	shalt  }
0x74: {  	_ =	shalt  }
0x75: {  	_ =	shalt  }
0x76: {  	_ =	shalt  }
0x77: {  	_ =	shalt  }
0x78: {  	_ =	shalt  }
0x79: {  	_ =	shalt  }
0x7a: {  	_ =	shalt  }
0x7b: {  	_ =	shalt  }
0x7c: {  	_ =	shalt  }
0x7d: {  	_ =	shalt  }
0x7e: {  	_ =	shalt  }
0x7f: {  	_ =	shalt  }
0x80: {  	_ =	shalt  }
0x81: {  	_ =	shalt  }
0x82: {  	_ =	shalt  }
0x83: {  	_ =	shalt  }
0x84: {  	_ =	shalt  }
0x85: {  	_ =	shalt  }
0x86: {  	_ =	shalt  }
0x87: {  	_ =	shalt  }
.Lfunc_end0:
.L_simem_size_0:
called_computation.3_lowered:
.L_overlay_start_0:
0x88: {  	s2 =	sld [smem:$0x3FD9]  }
0x89: {  	s3 =	sld [smem:$0x3FFE];
	_ =	sdelay $0x1  }
0x8a: {  	s1 =	srdreg.scid  }
0x8b: {  	s0 =	sand.u32 $0x1, s1  }
0x8c: {  	s16 =	sshll.u32 s0, $0xA;
	s2 =	sadd.s32 s3, s2  }
0x8d: {  	s2 =	sadd.s32 s2, s16  }
0x8e: {  	[smem:$0x3FB7] =	sst s2  }
0x8f: {  	_ = 	snop  }
0x90: {  	(tm) =	ssettm $0x1  }
0x91: {  	s17 =	sld [smem:$0x3FFB];
	_ =	sdelay $0x3  }
0x92: {  	_ =	strace s17  }
0x93: {  	s2 =	sld [smem:$0x3FFC];
	_ =	sdelay $0x3  }
0x94: {  	_ =	strace s2  }
0x95: {  	s2 =	sld [smem:$0x3FFD];
	_ =	sdelay $0x3  }
0x96: {  	_ =	strace s2  }
0x97: {  	_ =	strace $0x8FFFFFFF  }
0x98: {  	s18 =	sld [smem:$0x3FDB];
	_ =	sdelay $0x1  }
0x99: {  	s19 =	simm.s32 $_scs_section_size  }
0x9a: {  	s4 =	simm.s32 $_size__tile_overlayer_lowered;
	s5 =	simm.s32 $_tile_overlayer_lowered  }
0x9b: {  	s22 =	simm.s32 $0x1BFF;
	s21 =	sshll.u32 s5, $0x1;
	s2 =	sadd.s32 s19, s18  }
0x9c: {  	s6 =	simm.s32 $0x0;
	s20 =	sshll.u32 s4, $0x1;
	s4 =	sadd.s32 s21, s2  }
0x9d: {  	[timem:s6], [sflag:s22] =	dma.local [hbm:s4], s20  }
0x9e: {  	_ =	swait.ge [sflag:s22], s20  }
0x9f: {  	s3 =	ssub.s32 $0x0, s20;
	[sflag:s22] =	ssyncset.done $0x0  }
0xa0: {  	[sflag:s22] =	ssyncadd.s32 s3;
	_ =	sdelay $0x1  }
0xa1: {  	s23 =	simm.s32 $0x1B8B  }
0xa2: {  	_ =	swait.ge [sflag:s23], $0x1  }
0xa3: {  	[sflag:s23] =	ssyncset.done $0x0  }
0xa4: {  	s25 =	simm.s32 $0x1B8E;
	s24 =	sld [smem:$0x3FFE];
	[sflag:s23] =	ssyncadd.s32 $0xFFFFFFFF  }
0xa5: {  	s26 =	simm.s32 $execute0_lowered;
	[smem:$0x3FD2] =	sst s25  }
0xa6: {  	s4 =	sshll.u32 s26, $0x1;
	_ =	strace $0x8000004F;
	[dreg:$0x1] =	wrdreg $0xFFFFFFFF  }
0xa7: {  	s28 =	simm.s32 $_size_execute0_lowered;
	s2 =	sadd.s32 s2, s4;
	[dreg:$0x0] =	wrdreg $0x0  }
0xa8: {  	s4 =	sshll.u32 s28, $0x1;
	[dreg:$0x2] =	wrdreg s2  }
0xa9: {  	[dreg:$0x3] =	wrdreg s4  }
0xaa: {  	[dreg:$0x4] =	wrdreg $0xC0  }
0xab: {  	_ =	task [dreg:s6], $0x5FFFF  }
0xac: {  	[dreg:$0x1] =	wrdreg $0xFFFFFFFF  }
0xad: {  	[dreg:$0x0] =	wrdreg $0x60  }
0xae: {  	[dreg:$0x2] =	wrdreg s24  }
0xaf: {  	[dreg:$0x3] =	wrdreg $0x81000  }
0xb0: {  	[dreg:$0x4] =	wrdreg $0x9  }
0xb1: {  	_ =	task.clear_ibuf [dreg:s6], $0x5FFFF;
	_ =	strace $0x9000004F  }
0xb2: {  	s29 =	simm.s32 $0x9;
	_ =	strace $0x80000051  }
0xb3: {  	_ =	swait.ge [sflag:s29], $0x1  }
0xb4: {  	[sflag:s29] =	ssyncadd.s32 $0xFFFFFFFF  }
0xb5: {  	_ =	strace $0x90000051  }
0xb6: {  	_ =	sfence  }
0xb7: {  	s30 =	sld [smem:$0x0];
	_ =	sdelay $0x2  }
0xb8: {  	s31 =	sshll.u32 s1, $0xD;
	s1 =	sshrl.u32 s1, $0x2  }
0xb9: {  	s3 =	sand.u32 $0x4000, s31;
	s1 =	sadd.s32 s1, s30  }
0xba: {  	s0 =	sor.u32 s3, s0;
	s1 =	sshll.u32 s1, $0x11  }
0xbb: {  	s0 =	sor.u32 s1, s0  }
0xbc: {  	s0 =	sadd.s32 $0x8F2B, s0  }
0xbd: {  	[sflag:s0] =	ssyncadd.remote.s32 $0x1  }
0xbe: {  	_ =	sfence.sel $0xFFFF  }
0xbf: {  	[dreg:$0x0] =	wrdreg $0xFFFFFFFF;
	(pc) =	sbr.abs _section_cstart, $3  }
0xc0: {  	[dreg:$0x1] =	wrdreg $0xFFFFFFFF  }
0xc1: {  	_ =	task.clear_ibuf [dreg:s6], $0x2FFFF;
	_ =	strace $0x9FFFFFFF  }
0xc2: {  	(tm) =	ssettm $0x7FFFFFFF  }
0xc3: {  	_ =	shalt  }
tec
execute0_lowered:
.L_overlay_start_1:
0x0: {  	(tag) =	ssettag $0x1  }
0x1: {  	s8 =	rddreg [dreg:$0x0]  }
0x2: {  	s2 =	rddreg [dreg:$0x1]  }
0x3: {  	s0 =	rddreg [dreg:$0x2];
	s3 =	simm.s32 $0x0;
	s1 =	stileid.u32  }
0x4: {  	s4 =	srdreg.scid;
	s17 =	simm.s32 $0x4100;
	s18 =	simm.s32 $0x100  }
0x5: {  	s19 =	simm.s32 $0x1;
	s24 =	simm.s32 $0x0;
	[smem:$0x7FF] =	sst s3  }
0x6: {  	s9 =	smul.u32 $0x14000, s1;
	s11 =	sand.u32 $0x1, s4;
	s4 =	sadd.s32 $0x1D200, s8  }
0x7: {  	s5 =	sadd.s32 $0x4FF200, s8;
	s6 =	sadd.s32 $0x13400, s8;
	s7 =	sadd.s32 $0x9600, s8  }
0x8: {  	s13 =	smul.u32 $0x50000, s1;
	s30 =	sshll.u32 s1, $0x6;
	p0 =	slt.u32 s1, $0x2  }
0x9: {  	s31 =	sshll.u32 s1, $0x8;
	_ =	strace $0x80000050;
	s10 =	smul.u32 $0x140000, s11  }
0xa: {  	s28 =	ssub.s32 $0x2, s11;
	s11 =	sshll.u32 s11, $0x7;
	s12 =	sshrl.u32 s9, $0x3  }
0xb: {  	s14 =	sshrl.u32 s28, $0x1;
	s29 =	sshrl.u32 s13, $0x2;
	s11 =	sor.u32 s11, s31  }
0xc: {  	s9 =	sadd.s32 s9, s10;
	s12 =	sadd.s32 s12, s8;
	s14 =	ssub.s32 s28, s14  }
0xd: {  	s16 =	sadd.s32 s29, s2;
	s10 =	simm.s32 $0x4F;
	s9 =	sshrl.u32 s9, $0x3  }
0xe: {  	s10 =	simm.s32 @!p0 $0x4E;
	s13 =	smax.u32 s14, $0x1;
	s14 =	sshrl.u32 s16, $0x3  }
0xf: {  	s16 =	simm.s32 $0x80;
	s15 =	sadd.s32 s9, s8;
	s8 =	sadd.s32 $0x44400, s12  }
0x10: {  	s9 =	sor.u32 $0x1C02, s30;
	s12 =	sadd.s32 $0x93600, s15;
	s15 =	simm.s32 $0x2  }
.LBB2_1:
0x11: {  	[spmem:s14], [sflag:s9] =	dma.local [hbm:s8], $0x2800  }
0x12: {  	_ =	swait.ge [sflag:s15], $0x2800  }
0x13: {  	[sflag:s15] =	ssyncset.done $0x0  }
0x14: {  	[sflag:s15] =	ssyncadd.s32 $0xFFFFD800  }
0x15: {  	s20 =	simm.s32 $0x0;
	[bflag:$0x0] =	sbarrier.arrive $0xFFFF  }
.LBB2_2:
0x16: {  	s21 =	sshll.u32 s20, $0xC  }
0x17: {  	s21 =	sor.u32 s11, s21  }
0x18: {  	s22 =	sshrl.u32 s21, $0x3  }
0x19: {  	s23 =	sadd.s32 s6, s22  }
0x1a: {  	[tilespmem:s24], [sflag:$0x2] =	stream.linear.gather [hbm4b:s23+s24], $0x80, $0x38;
	[tilespmem:$0x1C100] =	vst v63  }
0x1b: {  	_ =	swait.ge [sflag:s15], $0x80  }
0x1c: {  	[sflag:s15] =	ssyncset.done $0x0  }
0x1d: {  	s22 =	sadd.s32 s7, s22;
	[sflag:s15] =	ssyncadd.s32 $0xFFFFFF80  }
0x1e: {  	[tilespmem:s16], [sflag:$0x2] =	stream.linear.gather [hbm4b:s22+s24], $0x80, $0x38;
	[tilespmem:$0x1C100] =	vst v63  }
0x1f: {  	_ =	swait.ge [sflag:s15], $0x80  }
0x20: {  	s21 =	sshll.u32 s21, $0x4;
	[sflag:s15] =	ssyncset.done $0x0  }
0x21: {  	s21 =	sadd.s32 s5, s21;
	[sflag:s15] =	ssyncadd.s32 $0xFFFFFF80  }
0x22: {  	[tilespmem:s17], [sflag:$0x2] =	stream.linear.gather [hbm4b:s21+s24], $0x4000, $0x38;
	[tilespmem:$0x1C100] =	vst v63  }
0x23: {  	_ =	swait.ge [sflag:s15], $0x4000  }
0x24: {  	[sflag:s15] =	ssyncset.done $0x0  }
0x25: {  	[sflag:s15] =	ssyncadd.s32 $0xFFFFC000  }
0x26: {  	[tilespmem:s18], [sflag:$0x1] =	stream.indirect.gather [hbm4b:s4+s16], $0x80, s24, s16, $0xb8;
	[tilespmem:$0x1C100] =	vst v63  }
0x27: {  	_ =	swait.ge [sflag:s19], $0x4000  }
0x28: {  	[sflag:s19] =	ssyncset.done $0x0  }
0x29: {  	s21 =	simm.s32 $0x0;
	[sflag:s19] =	ssyncadd.s32 $0xFFFFC000  }
0x2a: {  	v7 =	vld [tilespmem:s21+$0x4100]  }
0x2b: {  	v11 =	vld [tilespmem:s21+$0x4110]  }
0x2c: {  	v5 =	vld [tilespmem:s21+$0x4120]  }
0x2d: {  	v4 =	vld [tilespmem:s21+$0x4130]  }
0x2e: {  	v3 =	vld [tilespmem:s21+$0x4140]  }
0x2f: {  	v2 =	vld [tilespmem:s21+$0x4150]  }
0x30: {  	v1 =	vld [tilespmem:s21+$0x4160]  }
0x31: {  	v0 =	vld [tilespmem:s21+$0x4170]  }
0x32: {  	v12 =	vld [tilespmem:s21+$0x100]  }
0x33: {  	v13 =	vld [tilespmem:s21+$0x110]  }
0x34: {  	v10 =	vld [tilespmem:s21+$0x120]  }
0x35: {  	v9 =	vld [tilespmem:s21+$0x130]  }
0x36: {  	v8 =	vld [tilespmem:s21+$0x140]  }
0x37: {  	v6 =	vld [tilespmem:s21+$0x150];
	v12 =	vmul.f32 v7, v12  }
0x38: {  	s22 =	simm.s32 $0x200;
	v11 =	vmul.f32 v11, v13;
	v7 =	vld [tilespmem:s21+$0x160]  }
.LBB2_3:
0x39: {  	s23 =	sshra.s32 s22, $0x2;
	p0 =	sne.s32 s22, $0xFE00;
	[tilespmem:s21+$0x100] =	vst v12;
	v5 =	vmul.f32 v5, v10;
	v10 =	vld [tilespmem:s21+$0x170]  }
0x3a: {  	v12 =	vld [tilespmem:s23+$0x4100];
	[tilespmem:s21+$0x110] =	vst v11;
	v4 =	vmul.f32 v4, v9  }
0x3b: {  	v11 =	vld [tilespmem:s23+$0x4110];
	[tilespmem:s21+$0x120] =	vst v5;
	v3 =	vmul.f32 v3, v8  }
0x3c: {  	v5 =	vld [tilespmem:s23+$0x4120];
	[tilespmem:s21+$0x130] =	vst v4;
	v2 =	vmul.f32 v2, v6  }
0x3d: {  	v4 =	vld [tilespmem:s23+$0x4130];
	[tilespmem:s21+$0x140] =	vst v3;
	v1 =	vmul.f32 v1, v7  }
0x3e: {  	v3 =	vld [tilespmem:s23+$0x4140];
	[tilespmem:s21+$0x150] =	vst v2;
	v0 =	vmul.f32 v0, v10  }
0x3f: {  	v2 =	vld [tilespmem:s23+$0x4150];
	[tilespmem:s21+$0x160] =	vst v1  }
0x40: {  	v1 =	vld [tilespmem:s23+$0x4160];
	[tilespmem:s21+$0x170] =	vst v0;
	s21 =	smov.u32 s23  }
0x41: {  	v0 =	vld [tilespmem:s21+$0x4170]  }
0x42: {  	v6 =	vld [tilespmem:s21+$0x100]  }
0x43: {  	v7 =	vld [tilespmem:s21+$0x110]  }
.Ltmp0:
0x44: {  	v10 =	vld [tilespmem:s21+$0x120];
	(pc) =	sbr.rel @p0 .LBB2_3-.Ltmp0, $4  }
0x45: {  	v9 =	vld [tilespmem:s21+$0x130]  }
0x46: {  	v8 =	vld [tilespmem:s21+$0x140]  }
0x47: {  	v12 =	vmul.f32 v12, v6;
	v6 =	vld [tilespmem:s21+$0x150]  }
0x48: {  	s22 =	sadd.s32 $0x200, s22;
	v11 =	vmul.f32 v11, v7;
	v7 =	vld [tilespmem:s21+$0x160]  }
0x49: {  	[tilespmem:s21+$0x100] =	vst v12;
	v5 =	vmul.f32 v5, v10;
	v63 =	vld [tilespmem:s21+$0x170]  }
0x4a: {  	[tilespmem:s21+$0x110] =	vst v11;
	v4 =	vmul.f32 v4, v9  }
0x4b: {  	[tilespmem:s21+$0x120] =	vst v5;
	v3 =	vmul.f32 v3, v8  }
0x4c: {  	[tilespmem:s21+$0x130] =	vst v4;
	v2 =	vmul.f32 v2, v6  }
0x4d: {  	[tilespmem:s21+$0x140] =	vst v3;
	v1 =	vmul.f32 v1, v7  }
0x4e: {  	s20 =	sadd.s32 $0x1, s20;
	[tilespmem:s21+$0x150] =	vst v2;
	v0 =	vmul.f32 v0, v63  }
0x4f: {  	p0 =	sne.s32 s20, s10;
	[tilespmem:s21+$0x160] =	vst v1  }
.Ltmp1:
0x50: {  	[tilespmem:s21+$0x170] =	vst v0;
	(pc) =	sbr.rel @p0 .LBB2_2-.Ltmp1, $4  }
0x51: {  	[spmem:s2] =	stream.indirect.scatter.add.f32 [tilespmem:s18], [sflag:$0x2], $0x80, s16, s16, $0xb8;
	[tilespmem:$0x1C100] =	vst v63  }
0x52: {  	_ =	swait.ge [sflag:s15], $0x4000  }
0x53: {  	[sflag:s15] =	ssyncset.done $0x0  }
0x54: {  	[sflag:s15] =	ssyncadd.s32 $0xFFFFC000  }
0x55: {  	s3 =	sadd.s32 $0x1, s3  }
0x56: {  	p0 =	sne.s32 s3, s13  }
.Ltmp2:
0x57: {  	[bflag:$0x0] =	sbarrier.arrive $0xFFFF;
	(pc) =	sbr.rel @p0 .LBB2_1-.Ltmp2, $4  }
0x58: {  	[hbm:s12], [sflag:s9] =	dma.local [spmem:s14], $0x2800  }
0x59: {  	_ =	swait.ge [sflag:s15], $0x2800  }
0x5a: {  	[sflag:s15] =	ssyncset.done $0x0  }
0x5b: {  	[sflag:s15] =	ssyncadd.s32 $0xFFFFD800  }
0x5c: {  	_ =	sfence.sel $0x180000  }
0x5d: {  	[bflag:$0x0] =	sbarrier.arrive $0xFFFF  }
0x5e: {  	p0 =	sne.s32 s1, $0x0;
	_ =	strace $0x90000050  }
0x5f: {  	s0 =	sadd.s32 @!p0 $0x100000, s0;
	[bflag:$0x2] =	sbarrier.arrive $0xFFFF  }
0x60: {  	[sflag:s0] =	ssyncadd.tile.s32 @!p0 $0x1;
	_ =	shalt  }
.Lfunc_end2:
_tile_overlayer_lowered:
.L_overlay_start_2:
0x61: {  	(tag) =	ssettag $0x2  }
0x62: {  	s0 =	rddreg [dreg:$0x0];
	s2 =	stileid.u32  }
0x63: {  	s1 =	rddreg [dreg:$0x1];
	p0 =	sne.s32 s2, $0x0  }
0x64: {  	s3 =	rddreg [dreg:$0x2];
	[bflag:$0x3] =	sbarrier.arrive $0xFFFF;
	s2 =	simm.s32 @!p0 $0x1C02  }
0x65: {  	[timem:s3], [sflag:s2] =	dma.local @!p0 [hbm:s0], s1  }
0x66: {  	s0 =	simm.s32 @!p0 $0x2  }
0x67: {  	_ =	swait.ge @!p0 [sflag:s0], s1  }
0x68: {  	s1 =	ssub.s32 @!p0 $0x0, s1;
	[sflag:s0] =	ssyncset.done @!p0 $0x0  }
0x69: {  	[sflag:s0] =	ssyncadd.s32 @!p0 s1  }
0x6a: {  	[bflag:$0x3] =	sbarrier.arrive $0xFFFF  }
0x6b: {  	_ =	shalt  }

// kernel: kernel.25.cloned.1.call-start
scs
__scs_entry_jumppad:
0x0: {  	(pc) =	sbr.rel $0x88, $3  }
0x1: {  	(tag) =	ssettag $0x0;
	lr =	simm.s32 $0x1  }
0x2: {  	[smem:$0x3F90] =	sst lr;
	_ =	strace $0xD0000000  }
0x3: {  	_ = 	snop  }
0x4: {  	_ = 	snop  }
0x5: {  	_ = 	snop  }
0x6: {  	_ = 	snop  }
0x7: {  	_ = 	snop  }
__scs_overlays_trampoline_lowered:
0x8: {  	[smem:$0x3F9F] =	sst s0  }
0x9: {  	[smem:$0x3FA0] =	sst s1  }
0xa: {  	[smem:$0x3FA1] =	sst s2  }
0xb: {  	[smem:$0x3FA2] =	sst s3  }
0xc: {  	[smem:$0x3FA3] =	sst s4  }
0xd: {  	[smem:$0x3FA4] =	sst s5  }
0xe: {  	[smem:$0x3FA5] =	sst s6  }
0xf: {  	[smem:$0x3FA6] =	sst s7  }
0x10: {  	[smem:$0x3FA7] =	sst s8  }
0x11: {  	[smem:$0x3FA8] =	sst s9;
	s0 =	simm.s32 @!p0 $0x0  }
0x12: {  	s1 =	sld [smem:$0x3F8E];
	s0 =	simm.s32 @p0 $0x1  }
0x13: {  	[smem:$0x3FA9] =	sst s0;
	s0 =	simm.s32 @!p1 $0x0  }
0x14: {  	s2 =	sld [smem:$0x3F8D];
	s0 =	simm.s32 @p1 $0x1  }
0x15: {  	[smem:$0x3FAA] =	sst s0;
	s0 =	simm.s32 @!p2 $0x0  }
0x16: {  	s3 =	sld [smem:$0x3FDB];
	s0 =	simm.s32 @p2 $0x1  }
0x17: {  	s4 =	simm.s32 $0x1BF5;
	[smem:$0x3FAC] =	sst s0  }
0x18: {  	s0 =	sld [smem:$0x3F8F];
	_ =	swait.ge [sflag:s4], $0x0  }
0x19: {  	s7 =	sld [smem:$0x3F90]  }
0x1a: {  	s8 =	sadd.s32 $0xFFFFE003, lr  }
0x1b: {  	s9 =	sadd.s32 $0xFFFFFEF7, lr;
	s5 =	simm.s32 $0xFFFFFFFF;
	p2 =	slt.u32 s8, $0xFFFFF086  }
0x1c: {  	p1 =	slt.u32 s9, $0xF7A;
	s5 =	simm.s32 @!p2 $0x0  }
0x1d: {  	s5 =	simm.s32 @p1 $0x1;
	p0 =	seq.s32 s7, s2  }
0x1e: {  	s7 =	smul.u32 @!p0 $0xF7A, s2;
	p2 =	seq.s32 @!p0 s5, $0x0  }
0x1f: {  	s9 =	smul.u32 $0xF7A, s1;
	s8 =	simm.s32 @!p0 $0x1BF5;
	p2 =	por !p2, p0  }
0x20: {  	[sflag:s8] =	ssyncset.s32 @!p0 $0xFFFFF086;
	s6 =	sadd.s32 @!p0 s3, s7;
	s7 =	simm.s32 @!p0 $0x108  }
0x21: {  	s3 =	sadd.s32 s3, s9;
	s6 =	sadd.s32 @!p0 $0x88, s6;
	s7 =	simm.s32 @p2 $0x1082  }
0x22: {  	[simem:s7], [sflag:s8] =	dma.local @!p0 [hbm:s6], $0xF7A  }
0x23: {  	s9 =	sor.u32 $0xD0000000, s2;
	s6 =	simm.s32 $0x108;
	_ =	swait.ge @!p0 [sflag:s8], $0x0  }
0x24: {  	s3 =	sadd.s32 $0x88, s3;
	s6 =	simm.s32 @!p1 $0x1082;
	[sflag:s4] =	ssyncset.s32 $0xFFFFF086  }
0x25: {  	[simem:s6], [sflag:s4] =	dma.local [hbm:s3], $0xF7A  }
0x26: {  	[smem:$0x3F90] =	sst s1;
	(tag) =	ssettag s2;
	_ =	strace s9  }
0x27: {  	s1 =	sld [smem:$0x3FA0]  }
0x28: {  	s2 =	sld [smem:$0x3FA1]  }
0x29: {  	s4 =	sld [smem:$0x3FA3]  }
0x2a: {  	p0 =	seq.s32 s5, $0x0;
	s5 =	sld [smem:$0x3FA4]  }
0x2b: {  	s6 =	sld [smem:$0x3FA5]  }
0x2c: {  	s7 =	sld [smem:$0x3FA6]  }
0x2d: {  	s3 =	simm.s32 $0x108;
	s8 =	sld [smem:$0x3FA7]  }
0x2e: {  	s3 =	simm.s32 @!p0 $0x1082;
	s9 =	sld [smem:$0x3FA8]  }
0x2f: {  	lr =	sadd.s32 s0, s3;
	s0 =	sld [smem:$0x3F9F]  }
0x30: {  	s3 =	sld [smem:$0x3FA2]  }
0x31: {  	[smem:$0x3FAB] =	sst s10  }
0x32: {  	s10 =	sld [smem:$0x3FA9];
	_ =	sdelay $0x3  }
0x33: {  	p0 =	seq.s32 s10, $0x1;
	s10 =	sld [smem:$0x3FAB];
	_ =	sdelay $0x3  }
0x34: {  	[smem:$0x3FAB] =	sst s10  }
0x35: {  	s10 =	sld [smem:$0x3FAA];
	_ =	sdelay $0x3  }
0x36: {  	p1 =	seq.s32 s10, $0x1;
	s10 =	sld [smem:$0x3FAB];
	_ =	sdelay $0x3  }
0x37: {  	[smem:$0x3FAB] =	sst s10  }
0x38: {  	s10 =	sld [smem:$0x3FAC]  }
0x39: {  	_ = 	snop;
	(pc) =	sbr.ind lr, $3  }
0x3a: {  	_ = 	snop  }
0x3b: {  	_ = 	snop  }
0x3c: {  	p2 =	seq.s32 s10, $0x1;
	s10 =	sld [smem:$0x3FAB]  }
0x3d: {  	_ =	shalt  }
0x3e: {  	_ =	shalt  }
0x3f: {  	_ =	shalt  }
0x40: {  	_ =	shalt  }
0x41: {  	_ =	shalt  }
0x42: {  	_ =	shalt  }
0x43: {  	_ =	shalt  }
0x44: {  	_ =	shalt  }
0x45: {  	_ =	shalt  }
0x46: {  	_ =	shalt  }
0x47: {  	_ =	shalt  }
0x48: {  	_ =	shalt  }
0x49: {  	_ =	shalt  }
0x4a: {  	_ =	shalt  }
0x4b: {  	_ =	shalt  }
0x4c: {  	_ =	shalt  }
0x4d: {  	_ =	shalt  }
0x4e: {  	_ =	shalt  }
0x4f: {  	_ =	shalt  }
0x50: {  	_ =	shalt  }
0x51: {  	_ =	shalt  }
0x52: {  	_ =	shalt  }
0x53: {  	_ =	shalt  }
0x54: {  	_ =	shalt  }
0x55: {  	_ =	shalt  }
0x56: {  	_ =	shalt  }
0x57: {  	_ =	shalt  }
0x58: {  	_ =	shalt  }
0x59: {  	_ =	shalt  }
0x5a: {  	_ =	shalt  }
0x5b: {  	_ =	shalt  }
0x5c: {  	_ =	shalt  }
0x5d: {  	_ =	shalt  }
0x5e: {  	_ =	shalt  }
0x5f: {  	_ =	shalt  }
0x60: {  	_ =	shalt  }
0x61: {  	_ =	shalt  }
0x62: {  	_ =	shalt  }
0x63: {  	_ =	shalt  }
0x64: {  	_ =	shalt  }
0x65: {  	_ =	shalt  }
0x66: {  	_ =	shalt  }
0x67: {  	_ =	shalt  }
0x68: {  	_ =	shalt  }
0x69: {  	_ =	shalt  }
0x6a: {  	_ =	shalt  }
0x6b: {  	_ =	shalt  }
0x6c: {  	_ =	shalt  }
0x6d: {  	_ =	shalt  }
0x6e: {  	_ =	shalt  }
0x6f: {  	_ =	shalt  }
0x70: {  	_ =	shalt  }
0x71: {  	_ =	shalt  }
0x72: {  	_ =	shalt  }
0x73: {  	_ =	shalt  }
0x74: {  	_ =	shalt  }
0x75: {  	_ =	shalt  }
0x76: {  	_ =	shalt  }
0x77: {  	_ =	shalt  }
0x78: {  	_ =	shalt  }
0x79: {  	_ =	shalt  }
0x7a: {  	_ =	shalt  }
0x7b: {  	_ =	shalt  }
0x7c: {  	_ =	shalt  }
0x7d: {  	_ =	shalt  }
0x7e: {  	_ =	shalt  }
0x7f: {  	_ =	shalt  }
0x80: {  	_ =	shalt  }
0x81: {  	_ =	shalt  }
0x82: {  	_ =	shalt  }
0x83: {  	_ =	shalt  }
0x84: {  	_ =	shalt  }
0x85: {  	_ =	shalt  }
0x86: {  	_ =	shalt  }
0x87: {  	_ =	shalt  }
.Lfunc_end0:
.L_simem_size_0:
called_computation.4_lowered:
.L_overlay_start_0:
0x88: {  	s2 =	sld [smem:$0x3FD9]  }
0x89: {  	s3 =	sld [smem:$0x3FFE];
	_ =	sdelay $0x1  }
0x8a: {  	s1 =	srdreg.scid  }
0x8b: {  	s0 =	sand.u32 $0x1, s1  }
0x8c: {  	s16 =	sshll.u32 s0, $0xA;
	s2 =	sadd.s32 s3, s2  }
0x8d: {  	s2 =	sadd.s32 s2, s16  }
0x8e: {  	[smem:$0x3FB7] =	sst s2  }
0x8f: {  	_ = 	snop  }
0x90: {  	(tm) =	ssettm $0x1  }
0x91: {  	s17 =	sld [smem:$0x3FFB];
	_ =	sdelay $0x3  }
0x92: {  	_ =	strace s17  }
0x93: {  	s2 =	sld [smem:$0x3FFC];
	_ =	sdelay $0x3  }
0x94: {  	_ =	strace s2  }
0x95: {  	s2 =	sld [smem:$0x3FFD];
	_ =	sdelay $0x3  }
0x96: {  	_ =	strace s2  }
0x97: {  	_ =	strace $0x8FFFFFFF  }
0x98: {  	s18 =	sld [smem:$0x3FDB];
	_ =	sdelay $0x1  }
0x99: {  	s19 =	simm.s32 $_scs_section_size  }
0x9a: {  	s4 =	simm.s32 $_size__tile_overlayer_lowered;
	s5 =	simm.s32 $_tile_overlayer_lowered  }
0x9b: {  	s22 =	simm.s32 $0x1BFF;
	s21 =	sshll.u32 s5, $0x1;
	s2 =	sadd.s32 s19, s18  }
0x9c: {  	s6 =	simm.s32 $0x0;
	s20 =	sshll.u32 s4, $0x1;
	s4 =	sadd.s32 s21, s2  }
0x9d: {  	[timem:s6], [sflag:s22] =	dma.local [hbm:s4], s20  }
0x9e: {  	_ =	swait.ge [sflag:s22], s20  }
0x9f: {  	s3 =	ssub.s32 $0x0, s20;
	[sflag:s22] =	ssyncset.done $0x0  }
0xa0: {  	[sflag:s22] =	ssyncadd.s32 s3;
	_ =	sdelay $0x1  }
0xa1: {  	s23 =	simm.s32 $0x1B8B  }
0xa2: {  	_ =	swait.ge [sflag:s23], $0x1  }
0xa3: {  	[sflag:s23] =	ssyncset.done $0x0  }
0xa4: {  	s25 =	simm.s32 $0x1B8E;
	s24 =	sld [smem:$0x3FFE];
	[sflag:s23] =	ssyncadd.s32 $0xFFFFFFFF  }
0xa5: {  	s26 =	simm.s32 $execute0_lowered;
	[smem:$0x3FD2] =	sst s25  }
0xa6: {  	s4 =	sshll.u32 s26, $0x1;
	_ =	strace $0x80000052;
	[dreg:$0x1] =	wrdreg $0xFFFFFFFF  }
0xa7: {  	s28 =	simm.s32 $_size_execute0_lowered;
	s2 =	sadd.s32 s2, s4;
	[dreg:$0x0] =	wrdreg $0x0  }
0xa8: {  	s4 =	sshll.u32 s28, $0x1;
	[dreg:$0x2] =	wrdreg s2  }
0xa9: {  	[dreg:$0x3] =	wrdreg s4  }
0xaa: {  	[dreg:$0x4] =	wrdreg $0xC0  }
0xab: {  	_ =	task [dreg:s6], $0x5FFFF  }
0xac: {  	[dreg:$0x1] =	wrdreg $0xFFFFFFFF  }
0xad: {  	[dreg:$0x0] =	wrdreg $0x60  }
0xae: {  	[dreg:$0x2] =	wrdreg s24  }
0xaf: {  	[dreg:$0x3] =	wrdreg $0x81000  }
0xb0: {  	[dreg:$0x4] =	wrdreg $0x9  }
0xb1: {  	_ =	task.clear_ibuf [dreg:s6], $0x5FFFF;
	_ =	strace $0x90000052  }
0xb2: {  	s29 =	simm.s32 $0x9;
	_ =	strace $0x80000054  }
0xb3: {  	_ =	swait.ge [sflag:s29], $0x1  }
0xb4: {  	[sflag:s29] =	ssyncadd.s32 $0xFFFFFFFF  }
0xb5: {  	_ =	strace $0x90000054  }
0xb6: {  	_ =	sfence  }
0xb7: {  	s30 =	sld [smem:$0x0];
	_ =	sdelay $0x2  }
0xb8: {  	s31 =	sshll.u32 s1, $0xD;
	s1 =	sshrl.u32 s1, $0x2  }
0xb9: {  	s3 =	sand.u32 $0x4000, s31;
	s1 =	sadd.s32 s1, s30  }
0xba: {  	s0 =	sor.u32 s3, s0;
	s1 =	sshll.u32 s1, $0x11  }
0xbb: {  	s0 =	sor.u32 s1, s0  }
0xbc: {  	s0 =	sadd.s32 $0x8F2B, s0  }
0xbd: {  	[sflag:s0] =	ssyncadd.remote.s32 $0x1  }
0xbe: {  	_ =	sfence.sel $0xFFFF  }
0xbf: {  	[dreg:$0x0] =	wrdreg $0xFFFFFFFF;
	(pc) =	sbr.abs _section_cstart, $3  }
0xc0: {  	[dreg:$0x1] =	wrdreg $0xFFFFFFFF  }
0xc1: {  	_ =	task.clear_ibuf [dreg:s6], $0x2FFFF;
	_ =	strace $0x9FFFFFFF  }
0xc2: {  	(tm) =	ssettm $0x7FFFFFFF  }
0xc3: {  	_ =	shalt  }
tec
execute0_lowered:
.L_overlay_start_1:
0x0: {  	(tag) =	ssettag $0x1  }
0x1: {  	s8 =	rddreg [dreg:$0x0]  }
0x2: {  	s2 =	rddreg [dreg:$0x1]  }
0x3: {  	s0 =	rddreg [dreg:$0x2];
	s3 =	simm.s32 $0x0;
	s1 =	stileid.u32  }
0x4: {  	s4 =	srdreg.scid;
	s17 =	simm.s32 $0x4100;
	s18 =	simm.s32 $0x100  }
0x5: {  	s19 =	simm.s32 $0x1;
	s24 =	simm.s32 $0x0;
	[smem:$0x7FF] =	sst s3  }
0x6: {  	s9 =	smul.u32 $0x14000, s1;
	s11 =	sand.u32 $0x1, s4;
	s4 =	sadd.s32 $0x1D200, s8  }
0x7: {  	s5 =	sadd.s32 $0x4FF200, s8;
	s6 =	sadd.s32 $0x13400, s8;
	s7 =	sadd.s32 $0x9600, s8  }
0x8: {  	s13 =	smul.u32 $0x50000, s1;
	s30 =	sshll.u32 s1, $0x6;
	p0 =	slt.u32 s1, $0x2  }
0x9: {  	s31 =	sshll.u32 s1, $0x8;
	_ =	strace $0x80000053;
	s10 =	smul.u32 $0x140000, s11  }
0xa: {  	s28 =	ssub.s32 $0x2, s11;
	s11 =	sshll.u32 s11, $0x7;
	s12 =	sshrl.u32 s9, $0x3  }
0xb: {  	s14 =	sshrl.u32 s28, $0x1;
	s29 =	sshrl.u32 s13, $0x2;
	s11 =	sor.u32 s11, s31  }
0xc: {  	s9 =	sadd.s32 s9, s10;
	s12 =	sadd.s32 s12, s8;
	s14 =	ssub.s32 s28, s14  }
0xd: {  	s16 =	sadd.s32 s29, s2;
	s10 =	simm.s32 $0x4F;
	s9 =	sshrl.u32 s9, $0x3  }
0xe: {  	s10 =	simm.s32 @!p0 $0x4E;
	s13 =	smax.u32 s14, $0x1;
	s14 =	sshrl.u32 s16, $0x3  }
0xf: {  	s16 =	simm.s32 $0x80;
	s15 =	sadd.s32 s9, s8;
	s8 =	sadd.s32 $0x44400, s12  }
0x10: {  	s9 =	sor.u32 $0x1C02, s30;
	s12 =	sadd.s32 $0x93600, s15;
	s15 =	simm.s32 $0x2  }
.LBB2_1:
0x11: {  	[spmem:s14], [sflag:s9] =	dma.local [hbm:s8], $0x2800  }
0x12: {  	_ =	swait.ge [sflag:s15], $0x2800  }
0x13: {  	[sflag:s15] =	ssyncset.done $0x0  }
0x14: {  	[sflag:s15] =	ssyncadd.s32 $0xFFFFD800  }
0x15: {  	s20 =	simm.s32 $0x0;
	[bflag:$0x0] =	sbarrier.arrive $0xFFFF  }
.LBB2_2:
0x16: {  	s21 =	sshll.u32 s20, $0xC  }
0x17: {  	s21 =	sor.u32 s11, s21  }
0x18: {  	s22 =	sshrl.u32 s21, $0x3  }
0x19: {  	s23 =	sadd.s32 s6, s22  }
0x1a: {  	[tilespmem:s24], [sflag:$0x2] =	stream.linear.gather [hbm4b:s23+s24], $0x80, $0x38;
	[tilespmem:$0x1C100] =	vst v63  }
0x1b: {  	_ =	swait.ge [sflag:s15], $0x80  }
0x1c: {  	[sflag:s15] =	ssyncset.done $0x0  }
0x1d: {  	s22 =	sadd.s32 s7, s22;
	[sflag:s15] =	ssyncadd.s32 $0xFFFFFF80  }
0x1e: {  	[tilespmem:s16], [sflag:$0x2] =	stream.linear.gather [hbm4b:s22+s24], $0x80, $0x38;
	[tilespmem:$0x1C100] =	vst v63  }
0x1f: {  	_ =	swait.ge [sflag:s15], $0x80  }
0x20: {  	s21 =	sshll.u32 s21, $0x4;
	[sflag:s15] =	ssyncset.done $0x0  }
0x21: {  	s21 =	sadd.s32 s5, s21;
	[sflag:s15] =	ssyncadd.s32 $0xFFFFFF80  }
0x22: {  	[tilespmem:s17], [sflag:$0x2] =	stream.linear.gather [hbm4b:s21+s24], $0x4000, $0x38;
	[tilespmem:$0x1C100] =	vst v63  }
0x23: {  	_ =	swait.ge [sflag:s15], $0x4000  }
0x24: {  	[sflag:s15] =	ssyncset.done $0x0  }
0x25: {  	[sflag:s15] =	ssyncadd.s32 $0xFFFFC000  }
0x26: {  	[tilespmem:s18], [sflag:$0x1] =	stream.indirect.gather [hbm4b:s4+s16], $0x80, s24, s16, $0xb8;
	[tilespmem:$0x1C100] =	vst v63  }
0x27: {  	_ =	swait.ge [sflag:s19], $0x4000  }
0x28: {  	[sflag:s19] =	ssyncset.done $0x0  }
0x29: {  	s21 =	simm.s32 $0x0;
	[sflag:s19] =	ssyncadd.s32 $0xFFFFC000  }
0x2a: {  	v7 =	vld [tilespmem:s21+$0x4100]  }
0x2b: {  	v11 =	vld [tilespmem:s21+$0x4110]  }
0x2c: {  	v5 =	vld [tilespmem:s21+$0x4120]  }
0x2d: {  	v4 =	vld [tilespmem:s21+$0x4130]  }
0x2e: {  	v3 =	vld [tilespmem:s21+$0x4140]  }
0x2f: {  	v2 =	vld [tilespmem:s21+$0x4150]  }
0x30: {  	v1 =	vld [tilespmem:s21+$0x4160]  }
0x31: {  	v0 =	vld [tilespmem:s21+$0x4170]  }
0x32: {  	v12 =	vld [tilespmem:s21+$0x100]  }
0x33: {  	v13 =	vld [tilespmem:s21+$0x110]  }
0x34: {  	v10 =	vld [tilespmem:s21+$0x120]  }
0x35: {  	v9 =	vld [tilespmem:s21+$0x130]  }
0x36: {  	v8 =	vld [tilespmem:s21+$0x140]  }
0x37: {  	v6 =	vld [tilespmem:s21+$0x150];
	v12 =	vmul.f32 v7, v12  }
0x38: {  	s22 =	simm.s32 $0x200;
	v11 =	vmul.f32 v11, v13;
	v7 =	vld [tilespmem:s21+$0x160]  }
.LBB2_3:
0x39: {  	s23 =	sshra.s32 s22, $0x2;
	p0 =	sne.s32 s22, $0xFE00;
	[tilespmem:s21+$0x100] =	vst v12;
	v5 =	vmul.f32 v5, v10;
	v10 =	vld [tilespmem:s21+$0x170]  }
0x3a: {  	v12 =	vld [tilespmem:s23+$0x4100];
	[tilespmem:s21+$0x110] =	vst v11;
	v4 =	vmul.f32 v4, v9  }
0x3b: {  	v11 =	vld [tilespmem:s23+$0x4110];
	[tilespmem:s21+$0x120] =	vst v5;
	v3 =	vmul.f32 v3, v8  }
0x3c: {  	v5 =	vld [tilespmem:s23+$0x4120];
	[tilespmem:s21+$0x130] =	vst v4;
	v2 =	vmul.f32 v2, v6  }
0x3d: {  	v4 =	vld [tilespmem:s23+$0x4130];
	[tilespmem:s21+$0x140] =	vst v3;
	v1 =	vmul.f32 v1, v7  }
0x3e: {  	v3 =	vld [tilespmem:s23+$0x4140];
	[tilespmem:s21+$0x150] =	vst v2;
	v0 =	vmul.f32 v0, v10  }
0x3f: {  	v2 =	vld [tilespmem:s23+$0x4150];
	[tilespmem:s21+$0x160] =	vst v1  }
0x40: {  	v1 =	vld [tilespmem:s23+$0x4160];
	[tilespmem:s21+$0x170] =	vst v0;
	s21 =	smov.u32 s23  }
0x41: {  	v0 =	vld [tilespmem:s21+$0x4170]  }
0x42: {  	v6 =	vld [tilespmem:s21+$0x100]  }
0x43: {  	v7 =	vld [tilespmem:s21+$0x110]  }
.Ltmp0:
0x44: {  	v10 =	vld [tilespmem:s21+$0x120];
	(pc) =	sbr.rel @p0 .LBB2_3-.Ltmp0, $4  }
0x45: {  	v9 =	vld [tilespmem:s21+$0x130]  }
0x46: {  	v8 =	vld [tilespmem:s21+$0x140]  }
0x47: {  	v12 =	vmul.f32 v12, v6;
	v6 =	vld [tilespmem:s21+$0x150]  }
0x48: {  	s22 =	sadd.s32 $0x200, s22;
	v11 =	vmul.f32 v11, v7;
	v7 =	vld [tilespmem:s21+$0x160]  }
0x49: {  	[tilespmem:s21+$0x100] =	vst v12;
	v5 =	vmul.f32 v5, v10;
	v63 =	vld [tilespmem:s21+$0x170]  }
0x4a: {  	[tilespmem:s21+$0x110] =	vst v11;
	v4 =	vmul.f32 v4, v9  }
0x4b: {  	[tilespmem:s21+$0x120] =	vst v5;
	v3 =	vmul.f32 v3, v8  }
0x4c: {  	[tilespmem:s21+$0x130] =	vst v4;
	v2 =	vmul.f32 v2, v6  }
0x4d: {  	[tilespmem:s21+$0x140] =	vst v3;
	v1 =	vmul.f32 v1, v7  }
0x4e: {  	s20 =	sadd.s32 $0x1, s20;
	[tilespmem:s21+$0x150] =	vst v2;
	v0 =	vmul.f32 v0, v63  }
0x4f: {  	p0 =	sne.s32 s20, s10;
	[tilespmem:s21+$0x160] =	vst v1  }
.Ltmp1:
0x50: {  	[tilespmem:s21+$0x170] =	vst v0;
	(pc) =	sbr.rel @p0 .LBB2_2-.Ltmp1, $4  }
0x51: {  	[spmem:s2] =	stream.indirect.scatter.add.f32 [tilespmem:s18], [sflag:$0x2], $0x80, s16, s16, $0xb8;
	[tilespmem:$0x1C100] =	vst v63  }
0x52: {  	_ =	swait.ge [sflag:s15], $0x4000  }
0x53: {  	[sflag:s15] =	ssyncset.done $0x0  }
0x54: {  	[sflag:s15] =	ssyncadd.s32 $0xFFFFC000  }
0x55: {  	s3 =	sadd.s32 $0x1, s3  }
0x56: {  	p0 =	sne.s32 s3, s13  }
.Ltmp2:
0x57: {  	[bflag:$0x0] =	sbarrier.arrive $0xFFFF;
	(pc) =	sbr.rel @p0 .LBB2_1-.Ltmp2, $4  }
0x58: {  	[hbm:s12], [sflag:s9] =	dma.local [spmem:s14], $0x2800  }
0x59: {  	_ =	swait.ge [sflag:s15], $0x2800  }
0x5a: {  	[sflag:s15] =	ssyncset.done $0x0  }
0x5b: {  	[sflag:s15] =	ssyncadd.s32 $0xFFFFD800  }
0x5c: {  	_ =	sfence.sel $0x180000  }
0x5d: {  	[bflag:$0x0] =	sbarrier.arrive $0xFFFF  }
0x5e: {  	p0 =	sne.s32 s1, $0x0;
	_ =	strace $0x90000053  }
0x5f: {  	s0 =	sadd.s32 @!p0 $0x100000, s0;
	[bflag:$0x2] =	sbarrier.arrive $0xFFFF  }
0x60: {  	[sflag:s0] =	ssyncadd.tile.s32 @!p0 $0x1;
	_ =	shalt  }
.Lfunc_end2:
_tile_overlayer_lowered:
.L_overlay_start_2:
0x61: {  	(tag) =	ssettag $0x2  }
0x62: {  	s0 =	rddreg [dreg:$0x0];
	s2 =	stileid.u32  }
0x63: {  	s1 =	rddreg [dreg:$0x1];
	p0 =	sne.s32 s2, $0x0  }
0x64: {  	s3 =	rddreg [dreg:$0x2];
	[bflag:$0x3] =	sbarrier.arrive $0xFFFF;
	s2 =	simm.s32 @!p0 $0x1C02  }
0x65: {  	[timem:s3], [sflag:s2] =	dma.local @!p0 [hbm:s0], s1  }
0x66: {  	s0 =	simm.s32 @!p0 $0x2  }
0x67: {  	_ =	swait.ge @!p0 [sflag:s0], s1  }
0x68: {  	s1 =	ssub.s32 @!p0 $0x0, s1;
	[sflag:s0] =	ssyncset.done @!p0 $0x0  }
0x69: {  	[sflag:s0] =	ssyncadd.s32 @!p0 s1  }
0x6a: {  	[bflag:$0x3] =	sbarrier.arrive $0xFFFF  }
0x6b: {  	_ =	shalt  }

</sc_bundles>
